<compile_context>
chip_gen: v7x
topology: tpu7x:2x2x1
jax: 0.10.2.dev20260603
libtpu: 0.0.44.dev20260713+nightly
codegen_flags: <defaults>
</compile_context>

<pallas_src>
import functools

import jax
import jax.numpy as jnp
from jax import lax
from jax.experimental import pallas as pl
from jax.experimental.pallas import tpu as pltpu
from jax.experimental.pallas import tpu_sc as plsc

NC = 2
NS = 16
LCH = 128


def _make_agg(n, d, n_pad, e):
  nw = NC * NS
  assert e % LCH == 0
  ch_total = e // LCH
  ch_lo = ch_total // nw
  n_hi = ch_total - ch_lo * nw
  ch_hi = ch_lo + (1 if n_hi else 0)
  chp = (ch_hi + 1) // 2
  rows_per_tile = n_pad // NS

  mesh = plsc.VectorSubcoreMesh(
      core_axis_name="c", subcore_axis_name="s",
      num_cores=NC, num_subcores=NS)

  @functools.partial(
      pl.kernel,
      out_type=jax.ShapeDtypeStruct((NC, n_pad, d), jnp.float32),
      mesh=mesh,
      scratch_types=[
          pltpu.VMEM((2, chp * LCH), jnp.int32),
          pltpu.VMEM((LCH, d), jnp.float32),
          pltpu.VMEM((LCH, d), jnp.float32),
          pltpu.VMEM_SHARED((n_pad, d), jnp.float32),
          pltpu.SemaphoreType.DMA,
          pltpu.SemaphoreType.DMA,
      ],
  )
  def agg_kernel(h_hbm, ei_hbm, out_hbm,
                 idx, buf_a, buf_b, acc, sem_a, sem_b):
    c = lax.axis_index("c")
    s = lax.axis_index("s")

    zv = jnp.zeros((16,), jnp.float32)

    @pl.loop(0, LCH)
    def _(r):
      for k in range(d // 16):
        buf_a[r, pl.ds(k * 16, 16)] = zv

    zbase = s * rows_per_tile
    zfull, zrem = divmod(rows_per_tile, LCH)
    for b in range(zfull):
      pltpu.sync_copy(buf_a, acc.at[pl.ds(zbase + b * LCH, LCH)])
    if zrem:
      pltpu.sync_copy(buf_a.at[pl.ds(0, zrem)],
                      acc.at[pl.ds(zbase + zfull * LCH, zrem)])
    plsc.subcore_barrier()

    r_c = n_hi // NC + jnp.where(c < n_hi % NC, 1, 0)
    core_base = c * NS * ch_lo + c * (n_hi // NC) + jnp.minimum(c, n_hi % NC)
    extra = s < r_c
    start = pl.multiple_of(
        (core_base
         + jnp.where(extra, s * ch_hi, r_c * ch_hi + (s - r_c) * ch_lo))
        * LCH, LCH)

    def stage(phase_start, nrows):
      pltpu.sync_copy(ei_hbm.at[:, pl.ds(start + phase_start * LCH,
                                         nrows * LCH)],
                      idx.at[:, pl.ds(0, nrows * LCH)])

    def gather(j, buf, sem):
      half = LCH // 2
      pltpu.async_copy(h_hbm.at[idx.at[0, pl.ds(j * LCH, half)]],
                       buf.at[pl.ds(0, half)], sem)
      pltpu.async_copy(h_hbm.at[idx.at[0, pl.ds(j * LCH + half, half)]],
                       buf.at[pl.ds(half, half)], sem)

    def wait(buf, sem):
      pltpu.make_async_copy(h_hbm.at[pl.ds(0, LCH)], buf, sem).wait()

    def scatter_add(j, buf):
      pltpu.sync_copy(buf, acc.at[idx.at[1, pl.ds(j * LCH, LCH)]], add=True)

    def run_phase(nch):
      gather(0, buf_a, sem_a)

      @pl.loop(0, nch, step=2)
      def _(g):
        gather(g + 1, buf_b, sem_b)
        wait(buf_a, sem_a)
        scatter_add(g, buf_a)

        @pl.when(g + 2 < nch)
        def _():
          gather(g + 2, buf_a, sem_a)

        wait(buf_b, sem_b)
        scatter_add(g + 1, buf_b)

    def run_tail(j):
      gather(j, buf_a, sem_a)
      wait(buf_a, sem_a)
      scatter_add(j, buf_a)

    assert chp % 2 == 0 and ch_lo >= chp
    stage(0, chp)
    run_phase(chp)

    r_lo, r_hi = ch_lo - chp, ch_hi - chp

    @pl.when(extra)
    def _():
      stage(chp, r_hi)
      run_phase(r_hi - (r_hi % 2))
      if r_hi % 2:
        run_tail(r_hi - 1)

    @pl.when(jnp.logical_not(extra))
    def _():
      if r_lo:
        stage(chp, r_lo)
        run_phase(r_lo - (r_lo % 2))
        if r_lo % 2:
          run_tail(r_lo - 1)

    plsc.subcore_barrier()
    pltpu.sync_copy(acc.at[pl.ds(s * rows_per_tile, rows_per_tile)],
                    out_hbm.at[c, pl.ds(s * rows_per_tile, rows_per_tile)])

  return agg_kernel


def _mlp1_body(x_ref, p_ref, w1_ref, b1_ref, w2_ref, b2_ref, o_ref):
  z = x_ref[...] + p_ref[0] + p_ref[1]
  t = jnp.dot(z, w1_ref[...], preferred_element_type=jnp.float32)
  t = jnp.maximum(t + b1_ref[...], 0.0)
  h = jnp.dot(t, w2_ref[...], preferred_element_type=jnp.float32)
  o_ref[...] = jnp.maximum(h + b2_ref[...], 0.0)


def _mlp2_body(h_ref, q_ref, w1_ref, b1_ref, w2_ref, b2_ref,
               wc_ref, bc_ref, o_ref):
  z = h_ref[...] + q_ref[0] + q_ref[1]
  t = jnp.dot(z, w1_ref[...], preferred_element_type=jnp.float32)
  t = jnp.maximum(t + b1_ref[...], 0.0)
  h2 = jnp.dot(t, w2_ref[...], preferred_element_type=jnp.float32)
  h2 = jnp.maximum(h2 + b2_ref[...], 0.0)
  o = jnp.dot(h2, wc_ref[...], preferred_element_type=jnp.float32)
  o_ref[...] = o + bc_ref[...]


def _full_spec(shape):
  return pl.BlockSpec(shape, lambda i: (0,) * len(shape))


def _mlp1_call(x, p, w1, b1, w2, b2, bm):
  n, d = x.shape
  h = w1.shape[1]
  grid = (n // bm,)
  return pl.pallas_call(
      _mlp1_body,
      grid=grid,
      in_specs=[
          pl.BlockSpec((bm, d), lambda i: (i, 0)),
          pl.BlockSpec((NC, bm, d), lambda i: (0, i, 0)),
          _full_spec(w1.shape),
          _full_spec((1, h)),
          _full_spec(w2.shape),
          _full_spec((1, h)),
      ],
      out_specs=pl.BlockSpec((bm, h), lambda i: (i, 0)),
      out_shape=jax.ShapeDtypeStruct((n, h), jnp.float32),
  )(x, p, w1, b1.reshape(1, -1), w2, b2.reshape(1, -1))


def _mlp2_call(hh, q, w1, b1, w2, b2, wc, bc, bm):
  n, d = hh.shape
  h = w1.shape[1]
  c = wc.shape[1]
  grid = (n // bm,)
  return pl.pallas_call(
      _mlp2_body,
      grid=grid,
      in_specs=[
          pl.BlockSpec((bm, d), lambda i: (i, 0)),
          pl.BlockSpec((NC, bm, d), lambda i: (0, i, 0)),
          _full_spec(w1.shape),
          _full_spec((1, h)),
          _full_spec(w2.shape),
          _full_spec((1, h)),
          _full_spec(wc.shape),
          _full_spec((1, c)),
      ],
      out_specs=pl.BlockSpec((bm, c), lambda i: (i, 0)),
      out_shape=jax.ShapeDtypeStruct((n, c), jnp.float32),
  )(hh, q, w1, b1.reshape(1, -1), w2, b2.reshape(1, -1),
    wc, bc.reshape(1, -1))


def kernel(x, edge_index, W11, b11, W12, b12, W21, b21, W22, b22, Wc, bc):
  n, d = x.shape
  e = edge_index.shape[1]
  n_pad = -(-n // (NS * 8)) * (NS * 8)

  ei = edge_index.astype(jnp.int32)
  padded = bool(e % LCH)
  if padded:
    pad = LCH - e % LCH
    ei = jnp.concatenate(
        [ei, jnp.stack([jnp.full((pad,), n, jnp.int32),
                        jnp.arange(pad, dtype=jnp.int32) * 523 % n])],
        axis=1)
    e = e + pad

  def table(t):
    if padded:
      return jnp.concatenate([t, jnp.zeros((1, d), t.dtype)], axis=0)
    return t

  agg = _make_agg(n, d, n_pad, e)
  bm = 5000 if n % 5000 == 0 else 2000

  p1 = agg(table(x), ei)
  h1 = _mlp1_call(x, p1, W11, b11, W12, b12, bm)
  p2 = agg(table(h1), ei)
  return _mlp2_call(h1, p2, W21, b21, W22, b22, Wc, bc, bm)

# --- scband reference (transcript-rebuilt; emitter-appended) ---
"""Pipeline reference for scband-ginmodel-71227737636882 (READ-ONLY COPY).

The authoritative reference and input builder live on the scoring server;
editing this copy changes nothing except your own understanding.
"""

import jax, jax.numpy as jnp
import numpy as np

N = 10000
E = 320000
D = 128
H1 = 128
H2 = 128
C = 16


def setup_inputs(seed: int = 0) -> dict:
    key = jax.random.key(seed)
    ks = jax.random.split(key, 12)
    x = jax.random.normal(ks[0], (N, D), dtype=jnp.float32)
    edge_index = jax.random.randint(ks[1], (2, E), 0, N, dtype=jnp.int64)
    def lin(k, fan_in, fan_out):
        k1, k2 = jax.random.split(k)
        bound = 1.0 / np.sqrt(fan_in)
        W = jax.random.uniform(k1, (fan_in, fan_out), minval=-bound, maxval=bound, dtype=jnp.float32)
        b = jax.random.uniform(k2, (fan_out,), minval=-bound, maxval=bound, dtype=jnp.float32)
        return W, b
    W11, b11 = lin(ks[2], D, H1)
    W12, b12 = lin(ks[3], H1, H1)
    W21, b21 = lin(ks[4], H1, H2)
    W22, b22 = lin(ks[5], H2, H2)
    Wc, bc = lin(ks[6], H2, C)
    return {"x": x, "edge_index": edge_index, "W11": W11, "b11": b11, "W12": W12, "b12": b12, "W21": W21, "b21": b21, "W22": W22, "b22": b22, "Wc": Wc, "bc": bc}


def reference(x, edge_index, W11, b11, W12, b12, W21, b21, W22, b22, Wc, bc):
    src = edge_index[0]
    dst = edge_index[1]

    def gin_conv(h, W1, b1, W2, b2):
        # sum aggregation of neighbor messages, eps=0 (PyG GINConv default)
        agg = jnp.zeros_like(h).at[dst].add(h[src])
        z = h + agg
        z = jnp.maximum(z @ W1 + b1, 0.0)
        return z @ W2 + b2

    h = gin_conv(x, W11, b11, W12, b12)
    h = jnp.maximum(h, 0.0)  # dropout p=0.0 -> identity
    h = gin_conv(h, W21, b21, W22, b22)
    h = jnp.maximum(h, 0.0)
    out = h @ Wc + bc
    return out

if __name__ == "__main__":
    import jax
    _d = setup_inputs()
    print(jax.jit(kernel)(*tuple(_d.values())))

</pallas_src>

<mosaic_0001>
#map = affine_map<(d0, d1) -> (0, 0)>
#map1 = affine_map<(d0, d1) -> (0, 0, 0)>
module attributes {stable_mosaic.version = 14 : i64} {
  func.func @agg_kernel(%arg0: i32, %arg1: i32, %arg2: memref<10000x128xf32, #tpu.memory_space<hbm>>, %arg3: memref<2x320000xi32, #tpu.memory_space<hbm>>, %arg4: memref<2x10112x128xf32, #tpu.memory_space<hbm>>, %arg5: memref<2x5120xi32, #tpu.memory_space<vmem>>, %arg6: memref<128x128xf32, #tpu.memory_space<vmem>>, %arg7: memref<128x128xf32, #tpu.memory_space<vmem>>, %arg8: memref<10112x128xf32, #tpu.memory_space<vmem_shared>>, %arg9: memref<!tpu.dma_semaphore, #tpu.memory_space<semaphore_mem>>, %arg10: memref<!tpu.dma_semaphore, #tpu.memory_space<semaphore_mem>>) attributes {dimension_semantics = [#tpu.dimension_semantics<core_parallel>, #tpu.dimension_semantics<subcore_parallel>], iteration_bounds = array<i64: 2, 16>, scalar_prefetch = 0 : i64, scratch_operands = 6 : i64, tpu.core_type = #tpu.core_type<sc_vector_subcore>, window_params = [{transform_indices = #map}, {transform_indices = #map}, {transform_indices = #map1}]} {
    %broadcast_in_dim3A = arith.constant 0.000000e+00 : f32
    %broadcast_in_dim3A_0 = vector.broadcast %broadcast_in_dim3A : f32 to vector<16xf32>
    %scan3A = arith.constant 0 : i32
    %scan3A_1 = arith.constant 128 : i32
    %scan3A_2 = arith.addi %scan3A, %scan3A_1 : i32
    %scan3A_3 = arith.constant 1 : i32
    scf.for %scan3A_76 = %scan3A to %scan3A_2 step %scan3A_3  : i32 {
      %mul3A_77 = arith.constant 1 : i32
      %mul3A_78 = arith.muli %scan3A_76, %mul3A_77 : i32
      %add3A_79 = arith.constant 0 : i32
      %add3A_80 = arith.addi %add3A_79, %mul3A_78 : i32
      %swap3A = arith.index_cast %add3A_80 : i32 to index
      %swap3A_81 = arith.constant 0 : index
      %swap3A_82 = tpu.vector_load %arg6[%swap3A, %swap3A_81] {strides = array<i32>} : memref<128x128xf32, #tpu.memory_space<vmem>>, vector<1x16xf32>,
      %swap3A_83 = vector.shape_cast %swap3A_82 : vector<1x16xf32> to vector<16xf32>
      %swap3A_84 = vector.shape_cast %broadcast_in_dim3A_0 : vector<16xf32> to vector<1x16xf32>
      tpu.vector_store %arg6[%swap3A, %swap3A_81], %swap3A_84 {strides = array<i32>} : memref<128x128xf32, #tpu.memory_space<vmem>>, vector<1x16xf32>,
      %swap3A_85 = arith.index_cast %add3A_80 : i32 to index
      %swap3A_86 = arith.constant 16 : index
      %swap3A_87 = tpu.vector_load %arg6[%swap3A_85, %swap3A_86] {strides = array<i32>} : memref<128x128xf32, #tpu.memory_space<vmem>>, vector<1x16xf32>,
      %swap3A_88 = vector.shape_cast %swap3A_87 : vector<1x16xf32> to vector<16xf32>
      %swap3A_89 = vector.shape_cast %broadcast_in_dim3A_0 : vector<16xf32> to vector<1x16xf32>
      tpu.vector_store %arg6[%swap3A_85, %swap3A_86], %swap3A_89 {strides = array<i32>} : memref<128x128xf32, #tpu.memory_space<vmem>>, vector<1x16xf32>,
      %swap3A_90 = arith.index_cast %add3A_80 : i32 to index
      %swap3A_91 = arith.constant 32 : index
      %swap3A_92 = tpu.vector_load %arg6[%swap3A_90, %swap3A_91] {strides = array<i32>} : memref<128x128xf32, #tpu.memory_space<vmem>>, vector<1x16xf32>,
      %swap3A_93 = vector.shape_cast %swap3A_92 : vector<1x16xf32> to vector<16xf32>
      %swap3A_94 = vector.shape_cast %broadcast_in_dim3A_0 : vector<16xf32> to vector<1x16xf32>
      tpu.vector_store %arg6[%swap3A_90, %swap3A_91], %swap3A_94 {strides = array<i32>} : memref<128x128xf32, #tpu.memory_space<vmem>>, vector<1x16xf32>,
      %swap3A_95 = arith.index_cast %add3A_80 : i32 to index
      %swap3A_96 = arith.constant 48 : index
      %swap3A_97 = tpu.vector_load %arg6[%swap3A_95, %swap3A_96] {strides = array<i32>} : memref<128x128xf32, #tpu.memory_space<vmem>>, vector<1x16xf32>,
      %swap3A_98 = vector.shape_cast %swap3A_97 : vector<1x16xf32> to vector<16xf32>
      %swap3A_99 = vector.shape_cast %broadcast_in_dim3A_0 : vector<16xf32> to vector<1x16xf32>
      tpu.vector_store %arg6[%swap3A_95, %swap3A_96], %swap3A_99 {strides = array<i32>} : memref<128x128xf32, #tpu.memory_space<vmem>>, vector<1x16xf32>,
      %swap3A_100 = arith.index_cast %add3A_80 : i32 to index
      %swap3A_101 = arith.constant 64 : index
      %swap3A_102 = tpu.vector_load %arg6[%swap3A_100, %swap3A_101] {strides = array<i32>} : memref<128x128xf32, #tpu.memory_space<vmem>>, vector<1x16xf32>,
      %swap3A_103 = vector.shape_cast %swap3A_102 : vector<1x16xf32> to vector<16xf32>
      %swap3A_104 = vector.shape_cast %broadcast_in_dim3A_0 : vector<16xf32> to vector<1x16xf32>
      tpu.vector_store %arg6[%swap3A_100, %swap3A_101], %swap3A_104 {strides = array<i32>} : memref<128x128xf32, #tpu.memory_space<vmem>>, vector<1x16xf32>,
      %swap3A_105 = arith.index_cast %add3A_80 : i32 to index
      %swap3A_106 = arith.constant 80 : index
      %swap3A_107 = tpu.vector_load %arg6[%swap3A_105, %swap3A_106] {strides = array<i32>} : memref<128x128xf32, #tpu.memory_space<vmem>>, vector<1x16xf32>,
      %swap3A_108 = vector.shape_cast %swap3A_107 : vector<1x16xf32> to vector<16xf32>
      %swap3A_109 = vector.shape_cast %broadcast_in_dim3A_0 : vector<16xf32> to vector<1x16xf32>
      tpu.vector_store %arg6[%swap3A_105, %swap3A_106], %swap3A_109 {strides = array<i32>} : memref<128x128xf32, #tpu.memory_space<vmem>>, vector<1x16xf32>,
      %swap3A_110 = arith.index_cast %add3A_80 : i32 to index
      %swap3A_111 = arith.constant 96 : index
      %swap3A_112 = tpu.vector_load %arg6[%swap3A_110, %swap3A_111] {strides = array<i32>} : memref<128x128xf32, #tpu.memory_space<vmem>>, vector<1x16xf32>,
      %swap3A_113 = vector.shape_cast %swap3A_112 : vector<1x16xf32> to vector<16xf32>
      %swap3A_114 = vector.shape_cast %broadcast_in_dim3A_0 : vector<16xf32> to vector<1x16xf32>
      tpu.vector_store %arg6[%swap3A_110, %swap3A_111], %swap3A_114 {strides = array<i32>} : memref<128x128xf32, #tpu.memory_space<vmem>>, vector<1x16xf32>,
      %swap3A_115 = arith.index_cast %add3A_80 : i32 to index
      %swap3A_116 = arith.constant 112 : index
      %swap3A_117 = tpu.vector_load %arg6[%swap3A_115, %swap3A_116] {strides = array<i32>} : memref<128x128xf32, #tpu.memory_space<vmem>>, vector<1x16xf32>,
      %swap3A_118 = vector.shape_cast %swap3A_117 : vector<1x16xf32> to vector<16xf32>
      %swap3A_119 = vector.shape_cast %broadcast_in_dim3A_0 : vector<16xf32> to vector<1x16xf32>
      tpu.vector_store %arg6[%swap3A_115, %swap3A_116], %swap3A_119 {strides = array<i32>} : memref<128x128xf32, #tpu.memory_space<vmem>>, vector<1x16xf32>,
    }
    %scan3A_4 = arith.constant 128 : i32
    %mul3A = arith.constant 632 : i32
    %mul3A_5 = arith.muli %arg1, %mul3A : i32
    %add3A = arith.constant 0 : i32
    %add3A_6 = arith.addi %mul3A_5, %add3A : i32
    "tpu.region"() ({
      %run_scoped3A = tpu.sem_alloc : memref<!tpu.dma_semaphore, #tpu.memory_space<semaphore_mem>>
      %dma_start3A_76 = arith.constant 0 : i32
      %dma_start3A_77 = tpu.memref_slice %arg8[%add3A_6, %dma_start3A_76] : memref<10112x128xf32, #tpu.memory_space<vmem_shared>> -> memref<128x128xf32, #tpu.memory_space<vmem_shared>>
      %dma_start3A_78 = arith.constant 0 : i32
      %dma_start3A_79 = tpu.memref_slice %arg8[%add3A_6, %dma_start3A_78] : memref<10112x128xf32, #tpu.memory_space<vmem_shared>> -> memref<128x128xf32, #tpu.memory_space<vmem_shared>>
      tpu.enqueue_dma source(%arg6 : memref<128x128xf32, #tpu.memory_space<vmem>>) target(%dma_start3A_79 : memref<128x128xf32, #tpu.memory_space<vmem_shared>>) target_semaphore(%run_scoped3A : memref<!tpu.dma_semaphore, #tpu.memory_space<semaphore_mem>>)
      %dma_wait3A = arith.constant 0 : i32
      %dma_wait3A_80 = tpu.memref_slice %arg8[%add3A_6, %dma_wait3A] : memref<10112x128xf32, #tpu.memory_space<vmem_shared>> -> memref<128x128xf32, #tpu.memory_space<vmem_shared>>
      %dma_wait3A_81 = arith.constant 0 : i32
      %dma_wait3A_82 = tpu.memref_slice %arg8[%add3A_6, %dma_wait3A_81] : memref<10112x128xf32, #tpu.memory_space<vmem_shared>> -> memref<128x128xf32, #tpu.memory_space<vmem_shared>>
      tpu.wait_dma2 semaphore(%run_scoped3A : memref<!tpu.dma_semaphore, #tpu.memory_space<semaphore_mem>>) src(%arg6 : memref<128x128xf32, #tpu.memory_space<vmem>>) dst(%dma_wait3A_82 : memref<128x128xf32, #tpu.memory_space<vmem_shared>>)
      tpu.yield
    }) : () -> ()
    %add3A_7 = arith.constant 128 : i32
    %add3A_8 = arith.addi %mul3A_5, %add3A_7 : i32
    "tpu.region"() ({
      %run_scoped3A = tpu.sem_alloc : memref<!tpu.dma_semaphore, #tpu.memory_space<semaphore_mem>>
      %dma_start3A_76 = arith.constant 0 : i32
      %dma_start3A_77 = tpu.memref_slice %arg8[%add3A_8, %dma_start3A_76] : memref<10112x128xf32, #tpu.memory_space<vmem_shared>> -> memref<128x128xf32, #tpu.memory_space<vmem_shared>>
      %dma_start3A_78 = arith.constant 0 : i32
      %dma_start3A_79 = tpu.memref_slice %arg8[%add3A_8, %dma_start3A_78] : memref<10112x128xf32, #tpu.memory_space<vmem_shared>> -> memref<128x128xf32, #tpu.memory_space<vmem_shared>>
      tpu.enqueue_dma source(%arg6 : memref<128x128xf32, #tpu.memory_space<vmem>>) target(%dma_start3A_79 : memref<128x128xf32, #tpu.memory_space<vmem_shared>>) target_semaphore(%run_scoped3A : memref<!tpu.dma_semaphore, #tpu.memory_space<semaphore_mem>>)
      %dma_wait3A = arith.constant 0 : i32
      %dma_wait3A_80 = tpu.memref_slice %arg8[%add3A_8, %dma_wait3A] : memref<10112x128xf32, #tpu.memory_space<vmem_shared>> -> memref<128x128xf32, #tpu.memory_space<vmem_shared>>
      %dma_wait3A_81 = arith.constant 0 : i32
      %dma_wait3A_82 = tpu.memref_slice %arg8[%add3A_8, %dma_wait3A_81] : memref<10112x128xf32, #tpu.memory_space<vmem_shared>> -> memref<128x128xf32, #tpu.memory_space<vmem_shared>>
      tpu.wait_dma2 semaphore(%run_scoped3A : memref<!tpu.dma_semaphore, #tpu.memory_space<semaphore_mem>>) src(%arg6 : memref<128x128xf32, #tpu.memory_space<vmem>>) dst(%dma_wait3A_82 : memref<128x128xf32, #tpu.memory_space<vmem_shared>>)
      tpu.yield
    }) : () -> ()
    %add3A_9 = arith.constant 256 : i32
    %add3A_10 = arith.addi %mul3A_5, %add3A_9 : i32
    "tpu.region"() ({
      %run_scoped3A = tpu.sem_alloc : memref<!tpu.dma_semaphore, #tpu.memory_space<semaphore_mem>>
      %dma_start3A_76 = arith.constant 0 : i32
      %dma_start3A_77 = tpu.memref_slice %arg8[%add3A_10, %dma_start3A_76] : memref<10112x128xf32, #tpu.memory_space<vmem_shared>> -> memref<128x128xf32, #tpu.memory_space<vmem_shared>>
      %dma_start3A_78 = arith.constant 0 : i32
      %dma_start3A_79 = tpu.memref_slice %arg8[%add3A_10, %dma_start3A_78] : memref<10112x128xf32, #tpu.memory_space<vmem_shared>> -> memref<128x128xf32, #tpu.memory_space<vmem_shared>>
      tpu.enqueue_dma source(%arg6 : memref<128x128xf32, #tpu.memory_space<vmem>>) target(%dma_start3A_79 : memref<128x128xf32, #tpu.memory_space<vmem_shared>>) target_semaphore(%run_scoped3A : memref<!tpu.dma_semaphore, #tpu.memory_space<semaphore_mem>>)
      %dma_wait3A = arith.constant 0 : i32
      %dma_wait3A_80 = tpu.memref_slice %arg8[%add3A_10, %dma_wait3A] : memref<10112x128xf32, #tpu.memory_space<vmem_shared>> -> memref<128x128xf32, #tpu.memory_space<vmem_shared>>
      %dma_wait3A_81 = arith.constant 0 : i32
      %dma_wait3A_82 = tpu.memref_slice %arg8[%add3A_10, %dma_wait3A_81] : memref<10112x128xf32, #tpu.memory_space<vmem_shared>> -> memref<128x128xf32, #tpu.memory_space<vmem_shared>>
      tpu.wait_dma2 semaphore(%run_scoped3A : memref<!tpu.dma_semaphore, #tpu.memory_space<semaphore_mem>>) src(%arg6 : memref<128x128xf32, #tpu.memory_space<vmem>>) dst(%dma_wait3A_82 : memref<128x128xf32, #tpu.memory_space<vmem_shared>>)
      tpu.yield
    }) : () -> ()
    %add3A_11 = arith.constant 384 : i32
    %add3A_12 = arith.addi %mul3A_5, %add3A_11 : i32
    "tpu.region"() ({
      %run_scoped3A = tpu.sem_alloc : memref<!tpu.dma_semaphore, #tpu.memory_space<semaphore_mem>>
      %dma_start3A_76 = arith.constant 0 : i32
      %dma_start3A_77 = tpu.memref_slice %arg8[%add3A_12, %dma_start3A_76] : memref<10112x128xf32, #tpu.memory_space<vmem_shared>> -> memref<128x128xf32, #tpu.memory_space<vmem_shared>>
      %dma_start3A_78 = arith.constant 0 : i32
      %dma_start3A_79 = tpu.memref_slice %arg8[%add3A_12, %dma_start3A_78] : memref<10112x128xf32, #tpu.memory_space<vmem_shared>> -> memref<128x128xf32, #tpu.memory_space<vmem_shared>>
      tpu.enqueue_dma source(%arg6 : memref<128x128xf32, #tpu.memory_space<vmem>>) target(%dma_start3A_79 : memref<128x128xf32, #tpu.memory_space<vmem_shared>>) target_semaphore(%run_scoped3A : memref<!tpu.dma_semaphore, #tpu.memory_space<semaphore_mem>>)
      %dma_wait3A = arith.constant 0 : i32
      %dma_wait3A_80 = tpu.memref_slice %arg8[%add3A_12, %dma_wait3A] : memref<10112x128xf32, #tpu.memory_space<vmem_shared>> -> memref<128x128xf32, #tpu.memory_space<vmem_shared>>
      %dma_wait3A_81 = arith.constant 0 : i32
      %dma_wait3A_82 = tpu.memref_slice %arg8[%add3A_12, %dma_wait3A_81] : memref<10112x128xf32, #tpu.memory_space<vmem_shared>> -> memref<128x128xf32, #tpu.memory_space<vmem_shared>>
      tpu.wait_dma2 semaphore(%run_scoped3A : memref<!tpu.dma_semaphore, #tpu.memory_space<semaphore_mem>>) src(%arg6 : memref<128x128xf32, #tpu.memory_space<vmem>>) dst(%dma_wait3A_82 : memref<128x128xf32, #tpu.memory_space<vmem_shared>>)
      tpu.yield
    }) : () -> ()
    %add3A_13 = arith.constant 512 : i32
    %add3A_14 = arith.addi %mul3A_5, %add3A_13 : i32
    "tpu.region"() ({
      %run_scoped3A = tpu.sem_alloc : memref<!tpu.dma_semaphore, #tpu.memory_space<semaphore_mem>>
      %dma_start3A_76 = arith.constant 0 : i32
      %dma_start3A_77 = arith.constant 0 : i32
      %dma_start3A_78 = tpu.memref_slice %arg6[%dma_start3A_76, %dma_start3A_77] : memref<128x128xf32, #tpu.memory_space<vmem>> -> memref<120x128xf32, #tpu.memory_space<vmem>>
      %dma_start3A_79 = arith.constant 0 : i32
      %dma_start3A_80 = tpu.memref_slice %arg8[%add3A_14, %dma_start3A_79] : memref<10112x128xf32, #tpu.memory_space<vmem_shared>> -> memref<120x128xf32, #tpu.memory_space<vmem_shared>>
      %dma_start3A_81 = arith.constant 0 : i32
      %dma_start3A_82 = tpu.memref_slice %arg8[%add3A_14, %dma_start3A_81] : memref<10112x128xf32, #tpu.memory_space<vmem_shared>> -> memref<120x128xf32, #tpu.memory_space<vmem_shared>>
      %dma_start3A_83 = arith.constant 0 : i32
      %dma_start3A_84 = arith.constant 0 : i32
      %dma_start3A_85 = tpu.memref_slice %arg6[%dma_start3A_83, %dma_start3A_84] : memref<128x128xf32, #tpu.memory_space<vmem>> -> memref<120x128xf32, #tpu.memory_space<vmem>>
      tpu.enqueue_dma source(%dma_start3A_85 : memref<120x128xf32, #tpu.memory_space<vmem>>) target(%dma_start3A_82 : memref<120x128xf32, #tpu.memory_space<vmem_shared>>) target_semaphore(%run_scoped3A : memref<!tpu.dma_semaphore, #tpu.memory_space<semaphore_mem>>)
      %dma_wait3A = arith.constant 0 : i32
      %dma_wait3A_86 = arith.constant 0 : i32
      %dma_wait3A_87 = tpu.memref_slice %arg6[%dma_wait3A, %dma_wait3A_86] : memref<128x128xf32, #tpu.memory_space<vmem>> -> memref<120x128xf32, #tpu.memory_space<vmem>>
      %dma_wait3A_88 = arith.constant 0 : i32
      %dma_wait3A_89 = tpu.memref_slice %arg8[%add3A_14, %dma_wait3A_88] : memref<10112x128xf32, #tpu.memory_space<vmem_shared>> -> memref<120x128xf32, #tpu.memory_space<vmem_shared>>
      %dma_wait3A_90 = arith.constant 0 : i32
      %dma_wait3A_91 = tpu.memref_slice %arg8[%add3A_14, %dma_wait3A_90] : memref<10112x128xf32, #tpu.memory_space<vmem_shared>> -> memref<120x128xf32, #tpu.memory_space<vmem_shared>>
      %dma_wait3A_92 = arith.constant 0 : i32
      %dma_wait3A_93 = arith.constant 0 : i32
      %dma_wait3A_94 = tpu.memref_slice %arg6[%dma_wait3A_92, %dma_wait3A_93] : memref<128x128xf32, #tpu.memory_space<vmem>> -> memref<120x128xf32, #tpu.memory_space<vmem>>
      tpu.wait_dma2 semaphore(%run_scoped3A : memref<!tpu.dma_semaphore, #tpu.memory_space<semaphore_mem>>) src(%dma_wait3A_94 : memref<120x128xf32, #tpu.memory_space<vmem>>) dst(%dma_wait3A_91 : memref<120x128xf32, #tpu.memory_space<vmem_shared>>)
      tpu.yield
    }) : () -> ()
    %barrier3A = arith.constant 0 : index
    tpu.barrier barrier_id(%barrier3A)
    %lt3A = arith.constant 0 : i32
    %lt3A_15 = arith.cmpi slt, %arg0, %lt3A : i32
    %jit3A = arith.constant 1 : i32
    %jit3A_16 = arith.constant 0 : i32
    %select_n3A = arith.select %lt3A_15, %jit3A, %jit3A_16 : i32
    %add3A_17 = arith.constant 2 : i32
    %add3A_18 = arith.addi %add3A_17, %select_n3A : i32
    %mul3A_19 = arith.constant 16 : i32
    %mul3A_20 = arith.muli %arg0, %mul3A_19 : i32
    %mul3A_21 = arith.constant 78 : i32
    %mul3A_22 = arith.muli %mul3A_20, %mul3A_21 : i32
    %mul3A_23 = arith.constant 2 : i32
    %mul3A_24 = arith.muli %arg0, %mul3A_23 : i32
    %add3A_25 = arith.addi %mul3A_22, %mul3A_24 : i32
    %min3A = arith.constant 0 : i32
    %min3A_26 = arith.minsi %arg0, %min3A : i32
    %add3A_27 = arith.addi %add3A_25, %min3A_26 : i32
    %lt3A_28 = arith.cmpi slt, %arg1, %add3A_18 : i32
    %mul3A_29 = arith.constant 79 : i32
    %mul3A_30 = arith.muli %arg1, %mul3A_29 : i32
    %mul3A_31 = arith.constant 79 : i32
    %mul3A_32 = arith.muli %add3A_18, %mul3A_31 : i32
    %sub3A = arith.subi %arg1, %add3A_18 : i32
    %mul3A_33 = arith.constant 78 : i32
    %mul3A_34 = arith.muli %sub3A, %mul3A_33 : i32
    %add3A_35 = arith.addi %mul3A_32, %mul3A_34 : i32
    %select_n3A_36 = arith.select %lt3A_28, %mul3A_30, %add3A_35 : i32
    %add3A_37 = arith.addi %add3A_27, %select_n3A_36 : i32
    %mul3A_38 = arith.constant 128 : i32
    %mul3A_39 = arith.muli %add3A_37, %mul3A_38 : i32
    %multiple_of3A = tpu.assume_multiple %mul3A_39, 128 : i32
    %add3A_40 = arith.constant 0 : i32
    %add3A_41 = arith.addi %multiple_of3A, %add3A_40 : i32
    "tpu.region"() ({
      %run_scoped3A = tpu.sem_alloc : memref<!tpu.dma_semaphore, #tpu.memory_space<semaphore_mem>>
      %dma_start3A_76 = arith.constant 0 : i32
      %dma_start3A_77 = arith.constant 0 : i32
      %dma_start3A_78 = tpu.memref_slice %arg5[%dma_start3A_76, %dma_start3A_77] : memref<2x5120xi32, #tpu.memory_space<vmem>> -> memref<2x5120xi32, #tpu.memory_space<vmem>>
      %dma_start3A_79 = arith.constant 0 : i32
      %dma_start3A_80 = tpu.memref_slice %arg3[%dma_start3A_79, %add3A_41] : memref<2x320000xi32, #tpu.memory_space<hbm>> -> memref<2x5120xi32, #tpu.memory_space<hbm>>
      %dma_start3A_81 = arith.constant 0 : i32
      %dma_start3A_82 = arith.constant 0 : i32
      %dma_start3A_83 = tpu.memref_slice %arg5[%dma_start3A_81, %dma_start3A_82] : memref<2x5120xi32, #tpu.memory_space<vmem>> -> memref<2x5120xi32, #tpu.memory_space<vmem>>
      %dma_start3A_84 = arith.constant 0 : i32
      %dma_start3A_85 = tpu.memref_slice %arg3[%dma_start3A_84, %add3A_41] : memref<2x320000xi32, #tpu.memory_space<hbm>> -> memref<2x5120xi32, #tpu.memory_space<hbm>>
      tpu.enqueue_dma source(%dma_start3A_85 : memref<2x5120xi32, #tpu.memory_space<hbm>>) target(%dma_start3A_83 : memref<2x5120xi32, #tpu.memory_space<vmem>>) target_semaphore(%run_scoped3A : memref<!tpu.dma_semaphore, #tpu.memory_space<semaphore_mem>>)
      %dma_wait3A = arith.constant 0 : i32
      %dma_wait3A_86 = arith.constant 0 : i32
      %dma_wait3A_87 = tpu.memref_slice %arg5[%dma_wait3A, %dma_wait3A_86] : memref<2x5120xi32, #tpu.memory_space<vmem>> -> memref<2x5120xi32, #tpu.memory_space<vmem>>
      %dma_wait3A_88 = arith.constant 0 : i32
      %dma_wait3A_89 = tpu.memref_slice %arg3[%dma_wait3A_88, %add3A_41] : memref<2x320000xi32, #tpu.memory_space<hbm>> -> memref<2x5120xi32, #tpu.memory_space<hbm>>
      %dma_wait3A_90 = arith.constant 0 : i32
      %dma_wait3A_91 = arith.constant 0 : i32
      %dma_wait3A_92 = tpu.memref_slice %arg5[%dma_wait3A_90, %dma_wait3A_91] : memref<2x5120xi32, #tpu.memory_space<vmem>> -> memref<2x5120xi32, #tpu.memory_space<vmem>>
      %dma_wait3A_93 = arith.constant 0 : i32
      %dma_wait3A_94 = tpu.memref_slice %arg3[%dma_wait3A_93, %add3A_41] : memref<2x320000xi32, #tpu.memory_space<hbm>> -> memref<2x5120xi32, #tpu.memory_space<hbm>>
      tpu.wait_dma2 semaphore(%run_scoped3A : memref<!tpu.dma_semaphore, #tpu.memory_space<semaphore_mem>>) src(%dma_wait3A_94 : memref<2x5120xi32, #tpu.memory_space<hbm>>) dst(%dma_wait3A_92 : memref<2x5120xi32, #tpu.memory_space<vmem>>)
      tpu.yield
    }) : () -> ()
    %dma_start3A = arith.constant 0 : i32
    %dma_start3A_42 = arith.constant 0 : i32
    %dma_start3A_43 = arith.constant 0 : i32
    %dma_start3A_44 = tpu.memref_slice %arg6[%dma_start3A_42, %dma_start3A_43] : memref<128x128xf32, #tpu.memory_space<vmem>> -> memref<64x128xf32, #tpu.memory_space<vmem>>
    %dma_start3A_45 = arith.constant 0 : i32
    %dma_start3A_46 = tpu.memref_slice %arg5[%dma_start3A, %dma_start3A_45] : memref<2x5120xi32, #tpu.memory_space<vmem>> -> memref<1x64xi32, #tpu.memory_space<vmem>>
    %dma_start3A_47 = tpu.memref_squeeze %dma_start3A_46 : memref<1x64xi32, #tpu.memory_space<vmem>> -> memref<64xi32, #tpu.memory_space<vmem>>
    %dma_start3A_48 = arith.constant 0 : i32
    %dma_start3A_49 = arith.constant 0 : i32
    %dma_start3A_50 = tpu.memref_slice %arg2[%dma_start3A_48, %dma_start3A_49] : memref<10000x128xf32, #tpu.memory_space<hbm>> -> memref<10000x128xf32, #tpu.memory_space<hbm>>
    tpu.enqueue_indirect_dma source(%dma_start3A_50 : memref<10000x128xf32, #tpu.memory_space<hbm>>) target(%dma_start3A_44 : memref<64x128xf32, #tpu.memory_space<vmem>>) offsets(%dma_start3A_47 : memref<64xi32, #tpu.memory_space<vmem>>) semaphore(%arg9 : memref<!tpu.dma_semaphore, #tpu.memory_space<semaphore_mem>>)
    %dma_start3A_51 = arith.constant 0 : i32
    %dma_start3A_52 = arith.constant 64 : i32
    %dma_start3A_53 = arith.constant 0 : i32
    %dma_start3A_54 = tpu.memref_slice %arg6[%dma_start3A_52, %dma_start3A_53] : memref<128x128xf32, #tpu.memory_space<vmem>> -> memref<64x128xf32, #tpu.memory_space<vmem>>
    %dma_start3A_55 = arith.constant 64 : i32
    %dma_start3A_56 = tpu.memref_slice %arg5[%dma_start3A_51, %dma_start3A_55] : memref<2x5120xi32, #tpu.memory_space<vmem>> -> memref<1x64xi32, #tpu.memory_space<vmem>>
    %dma_start3A_57 = tpu.memref_squeeze %dma_start3A_56 : memref<1x64xi32, #tpu.memory_space<vmem>> -> memref<64xi32, #tpu.memory_space<vmem>>
    %dma_start3A_58 = arith.constant 0 : i32
    %dma_start3A_59 = arith.constant 0 : i32
    %dma_start3A_60 = tpu.memref_slice %arg2[%dma_start3A_58, %dma_start3A_59] : memref<10000x128xf32, #tpu.memory_space<hbm>> -> memref<10000x128xf32, #tpu.memory_space<hbm>>
    tpu.enqueue_indirect_dma source(%dma_start3A_60 : memref<10000x128xf32, #tpu.memory_space<hbm>>) target(%dma_start3A_54 : memref<64x128xf32, #tpu.memory_space<vmem>>) offsets(%dma_start3A_57 : memref<64xi32, #tpu.memory_space<vmem>>) semaphore(%arg9 : memref<!tpu.dma_semaphore, #tpu.memory_space<semaphore_mem>>)
    %scan3A_61 = arith.constant 0 : i32
    %scan3A_62 = arith.constant 20 : i32
    %scan3A_63 = arith.addi %scan3A_61, %scan3A_62 : i32
    %scan3A_64 = arith.constant 1 : i32
    scf.for %scan3A_76 = %scan3A_61 to %scan3A_63 step %scan3A_64  : i32 {
      %mul3A_77 = arith.constant 2 : i32
      %mul3A_78 = arith.muli %scan3A_76, %mul3A_77 : i32
      %add3A_79 = arith.constant 0 : i32
      %add3A_80 = arith.addi %add3A_79, %mul3A_78 : i32
      %add3A_81 = arith.constant 1 : i32
      %add3A_82 = arith.addi %add3A_80, %add3A_81 : i32
      %mul3A_83 = arith.constant 128 : i32
      %mul3A_84 = arith.muli %add3A_82, %mul3A_83 : i32
      %dma_start3A_85 = arith.constant 0 : i32
      %dma_start3A_86 = arith.constant 0 : i32
      %dma_start3A_87 = arith.constant 0 : i32
      %dma_start3A_88 = tpu.memref_slice %arg7[%dma_start3A_86, %dma_start3A_87] : memref<128x128xf32, #tpu.memory_space<vmem>> -> memref<64x128xf32, #tpu.memory_space<vmem>>
      %dma_start3A_89 = tpu.memref_slice %arg5[%dma_start3A_85, %mul3A_84] : memref<2x5120xi32, #tpu.memory_space<vmem>> -> memref<1x64xi32, #tpu.memory_space<vmem>>
      %dma_start3A_90 = tpu.memref_squeeze %dma_start3A_89 : memref<1x64xi32, #tpu.memory_space<vmem>> -> memref<64xi32, #tpu.memory_space<vmem>>
      %dma_start3A_91 = arith.constant 0 : i32
      %dma_start3A_92 = arith.constant 0 : i32
      %dma_start3A_93 = tpu.memref_slice %arg2[%dma_start3A_91, %dma_start3A_92] : memref<10000x128xf32, #tpu.memory_space<hbm>> -> memref<10000x128xf32, #tpu.memory_space<hbm>>
      tpu.enqueue_indirect_dma source(%dma_start3A_93 : memref<10000x128xf32, #tpu.memory_space<hbm>>) target(%dma_start3A_88 : memref<64x128xf32, #tpu.memory_space<vmem>>) offsets(%dma_start3A_90 : memref<64xi32, #tpu.memory_space<vmem>>) semaphore(%arg10 : memref<!tpu.dma_semaphore, #tpu.memory_space<semaphore_mem>>)
      %mul3A_94 = arith.constant 128 : i32
      %mul3A_95 = arith.muli %add3A_82, %mul3A_94 : i32
      %add3A_96 = arith.constant 64 : i32
      %add3A_97 = arith.addi %mul3A_95, %add3A_96 : i32
      %dma_start3A_98 = arith.constant 0 : i32
      %dma_start3A_99 = arith.constant 64 : i32
      %dma_start3A_100 = arith.constant 0 : i32
      %dma_start3A_101 = tpu.memref_slice %arg7[%dma_start3A_99, %dma_start3A_100] : memref<128x128xf32, #tpu.memory_space<vmem>> -> memref<64x128xf32, #tpu.memory_space<vmem>>
      %dma_start3A_102 = tpu.memref_slice %arg5[%dma_start3A_98, %add3A_97] : memref<2x5120xi32, #tpu.memory_space<vmem>> -> memref<1x64xi32, #tpu.memory_space<vmem>>
      %dma_start3A_103 = tpu.memref_squeeze %dma_start3A_102 : memref<1x64xi32, #tpu.memory_space<vmem>> -> memref<64xi32, #tpu.memory_space<vmem>>
      %dma_start3A_104 = arith.constant 0 : i32
      %dma_start3A_105 = arith.constant 0 : i32
      %dma_start3A_106 = tpu.memref_slice %arg2[%dma_start3A_104, %dma_start3A_105] : memref<10000x128xf32, #tpu.memory_space<hbm>> -> memref<10000x128xf32, #tpu.memory_space<hbm>>
      tpu.enqueue_indirect_dma source(%dma_start3A_106 : memref<10000x128xf32, #tpu.memory_space<hbm>>) target(%dma_start3A_101 : memref<64x128xf32, #tpu.memory_space<vmem>>) offsets(%dma_start3A_103 : memref<64xi32, #tpu.memory_space<vmem>>) semaphore(%arg10 : memref<!tpu.dma_semaphore, #tpu.memory_space<semaphore_mem>>)
      %dma_wait3A = arith.constant 0 : i32
      %dma_wait3A_107 = arith.constant 0 : i32
      %dma_wait3A_108 = tpu.memref_slice %arg2[%dma_wait3A, %dma_wait3A_107] : memref<10000x128xf32, #tpu.memory_space<hbm>> -> memref<128x128xf32, #tpu.memory_space<hbm>>
      %dma_wait3A_109 = arith.constant 0 : i32
      %dma_wait3A_110 = arith.constant 0 : i32
      %dma_wait3A_111 = tpu.memref_slice %arg2[%dma_wait3A_109, %dma_wait3A_110] : memref<10000x128xf32, #tpu.memory_space<hbm>> -> memref<128x128xf32, #tpu.memory_space<hbm>>
      tpu.wait_dma2 semaphore(%arg9 : memref<!tpu.dma_semaphore, #tpu.memory_space<semaphore_mem>>) src(%dma_wait3A_111 : memref<128x128xf32, #tpu.memory_space<hbm>>) dst(%arg6 : memref<128x128xf32, #tpu.memory_space<vmem>>)
      %mul3A_112 = arith.constant 128 : i32
      %mul3A_113 = arith.muli %add3A_80, %mul3A_112 : i32
      %run_scoped3A = arith.constant 1 : i32
      "tpu.region"() ({
        %run_scoped3A_132 = tpu.sem_alloc : memref<!tpu.dma_semaphore, #tpu.memory_space<semaphore_mem>>
        %dma_start3A_133 = tpu.memref_slice %arg5[%run_scoped3A, %mul3A_113] : memref<2x5120xi32, #tpu.memory_space<vmem>> -> memref<1x128xi32, #tpu.memory_space<vmem>>
        %dma_start3A_134 = tpu.memref_squeeze %dma_start3A_133 : memref<1x128xi32, #tpu.memory_space<vmem>> -> memref<128xi32, #tpu.memory_space<vmem>>
        %dma_start3A_135 = arith.constant 0 : i32
        %dma_start3A_136 = arith.constant 0 : i32
        %dma_start3A_137 = tpu.memref_slice %arg8[%dma_start3A_135, %dma_start3A_136] : memref<10112x128xf32, #tpu.memory_space<vmem_shared>> -> memref<10112x128xf32, #tpu.memory_space<vmem_shared>>
        tpu.enqueue_indirect_dma source(%arg6 : memref<128x128xf32, #tpu.memory_space<vmem>>) target(%dma_start3A_137 : memref<10112x128xf32, #tpu.memory_space<vmem_shared>>) offsets(%dma_start3A_134 : memref<128xi32, #tpu.memory_space<vmem>>) semaphore(%run_scoped3A_132 : memref<!tpu.dma_semaphore, #tpu.memory_space<semaphore_mem>>) {add = true}
        %dma_wait3A_138 = tpu.memref_slice %arg5[%run_scoped3A, %mul3A_113] : memref<2x5120xi32, #tpu.memory_space<vmem>> -> memref<1x128xi32, #tpu.memory_space<vmem>>
        %dma_wait3A_139 = tpu.memref_squeeze %dma_wait3A_138 : memref<1x128xi32, #tpu.memory_space<vmem>> -> memref<128xi32, #tpu.memory_space<vmem>>
        %dma_wait3A_140 = arith.constant 0 : i32
        %dma_wait3A_141 = arith.constant 0 : i32
        %dma_wait3A_142 = tpu.memref_slice %arg8[%dma_wait3A_140, %dma_wait3A_141] : memref<10112x128xf32, #tpu.memory_space<vmem_shared>> -> memref<10112x128xf32, #tpu.memory_space<vmem_shared>>
        tpu.wait_indirect_dma semaphore(%run_scoped3A_132 : memref<!tpu.dma_semaphore, #tpu.memory_space<semaphore_mem>>) src(%arg6 : memref<128x128xf32, #tpu.memory_space<vmem>>) dst(%dma_wait3A_142 : memref<10112x128xf32, #tpu.memory_space<vmem_shared>>)
        tpu.yield
      }) : () -> ()
      %add3A_114 = arith.constant 2 : i32
      %add3A_115 = arith.addi %add3A_80, %add3A_114 : i32
      %lt3A_116 = arith.constant 40 : i32
      %lt3A_117 = arith.cmpi slt, %add3A_115, %lt3A_116 : i32
      %convert_element_type3A_118 = arith.extui %lt3A_117 : i1 to i32
      %cond3A_119 = arith.constant 0 : i32
      %cond3A_120 = arith.cmpi ne, %convert_element_type3A_118, %cond3A_119 : i32
      scf.if %cond3A_120 {
        %add3A_132 = arith.constant 2 : i32
        %add3A_133 = arith.addi %add3A_80, %add3A_132 : i32
        %mul3A_134 = arith.constant 128 : i32
        %mul3A_135 = arith.muli %add3A_133, %mul3A_134 : i32
        %dma_start3A_136 = arith.constant 0 : i32
        %dma_start3A_137 = arith.constant 0 : i32
        %dma_start3A_138 = arith.constant 0 : i32
        %dma_start3A_139 = tpu.memref_slice %arg6[%dma_start3A_137, %dma_start3A_138] : memref<128x128xf32, #tpu.memory_space<vmem>> -> memref<64x128xf32, #tpu.memory_space<vmem>>
        %dma_start3A_140 = tpu.memref_slice %arg5[%dma_start3A_136, %mul3A_135] : memref<2x5120xi32, #tpu.memory_space<vmem>> -> memref<1x64xi32, #tpu.memory_space<vmem>>
        %dma_start3A_141 = tpu.memref_squeeze %dma_start3A_140 : memref<1x64xi32, #tpu.memory_space<vmem>> -> memref<64xi32, #tpu.memory_space<vmem>>
        %dma_start3A_142 = arith.constant 0 : i32
        %dma_start3A_143 = arith.constant 0 : i32
        %dma_start3A_144 = tpu.memref_slice %arg2[%dma_start3A_142, %dma_start3A_143] : memref<10000x128xf32, #tpu.memory_space<hbm>> -> memref<10000x128xf32, #tpu.memory_space<hbm>>
        tpu.enqueue_indirect_dma source(%dma_start3A_144 : memref<10000x128xf32, #tpu.memory_space<hbm>>) target(%dma_start3A_139 : memref<64x128xf32, #tpu.memory_space<vmem>>) offsets(%dma_start3A_141 : memref<64xi32, #tpu.memory_space<vmem>>) semaphore(%arg9 : memref<!tpu.dma_semaphore, #tpu.memory_space<semaphore_mem>>)
        %mul3A_145 = arith.constant 128 : i32
        %mul3A_146 = arith.muli %add3A_133, %mul3A_145 : i32
        %add3A_147 = arith.constant 64 : i32
        %add3A_148 = arith.addi %mul3A_146, %add3A_147 : i32
        %dma_start3A_149 = arith.constant 0 : i32
        %dma_start3A_150 = arith.constant 64 : i32
        %dma_start3A_151 = arith.constant 0 : i32
        %dma_start3A_152 = tpu.memref_slice %arg6[%dma_start3A_150, %dma_start3A_151] : memref<128x128xf32, #tpu.memory_space<vmem>> -> memref<64x128xf32, #tpu.memory_space<vmem>>
        %dma_start3A_153 = tpu.memref_slice %arg5[%dma_start3A_149, %add3A_148] : memref<2x5120xi32, #tpu.memory_space<vmem>> -> memref<1x64xi32, #tpu.memory_space<vmem>>
        %dma_start3A_154 = tpu.memref_squeeze %dma_start3A_153 : memref<1x64xi32, #tpu.memory_space<vmem>> -> memref<64xi32, #tpu.memory_space<vmem>>
        %dma_start3A_155 = arith.constant 0 : i32
        %dma_start3A_156 = arith.constant 0 : i32
        %dma_start3A_157 = tpu.memref_slice %arg2[%dma_start3A_155, %dma_start3A_156] : memref<10000x128xf32, #tpu.memory_space<hbm>> -> memref<10000x128xf32, #tpu.memory_space<hbm>>
        tpu.enqueue_indirect_dma source(%dma_start3A_157 : memref<10000x128xf32, #tpu.memory_space<hbm>>) target(%dma_start3A_152 : memref<64x128xf32, #tpu.memory_space<vmem>>) offsets(%dma_start3A_154 : memref<64xi32, #tpu.memory_space<vmem>>) semaphore(%arg9 : memref<!tpu.dma_semaphore, #tpu.memory_space<semaphore_mem>>)
      } else {
      }
      %dma_wait3A_121 = arith.constant 0 : i32
      %dma_wait3A_122 = arith.constant 0 : i32
      %dma_wait3A_123 = tpu.memref_slice %arg2[%dma_wait3A_121, %dma_wait3A_122] : memref<10000x128xf32, #tpu.memory_space<hbm>> -> memref<128x128xf32, #tpu.memory_space<hbm>>
      %dma_wait3A_124 = arith.constant 0 : i32
      %dma_wait3A_125 = arith.constant 0 : i32
      %dma_wait3A_126 = tpu.memref_slice %arg2[%dma_wait3A_124, %dma_wait3A_125] : memref<10000x128xf32, #tpu.memory_space<hbm>> -> memref<128x128xf32, #tpu.memory_space<hbm>>
      tpu.wait_dma2 semaphore(%arg10 : memref<!tpu.dma_semaphore, #tpu.memory_space<semaphore_mem>>) src(%dma_wait3A_126 : memref<128x128xf32, #tpu.memory_space<hbm>>) dst(%arg7 : memref<128x128xf32, #tpu.memory_space<vmem>>)
      %add3A_127 = arith.constant 1 : i32
      %add3A_128 = arith.addi %add3A_80, %add3A_127 : i32
      %mul3A_129 = arith.constant 128 : i32
      %mul3A_130 = arith.muli %add3A_128, %mul3A_129 : i32
      %run_scoped3A_131 = arith.constant 1 : i32
      "tpu.region"() ({
        %run_scoped3A_132 = tpu.sem_alloc : memref<!tpu.dma_semaphore, #tpu.memory_space<semaphore_mem>>
        %dma_start3A_133 = tpu.memref_slice %arg5[%run_scoped3A_131, %mul3A_130] : memref<2x5120xi32, #tpu.memory_space<vmem>> -> memref<1x128xi32, #tpu.memory_space<vmem>>
        %dma_start3A_134 = tpu.memref_squeeze %dma_start3A_133 : memref<1x128xi32, #tpu.memory_space<vmem>> -> memref<128xi32, #tpu.memory_space<vmem>>
        %dma_start3A_135 = arith.constant 0 : i32
        %dma_start3A_136 = arith.constant 0 : i32
        %dma_start3A_137 = tpu.memref_slice %arg8[%dma_start3A_135, %dma_start3A_136] : memref<10112x128xf32, #tpu.memory_space<vmem_shared>> -> memref<10112x128xf32, #tpu.memory_space<vmem_shared>>
        tpu.enqueue_indirect_dma source(%arg7 : memref<128x128xf32, #tpu.memory_space<vmem>>) target(%dma_start3A_137 : memref<10112x128xf32, #tpu.memory_space<vmem_shared>>) offsets(%dma_start3A_134 : memref<128xi32, #tpu.memory_space<vmem>>) semaphore(%run_scoped3A_132 : memref<!tpu.dma_semaphore, #tpu.memory_space<semaphore_mem>>) {add = true}
        %dma_wait3A_138 = tpu.memref_slice %arg5[%run_scoped3A_131, %mul3A_130] : memref<2x5120xi32, #tpu.memory_space<vmem>> -> memref<1x128xi32, #tpu.memory_space<vmem>>
        %dma_wait3A_139 = tpu.memref_squeeze %dma_wait3A_138 : memref<1x128xi32, #tpu.memory_space<vmem>> -> memref<128xi32, #tpu.memory_space<vmem>>
        %dma_wait3A_140 = arith.constant 0 : i32
        %dma_wait3A_141 = arith.constant 0 : i32
        %dma_wait3A_142 = tpu.memref_slice %arg8[%dma_wait3A_140, %dma_wait3A_141] : memref<10112x128xf32, #tpu.memory_space<vmem_shared>> -> memref<10112x128xf32, #tpu.memory_space<vmem_shared>>
        tpu.wait_indirect_dma semaphore(%run_scoped3A_132 : memref<!tpu.dma_semaphore, #tpu.memory_space<semaphore_mem>>) src(%arg7 : memref<128x128xf32, #tpu.memory_space<vmem>>) dst(%dma_wait3A_142 : memref<10112x128xf32, #tpu.memory_space<vmem_shared>>)
        tpu.yield
      }) : () -> ()
    }
    %scan3A_65 = arith.constant 20 : i32
    %convert_element_type3A = arith.extui %lt3A_28 : i1 to i32
    %cond3A = arith.constant 0 : i32
    %cond3A_66 = arith.cmpi ne, %convert_element_type3A, %cond3A : i32
    scf.if %cond3A_66 {
      %add3A_76 = arith.constant 5120 : i32
      %add3A_77 = arith.addi %multiple_of3A, %add3A_76 : i32
      "tpu.region"() ({
        %run_scoped3A_128 = tpu.sem_alloc : memref<!tpu.dma_semaphore, #tpu.memory_space<semaphore_mem>>
        %dma_start3A_129 = arith.constant 0 : i32
        %dma_start3A_130 = arith.constant 0 : i32
        %dma_start3A_131 = tpu.memref_slice %arg5[%dma_start3A_129, %dma_start3A_130] : memref<2x5120xi32, #tpu.memory_space<vmem>> -> memref<2x4992xi32, #tpu.memory_space<vmem>>
        %dma_start3A_132 = arith.constant 0 : i32
        %dma_start3A_133 = tpu.memref_slice %arg3[%dma_start3A_132, %add3A_77] : memref<2x320000xi32, #tpu.memory_space<hbm>> -> memref<2x4992xi32, #tpu.memory_space<hbm>>
        %dma_start3A_134 = arith.constant 0 : i32
        %dma_start3A_135 = arith.constant 0 : i32
        %dma_start3A_136 = tpu.memref_slice %arg5[%dma_start3A_134, %dma_start3A_135] : memref<2x5120xi32, #tpu.memory_space<vmem>> -> memref<2x4992xi32, #tpu.memory_space<vmem>>
        %dma_start3A_137 = arith.constant 0 : i32
        %dma_start3A_138 = tpu.memref_slice %arg3[%dma_start3A_137, %add3A_77] : memref<2x320000xi32, #tpu.memory_space<hbm>> -> memref<2x4992xi32, #tpu.memory_space<hbm>>
        tpu.enqueue_dma source(%dma_start3A_138 : memref<2x4992xi32, #tpu.memory_space<hbm>>) target(%dma_start3A_136 : memref<2x4992xi32, #tpu.memory_space<vmem>>) target_semaphore(%run_scoped3A_128 : memref<!tpu.dma_semaphore, #tpu.memory_space<semaphore_mem>>)
        %dma_wait3A_139 = arith.constant 0 : i32
        %dma_wait3A_140 = arith.constant 0 : i32
        %dma_wait3A_141 = tpu.memref_slice %arg5[%dma_wait3A_139, %dma_wait3A_140] : memref<2x5120xi32, #tpu.memory_space<vmem>> -> memref<2x4992xi32, #tpu.memory_space<vmem>>
        %dma_wait3A_142 = arith.constant 0 : i32
        %dma_wait3A_143 = tpu.memref_slice %arg3[%dma_wait3A_142, %add3A_77] : memref<2x320000xi32, #tpu.memory_space<hbm>> -> memref<2x4992xi32, #tpu.memory_space<hbm>>
        %dma_wait3A_144 = arith.constant 0 : i32
        %dma_wait3A_145 = arith.constant 0 : i32
        %dma_wait3A_146 = tpu.memref_slice %arg5[%dma_wait3A_144, %dma_wait3A_145] : memref<2x5120xi32, #tpu.memory_space<vmem>> -> memref<2x4992xi32, #tpu.memory_space<vmem>>
        %dma_wait3A_147 = arith.constant 0 : i32
        %dma_wait3A_148 = tpu.memref_slice %arg3[%dma_wait3A_147, %add3A_77] : memref<2x320000xi32, #tpu.memory_space<hbm>> -> memref<2x4992xi32, #tpu.memory_space<hbm>>
        tpu.wait_dma2 semaphore(%run_scoped3A_128 : memref<!tpu.dma_semaphore, #tpu.memory_space<semaphore_mem>>) src(%dma_wait3A_148 : memref<2x4992xi32, #tpu.memory_space<hbm>>) dst(%dma_wait3A_146 : memref<2x4992xi32, #tpu.memory_space<vmem>>)
        tpu.yield
      }) : () -> ()
      %dma_start3A_78 = arith.constant 0 : i32
      %dma_start3A_79 = arith.constant 0 : i32
      %dma_start3A_80 = arith.constant 0 : i32
      %dma_start3A_81 = tpu.memref_slice %arg6[%dma_start3A_79, %dma_start3A_80] : memref<128x128xf32, #tpu.memory_space<vmem>> -> memref<64x128xf32, #tpu.memory_space<vmem>>
      %dma_start3A_82 = arith.constant 0 : i32
      %dma_start3A_83 = tpu.memref_slice %arg5[%dma_start3A_78, %dma_start3A_82] : memref<2x5120xi32, #tpu.memory_space<vmem>> -> memref<1x64xi32, #tpu.memory_space<vmem>>
      %dma_start3A_84 = tpu.memref_squeeze %dma_start3A_83 : memref<1x64xi32, #tpu.memory_space<vmem>> -> memref<64xi32, #tpu.memory_space<vmem>>
      %dma_start3A_85 = arith.constant 0 : i32
      %dma_start3A_86 = arith.constant 0 : i32
      %dma_start3A_87 = tpu.memref_slice %arg2[%dma_start3A_85, %dma_start3A_86] : memref<10000x128xf32, #tpu.memory_space<hbm>> -> memref<10000x128xf32, #tpu.memory_space<hbm>>
      tpu.enqueue_indirect_dma source(%dma_start3A_87 : memref<10000x128xf32, #tpu.memory_space<hbm>>) target(%dma_start3A_81 : memref<64x128xf32, #tpu.memory_space<vmem>>) offsets(%dma_start3A_84 : memref<64xi32, #tpu.memory_space<vmem>>) semaphore(%arg9 : memref<!tpu.dma_semaphore, #tpu.memory_space<semaphore_mem>>)
      %dma_start3A_88 = arith.constant 0 : i32
      %dma_start3A_89 = arith.constant 64 : i32
      %dma_start3A_90 = arith.constant 0 : i32
      %dma_start3A_91 = tpu.memref_slice %arg6[%dma_start3A_89, %dma_start3A_90] : memref<128x128xf32, #tpu.memory_space<vmem>> -> memref<64x128xf32, #tpu.memory_space<vmem>>
      %dma_start3A_92 = arith.constant 64 : i32
      %dma_start3A_93 = tpu.memref_slice %arg5[%dma_start3A_88, %dma_start3A_92] : memref<2x5120xi32, #tpu.memory_space<vmem>> -> memref<1x64xi32, #tpu.memory_space<vmem>>
      %dma_start3A_94 = tpu.memref_squeeze %dma_start3A_93 : memref<1x64xi32, #tpu.memory_space<vmem>> -> memref<64xi32, #tpu.memory_space<vmem>>
      %dma_start3A_95 = arith.constant 0 : i32
      %dma_start3A_96 = arith.constant 0 : i32
      %dma_start3A_97 = tpu.memref_slice %arg2[%dma_start3A_95, %dma_start3A_96] : memref<10000x128xf32, #tpu.memory_space<hbm>> -> memref<10000x128xf32, #tpu.memory_space<hbm>>
      tpu.enqueue_indirect_dma source(%dma_start3A_97 : memref<10000x128xf32, #tpu.memory_space<hbm>>) target(%dma_start3A_91 : memref<64x128xf32, #tpu.memory_space<vmem>>) offsets(%dma_start3A_94 : memref<64xi32, #tpu.memory_space<vmem>>) semaphore(%arg9 : memref<!tpu.dma_semaphore, #tpu.memory_space<semaphore_mem>>)
      %scan3A_98 = arith.constant 0 : i32
      %scan3A_99 = arith.constant 19 : i32
      %scan3A_100 = arith.addi %scan3A_98, %scan3A_99 : i32
      %scan3A_101 = arith.constant 1 : i32
      scf.for %scan3A_128 = %scan3A_98 to %scan3A_100 step %scan3A_101  : i32 {
        %mul3A_129 = arith.constant 2 : i32
        %mul3A_130 = arith.muli %scan3A_128, %mul3A_129 : i32
        %add3A_131 = arith.constant 0 : i32
        %add3A_132 = arith.addi %add3A_131, %mul3A_130 : i32
        %add3A_133 = arith.constant 1 : i32
        %add3A_134 = arith.addi %add3A_132, %add3A_133 : i32
        %mul3A_135 = arith.constant 128 : i32
        %mul3A_136 = arith.muli %add3A_134, %mul3A_135 : i32
        %dma_start3A_137 = arith.constant 0 : i32
        %dma_start3A_138 = arith.constant 0 : i32
        %dma_start3A_139 = arith.constant 0 : i32
        %dma_start3A_140 = tpu.memref_slice %arg7[%dma_start3A_138, %dma_start3A_139] : memref<128x128xf32, #tpu.memory_space<vmem>> -> memref<64x128xf32, #tpu.memory_space<vmem>>
        %dma_start3A_141 = tpu.memref_slice %arg5[%dma_start3A_137, %mul3A_136] : memref<2x5120xi32, #tpu.memory_space<vmem>> -> memref<1x64xi32, #tpu.memory_space<vmem>>
        %dma_start3A_142 = tpu.memref_squeeze %dma_start3A_141 : memref<1x64xi32, #tpu.memory_space<vmem>> -> memref<64xi32, #tpu.memory_space<vmem>>
        %dma_start3A_143 = arith.constant 0 : i32
        %dma_start3A_144 = arith.constant 0 : i32
        %dma_start3A_145 = tpu.memref_slice %arg2[%dma_start3A_143, %dma_start3A_144] : memref<10000x128xf32, #tpu.memory_space<hbm>> -> memref<10000x128xf32, #tpu.memory_space<hbm>>
        tpu.enqueue_indirect_dma source(%dma_start3A_145 : memref<10000x128xf32, #tpu.memory_space<hbm>>) target(%dma_start3A_140 : memref<64x128xf32, #tpu.memory_space<vmem>>) offsets(%dma_start3A_142 : memref<64xi32, #tpu.memory_space<vmem>>) semaphore(%arg10 : memref<!tpu.dma_semaphore, #tpu.memory_space<semaphore_mem>>)
        %mul3A_146 = arith.constant 128 : i32
        %mul3A_147 = arith.muli %add3A_134, %mul3A_146 : i32
        %add3A_148 = arith.constant 64 : i32
        %add3A_149 = arith.addi %mul3A_147, %add3A_148 : i32
        %dma_start3A_150 = arith.constant 0 : i32
        %dma_start3A_151 = arith.constant 64 : i32
        %dma_start3A_152 = arith.constant 0 : i32
        %dma_start3A_153 = tpu.memref_slice %arg7[%dma_start3A_151, %dma_start3A_152] : memref<128x128xf32, #tpu.memory_space<vmem>> -> memref<64x128xf32, #tpu.memory_space<vmem>>
        %dma_start3A_154 = tpu.memref_slice %arg5[%dma_start3A_150, %add3A_149] : memref<2x5120xi32, #tpu.memory_space<vmem>> -> memref<1x64xi32, #tpu.memory_space<vmem>>
        %dma_start3A_155 = tpu.memref_squeeze %dma_start3A_154 : memref<1x64xi32, #tpu.memory_space<vmem>> -> memref<64xi32, #tpu.memory_space<vmem>>
        %dma_start3A_156 = arith.constant 0 : i32
        %dma_start3A_157 = arith.constant 0 : i32
        %dma_start3A_158 = tpu.memref_slice %arg2[%dma_start3A_156, %dma_start3A_157] : memref<10000x128xf32, #tpu.memory_space<hbm>> -> memref<10000x128xf32, #tpu.memory_space<hbm>>
        tpu.enqueue_indirect_dma source(%dma_start3A_158 : memref<10000x128xf32, #tpu.memory_space<hbm>>) target(%dma_start3A_153 : memref<64x128xf32, #tpu.memory_space<vmem>>) offsets(%dma_start3A_155 : memref<64xi32, #tpu.memory_space<vmem>>) semaphore(%arg10 : memref<!tpu.dma_semaphore, #tpu.memory_space<semaphore_mem>>)
        %dma_wait3A_159 = arith.constant 0 : i32
        %dma_wait3A_160 = arith.constant 0 : i32
        %dma_wait3A_161 = tpu.memref_slice %arg2[%dma_wait3A_159, %dma_wait3A_160] : memref<10000x128xf32, #tpu.memory_space<hbm>> -> memref<128x128xf32, #tpu.memory_space<hbm>>
        %dma_wait3A_162 = arith.constant 0 : i32
        %dma_wait3A_163 = arith.constant 0 : i32
        %dma_wait3A_164 = tpu.memref_slice %arg2[%dma_wait3A_162, %dma_wait3A_163] : memref<10000x128xf32, #tpu.memory_space<hbm>> -> memref<128x128xf32, #tpu.memory_space<hbm>>
        tpu.wait_dma2 semaphore(%arg9 : memref<!tpu.dma_semaphore, #tpu.memory_space<semaphore_mem>>) src(%dma_wait3A_164 : memref<128x128xf32, #tpu.memory_space<hbm>>) dst(%arg6 : memref<128x128xf32, #tpu.memory_space<vmem>>)
        %mul3A_165 = arith.constant 128 : i32
        %mul3A_166 = arith.muli %add3A_132, %mul3A_165 : i32
        %run_scoped3A_167 = arith.constant 1 : i32
        "tpu.region"() ({
          %run_scoped3A_186 = tpu.sem_alloc : memref<!tpu.dma_semaphore, #tpu.memory_space<semaphore_mem>>
          %dma_start3A_187 = tpu.memref_slice %arg5[%run_scoped3A_167, %mul3A_166] : memref<2x5120xi32, #tpu.memory_space<vmem>> -> memref<1x128xi32, #tpu.memory_space<vmem>>
          %dma_start3A_188 = tpu.memref_squeeze %dma_start3A_187 : memref<1x128xi32, #tpu.memory_space<vmem>> -> memref<128xi32, #tpu.memory_space<vmem>>
          %dma_start3A_189 = arith.constant 0 : i32
          %dma_start3A_190 = arith.constant 0 : i32
          %dma_start3A_191 = tpu.memref_slice %arg8[%dma_start3A_189, %dma_start3A_190] : memref<10112x128xf32, #tpu.memory_space<vmem_shared>> -> memref<10112x128xf32, #tpu.memory_space<vmem_shared>>
          tpu.enqueue_indirect_dma source(%arg6 : memref<128x128xf32, #tpu.memory_space<vmem>>) target(%dma_start3A_191 : memref<10112x128xf32, #tpu.memory_space<vmem_shared>>) offsets(%dma_start3A_188 : memref<128xi32, #tpu.memory_space<vmem>>) semaphore(%run_scoped3A_186 : memref<!tpu.dma_semaphore, #tpu.memory_space<semaphore_mem>>) {add = true}
          %dma_wait3A_192 = tpu.memref_slice %arg5[%run_scoped3A_167, %mul3A_166] : memref<2x5120xi32, #tpu.memory_space<vmem>> -> memref<1x128xi32, #tpu.memory_space<vmem>>
          %dma_wait3A_193 = tpu.memref_squeeze %dma_wait3A_192 : memref<1x128xi32, #tpu.memory_space<vmem>> -> memref<128xi32, #tpu.memory_space<vmem>>
          %dma_wait3A_194 = arith.constant 0 : i32
          %dma_wait3A_195 = arith.constant 0 : i32
          %dma_wait3A_196 = tpu.memref_slice %arg8[%dma_wait3A_194, %dma_wait3A_195] : memref<10112x128xf32, #tpu.memory_space<vmem_shared>> -> memref<10112x128xf32, #tpu.memory_space<vmem_shared>>
          tpu.wait_indirect_dma semaphore(%run_scoped3A_186 : memref<!tpu.dma_semaphore, #tpu.memory_space<semaphore_mem>>) src(%arg6 : memref<128x128xf32, #tpu.memory_space<vmem>>) dst(%dma_wait3A_196 : memref<10112x128xf32, #tpu.memory_space<vmem_shared>>)
          tpu.yield
        }) : () -> ()
        %add3A_168 = arith.constant 2 : i32
        %add3A_169 = arith.addi %add3A_132, %add3A_168 : i32
        %lt3A_170 = arith.constant 38 : i32
        %lt3A_171 = arith.cmpi slt, %add3A_169, %lt3A_170 : i32
        %convert_element_type3A_172 = arith.extui %lt3A_171 : i1 to i32
        %cond3A_173 = arith.constant 0 : i32
        %cond3A_174 = arith.cmpi ne, %convert_element_type3A_172, %cond3A_173 : i32
        scf.if %cond3A_174 {
          %add3A_186 = arith.constant 2 : i32
          %add3A_187 = arith.addi %add3A_132, %add3A_186 : i32
          %mul3A_188 = arith.constant 128 : i32
          %mul3A_189 = arith.muli %add3A_187, %mul3A_188 : i32
          %dma_start3A_190 = arith.constant 0 : i32
          %dma_start3A_191 = arith.constant 0 : i32
          %dma_start3A_192 = arith.constant 0 : i32
          %dma_start3A_193 = tpu.memref_slice %arg6[%dma_start3A_191, %dma_start3A_192] : memref<128x128xf32, #tpu.memory_space<vmem>> -> memref<64x128xf32, #tpu.memory_space<vmem>>
          %dma_start3A_194 = tpu.memref_slice %arg5[%dma_start3A_190, %mul3A_189] : memref<2x5120xi32, #tpu.memory_space<vmem>> -> memref<1x64xi32, #tpu.memory_space<vmem>>
          %dma_start3A_195 = tpu.memref_squeeze %dma_start3A_194 : memref<1x64xi32, #tpu.memory_space<vmem>> -> memref<64xi32, #tpu.memory_space<vmem>>
          %dma_start3A_196 = arith.constant 0 : i32
          %dma_start3A_197 = arith.constant 0 : i32
          %dma_start3A_198 = tpu.memref_slice %arg2[%dma_start3A_196, %dma_start3A_197] : memref<10000x128xf32, #tpu.memory_space<hbm>> -> memref<10000x128xf32, #tpu.memory_space<hbm>>
          tpu.enqueue_indirect_dma source(%dma_start3A_198 : memref<10000x128xf32, #tpu.memory_space<hbm>>) target(%dma_start3A_193 : memref<64x128xf32, #tpu.memory_space<vmem>>) offsets(%dma_start3A_195 : memref<64xi32, #tpu.memory_space<vmem>>) semaphore(%arg9 : memref<!tpu.dma_semaphore, #tpu.memory_space<semaphore_mem>>)
          %mul3A_199 = arith.constant 128 : i32
          %mul3A_200 = arith.muli %add3A_187, %mul3A_199 : i32
          %add3A_201 = arith.constant 64 : i32
          %add3A_202 = arith.addi %mul3A_200, %add3A_201 : i32
          %dma_start3A_203 = arith.constant 0 : i32
          %dma_start3A_204 = arith.constant 64 : i32
          %dma_start3A_205 = arith.constant 0 : i32
          %dma_start3A_206 = tpu.memref_slice %arg6[%dma_start3A_204, %dma_start3A_205] : memref<128x128xf32, #tpu.memory_space<vmem>> -> memref<64x128xf32, #tpu.memory_space<vmem>>
          %dma_start3A_207 = tpu.memref_slice %arg5[%dma_start3A_203, %add3A_202] : memref<2x5120xi32, #tpu.memory_space<vmem>> -> memref<1x64xi32, #tpu.memory_space<vmem>>
          %dma_start3A_208 = tpu.memref_squeeze %dma_start3A_207 : memref<1x64xi32, #tpu.memory_space<vmem>> -> memref<64xi32, #tpu.memory_space<vmem>>
          %dma_start3A_209 = arith.constant 0 : i32
          %dma_start3A_210 = arith.constant 0 : i32
          %dma_start3A_211 = tpu.memref_slice %arg2[%dma_start3A_209, %dma_start3A_210] : memref<10000x128xf32, #tpu.memory_space<hbm>> -> memref<10000x128xf32, #tpu.memory_space<hbm>>
          tpu.enqueue_indirect_dma source(%dma_start3A_211 : memref<10000x128xf32, #tpu.memory_space<hbm>>) target(%dma_start3A_206 : memref<64x128xf32, #tpu.memory_space<vmem>>) offsets(%dma_start3A_208 : memref<64xi32, #tpu.memory_space<vmem>>) semaphore(%arg9 : memref<!tpu.dma_semaphore, #tpu.memory_space<semaphore_mem>>)
        } else {
        }
        %dma_wait3A_175 = arith.constant 0 : i32
        %dma_wait3A_176 = arith.constant 0 : i32
        %dma_wait3A_177 = tpu.memref_slice %arg2[%dma_wait3A_175, %dma_wait3A_176] : memref<10000x128xf32, #tpu.memory_space<hbm>> -> memref<128x128xf32, #tpu.memory_space<hbm>>
        %dma_wait3A_178 = arith.constant 0 : i32
        %dma_wait3A_179 = arith.constant 0 : i32
        %dma_wait3A_180 = tpu.memref_slice %arg2[%dma_wait3A_178, %dma_wait3A_179] : memref<10000x128xf32, #tpu.memory_space<hbm>> -> memref<128x128xf32, #tpu.memory_space<hbm>>
        tpu.wait_dma2 semaphore(%arg10 : memref<!tpu.dma_semaphore, #tpu.memory_space<semaphore_mem>>) src(%dma_wait3A_180 : memref<128x128xf32, #tpu.memory_space<hbm>>) dst(%arg7 : memref<128x128xf32, #tpu.memory_space<vmem>>)
        %add3A_181 = arith.constant 1 : i32
        %add3A_182 = arith.addi %add3A_132, %add3A_181 : i32
        %mul3A_183 = arith.constant 128 : i32
        %mul3A_184 = arith.muli %add3A_182, %mul3A_183 : i32
        %run_scoped3A_185 = arith.constant 1 : i32
        "tpu.region"() ({
          %run_scoped3A_186 = tpu.sem_alloc : memref<!tpu.dma_semaphore, #tpu.memory_space<semaphore_mem>>
          %dma_start3A_187 = tpu.memref_slice %arg5[%run_scoped3A_185, %mul3A_184] : memref<2x5120xi32, #tpu.memory_space<vmem>> -> memref<1x128xi32, #tpu.memory_space<vmem>>
          %dma_start3A_188 = tpu.memref_squeeze %dma_start3A_187 : memref<1x128xi32, #tpu.memory_space<vmem>> -> memref<128xi32, #tpu.memory_space<vmem>>
          %dma_start3A_189 = arith.constant 0 : i32
          %dma_start3A_190 = arith.constant 0 : i32
          %dma_start3A_191 = tpu.memref_slice %arg8[%dma_start3A_189, %dma_start3A_190] : memref<10112x128xf32, #tpu.memory_space<vmem_shared>> -> memref<10112x128xf32, #tpu.memory_space<vmem_shared>>
          tpu.enqueue_indirect_dma source(%arg7 : memref<128x128xf32, #tpu.memory_space<vmem>>) target(%dma_start3A_191 : memref<10112x128xf32, #tpu.memory_space<vmem_shared>>) offsets(%dma_start3A_188 : memref<128xi32, #tpu.memory_space<vmem>>) semaphore(%run_scoped3A_186 : memref<!tpu.dma_semaphore, #tpu.memory_space<semaphore_mem>>) {add = true}
          %dma_wait3A_192 = tpu.memref_slice %arg5[%run_scoped3A_185, %mul3A_184] : memref<2x5120xi32, #tpu.memory_space<vmem>> -> memref<1x128xi32, #tpu.memory_space<vmem>>
          %dma_wait3A_193 = tpu.memref_squeeze %dma_wait3A_192 : memref<1x128xi32, #tpu.memory_space<vmem>> -> memref<128xi32, #tpu.memory_space<vmem>>
          %dma_wait3A_194 = arith.constant 0 : i32
          %dma_wait3A_195 = arith.constant 0 : i32
          %dma_wait3A_196 = tpu.memref_slice %arg8[%dma_wait3A_194, %dma_wait3A_195] : memref<10112x128xf32, #tpu.memory_space<vmem_shared>> -> memref<10112x128xf32, #tpu.memory_space<vmem_shared>>
          tpu.wait_indirect_dma semaphore(%run_scoped3A_186 : memref<!tpu.dma_semaphore, #tpu.memory_space<semaphore_mem>>) src(%arg7 : memref<128x128xf32, #tpu.memory_space<vmem>>) dst(%dma_wait3A_196 : memref<10112x128xf32, #tpu.memory_space<vmem_shared>>)
          tpu.yield
        }) : () -> ()
      }
      %scan3A_102 = arith.constant 19 : i32
      %dma_start3A_103 = arith.constant 0 : i32
      %dma_start3A_104 = arith.constant 0 : i32
      %dma_start3A_105 = arith.constant 0 : i32
      %dma_start3A_106 = tpu.memref_slice %arg6[%dma_start3A_104, %dma_start3A_105] : memref<128x128xf32, #tpu.memory_space<vmem>> -> memref<64x128xf32, #tpu.memory_space<vmem>>
      %dma_start3A_107 = arith.constant 4864 : i32
      %dma_start3A_108 = tpu.memref_slice %arg5[%dma_start3A_103, %dma_start3A_107] : memref<2x5120xi32, #tpu.memory_space<vmem>> -> memref<1x64xi32, #tpu.memory_space<vmem>>
      %dma_start3A_109 = tpu.memref_squeeze %dma_start3A_108 : memref<1x64xi32, #tpu.memory_space<vmem>> -> memref<64xi32, #tpu.memory_space<vmem>>
      %dma_start3A_110 = arith.constant 0 : i32
      %dma_start3A_111 = arith.constant 0 : i32
      %dma_start3A_112 = tpu.memref_slice %arg2[%dma_start3A_110, %dma_start3A_111] : memref<10000x128xf32, #tpu.memory_space<hbm>> -> memref<10000x128xf32, #tpu.memory_space<hbm>>
      tpu.enqueue_indirect_dma source(%dma_start3A_112 : memref<10000x128xf32, #tpu.memory_space<hbm>>) target(%dma_start3A_106 : memref<64x128xf32, #tpu.memory_space<vmem>>) offsets(%dma_start3A_109 : memref<64xi32, #tpu.memory_space<vmem>>) semaphore(%arg9 : memref<!tpu.dma_semaphore, #tpu.memory_space<semaphore_mem>>)
      %dma_start3A_113 = arith.constant 0 : i32
      %dma_start3A_114 = arith.constant 64 : i32
      %dma_start3A_115 = arith.constant 0 : i32
      %dma_start3A_116 = tpu.memref_slice %arg6[%dma_start3A_114, %dma_start3A_115] : memref<128x128xf32, #tpu.memory_space<vmem>> -> memref<64x128xf32, #tpu.memory_space<vmem>>
      %dma_start3A_117 = arith.constant 4928 : i32
      %dma_start3A_118 = tpu.memref_slice %arg5[%dma_start3A_113, %dma_start3A_117] : memref<2x5120xi32, #tpu.memory_space<vmem>> -> memref<1x64xi32, #tpu.memory_space<vmem>>
      %dma_start3A_119 = tpu.memref_squeeze %dma_start3A_118 : memref<1x64xi32, #tpu.memory_space<vmem>> -> memref<64xi32, #tpu.memory_space<vmem>>
      %dma_start3A_120 = arith.constant 0 : i32
      %dma_start3A_121 = arith.constant 0 : i32
      %dma_start3A_122 = tpu.memref_slice %arg2[%dma_start3A_120, %dma_start3A_121] : memref<10000x128xf32, #tpu.memory_space<hbm>> -> memref<10000x128xf32, #tpu.memory_space<hbm>>
      tpu.enqueue_indirect_dma source(%dma_start3A_122 : memref<10000x128xf32, #tpu.memory_space<hbm>>) target(%dma_start3A_116 : memref<64x128xf32, #tpu.memory_space<vmem>>) offsets(%dma_start3A_119 : memref<64xi32, #tpu.memory_space<vmem>>) semaphore(%arg9 : memref<!tpu.dma_semaphore, #tpu.memory_space<semaphore_mem>>)
      %dma_wait3A = arith.constant 0 : i32
      %dma_wait3A_123 = arith.constant 0 : i32
      %dma_wait3A_124 = tpu.memref_slice %arg2[%dma_wait3A, %dma_wait3A_123] : memref<10000x128xf32, #tpu.memory_space<hbm>> -> memref<128x128xf32, #tpu.memory_space<hbm>>
      %dma_wait3A_125 = arith.constant 0 : i32
      %dma_wait3A_126 = arith.constant 0 : i32
      %dma_wait3A_127 = tpu.memref_slice %arg2[%dma_wait3A_125, %dma_wait3A_126] : memref<10000x128xf32, #tpu.memory_space<hbm>> -> memref<128x128xf32, #tpu.memory_space<hbm>>
      tpu.wait_dma2 semaphore(%arg9 : memref<!tpu.dma_semaphore, #tpu.memory_space<semaphore_mem>>) src(%dma_wait3A_127 : memref<128x128xf32, #tpu.memory_space<hbm>>) dst(%arg6 : memref<128x128xf32, #tpu.memory_space<vmem>>)
      %run_scoped3A = arith.constant 1 : i32
      "tpu.region"() ({
        %run_scoped3A_128 = tpu.sem_alloc : memref<!tpu.dma_semaphore, #tpu.memory_space<semaphore_mem>>
        %dma_start3A_129 = arith.constant 4864 : i32
        %dma_start3A_130 = tpu.memref_slice %arg5[%run_scoped3A, %dma_start3A_129] : memref<2x5120xi32, #tpu.memory_space<vmem>> -> memref<1x128xi32, #tpu.memory_space<vmem>>
        %dma_start3A_131 = tpu.memref_squeeze %dma_start3A_130 : memref<1x128xi32, #tpu.memory_space<vmem>> -> memref<128xi32, #tpu.memory_space<vmem>>
        %dma_start3A_132 = arith.constant 0 : i32
        %dma_start3A_133 = arith.constant 0 : i32
        %dma_start3A_134 = tpu.memref_slice %arg8[%dma_start3A_132, %dma_start3A_133] : memref<10112x128xf32, #tpu.memory_space<vmem_shared>> -> memref<10112x128xf32, #tpu.memory_space<vmem_shared>>
        tpu.enqueue_indirect_dma source(%arg6 : memref<128x128xf32, #tpu.memory_space<vmem>>) target(%dma_start3A_134 : memref<10112x128xf32, #tpu.memory_space<vmem_shared>>) offsets(%dma_start3A_131 : memref<128xi32, #tpu.memory_space<vmem>>) semaphore(%run_scoped3A_128 : memref<!tpu.dma_semaphore, #tpu.memory_space<semaphore_mem>>) {add = true}
        %dma_wait3A_135 = arith.constant 4864 : i32
        %dma_wait3A_136 = tpu.memref_slice %arg5[%run_scoped3A, %dma_wait3A_135] : memref<2x5120xi32, #tpu.memory_space<vmem>> -> memref<1x128xi32, #tpu.memory_space<vmem>>
        %dma_wait3A_137 = tpu.memref_squeeze %dma_wait3A_136 : memref<1x128xi32, #tpu.memory_space<vmem>> -> memref<128xi32, #tpu.memory_space<vmem>>
        %dma_wait3A_138 = arith.constant 0 : i32
        %dma_wait3A_139 = arith.constant 0 : i32
        %dma_wait3A_140 = tpu.memref_slice %arg8[%dma_wait3A_138, %dma_wait3A_139] : memref<10112x128xf32, #tpu.memory_space<vmem_shared>> -> memref<10112x128xf32, #tpu.memory_space<vmem_shared>>
        tpu.wait_indirect_dma semaphore(%run_scoped3A_128 : memref<!tpu.dma_semaphore, #tpu.memory_space<semaphore_mem>>) src(%arg6 : memref<128x128xf32, #tpu.memory_space<vmem>>) dst(%dma_wait3A_140 : memref<10112x128xf32, #tpu.memory_space<vmem_shared>>)
        tpu.yield
      }) : () -> ()
    } else {
    }
    %not3A = arith.constant true
    %not3A_67 = arith.xori %lt3A_28, %not3A : i1
    %convert_element_type3A_68 = arith.extui %not3A_67 : i1 to i32
    %cond3A_69 = arith.constant 0 : i32
    %cond3A_70 = arith.cmpi ne, %convert_element_type3A_68, %cond3A_69 : i32
    scf.if %cond3A_70 {
      %add3A_76 = arith.constant 5120 : i32
      %add3A_77 = arith.addi %multiple_of3A, %add3A_76 : i32
      "tpu.region"() ({
        %run_scoped3A = tpu.sem_alloc : memref<!tpu.dma_semaphore, #tpu.memory_space<semaphore_mem>>
        %dma_start3A_103 = arith.constant 0 : i32
        %dma_start3A_104 = arith.constant 0 : i32
        %dma_start3A_105 = tpu.memref_slice %arg5[%dma_start3A_103, %dma_start3A_104] : memref<2x5120xi32, #tpu.memory_space<vmem>> -> memref<2x4864xi32, #tpu.memory_space<vmem>>
        %dma_start3A_106 = arith.constant 0 : i32
        %dma_start3A_107 = tpu.memref_slice %arg3[%dma_start3A_106, %add3A_77] : memref<2x320000xi32, #tpu.memory_space<hbm>> -> memref<2x4864xi32, #tpu.memory_space<hbm>>
        %dma_start3A_108 = arith.constant 0 : i32
        %dma_start3A_109 = arith.constant 0 : i32
        %dma_start3A_110 = tpu.memref_slice %arg5[%dma_start3A_108, %dma_start3A_109] : memref<2x5120xi32, #tpu.memory_space<vmem>> -> memref<2x4864xi32, #tpu.memory_space<vmem>>
        %dma_start3A_111 = arith.constant 0 : i32
        %dma_start3A_112 = tpu.memref_slice %arg3[%dma_start3A_111, %add3A_77] : memref<2x320000xi32, #tpu.memory_space<hbm>> -> memref<2x4864xi32, #tpu.memory_space<hbm>>
        tpu.enqueue_dma source(%dma_start3A_112 : memref<2x4864xi32, #tpu.memory_space<hbm>>) target(%dma_start3A_110 : memref<2x4864xi32, #tpu.memory_space<vmem>>) target_semaphore(%run_scoped3A : memref<!tpu.dma_semaphore, #tpu.memory_space<semaphore_mem>>)
        %dma_wait3A = arith.constant 0 : i32
        %dma_wait3A_113 = arith.constant 0 : i32
        %dma_wait3A_114 = tpu.memref_slice %arg5[%dma_wait3A, %dma_wait3A_113] : memref<2x5120xi32, #tpu.memory_space<vmem>> -> memref<2x4864xi32, #tpu.memory_space<vmem>>
        %dma_wait3A_115 = arith.constant 0 : i32
        %dma_wait3A_116 = tpu.memref_slice %arg3[%dma_wait3A_115, %add3A_77] : memref<2x320000xi32, #tpu.memory_space<hbm>> -> memref<2x4864xi32, #tpu.memory_space<hbm>>
        %dma_wait3A_117 = arith.constant 0 : i32
        %dma_wait3A_118 = arith.constant 0 : i32
        %dma_wait3A_119 = tpu.memref_slice %arg5[%dma_wait3A_117, %dma_wait3A_118] : memref<2x5120xi32, #tpu.memory_space<vmem>> -> memref<2x4864xi32, #tpu.memory_space<vmem>>
        %dma_wait3A_120 = arith.constant 0 : i32
        %dma_wait3A_121 = tpu.memref_slice %arg3[%dma_wait3A_120, %add3A_77] : memref<2x320000xi32, #tpu.memory_space<hbm>> -> memref<2x4864xi32, #tpu.memory_space<hbm>>
        tpu.wait_dma2 semaphore(%run_scoped3A : memref<!tpu.dma_semaphore, #tpu.memory_space<semaphore_mem>>) src(%dma_wait3A_121 : memref<2x4864xi32, #tpu.memory_space<hbm>>) dst(%dma_wait3A_119 : memref<2x4864xi32, #tpu.memory_space<vmem>>)
        tpu.yield
      }) : () -> ()
      %dma_start3A_78 = arith.constant 0 : i32
      %dma_start3A_79 = arith.constant 0 : i32
      %dma_start3A_80 = arith.constant 0 : i32
      %dma_start3A_81 = tpu.memref_slice %arg6[%dma_start3A_79, %dma_start3A_80] : memref<128x128xf32, #tpu.memory_space<vmem>> -> memref<64x128xf32, #tpu.memory_space<vmem>>
      %dma_start3A_82 = arith.constant 0 : i32
      %dma_start3A_83 = tpu.memref_slice %arg5[%dma_start3A_78, %dma_start3A_82] : memref<2x5120xi32, #tpu.memory_space<vmem>> -> memref<1x64xi32, #tpu.memory_space<vmem>>
      %dma_start3A_84 = tpu.memref_squeeze %dma_start3A_83 : memref<1x64xi32, #tpu.memory_space<vmem>> -> memref<64xi32, #tpu.memory_space<vmem>>
      %dma_start3A_85 = arith.constant 0 : i32
      %dma_start3A_86 = arith.constant 0 : i32
      %dma_start3A_87 = tpu.memref_slice %arg2[%dma_start3A_85, %dma_start3A_86] : memref<10000x128xf32, #tpu.memory_space<hbm>> -> memref<10000x128xf32, #tpu.memory_space<hbm>>
      tpu.enqueue_indirect_dma source(%dma_start3A_87 : memref<10000x128xf32, #tpu.memory_space<hbm>>) target(%dma_start3A_81 : memref<64x128xf32, #tpu.memory_space<vmem>>) offsets(%dma_start3A_84 : memref<64xi32, #tpu.memory_space<vmem>>) semaphore(%arg9 : memref<!tpu.dma_semaphore, #tpu.memory_space<semaphore_mem>>)
      %dma_start3A_88 = arith.constant 0 : i32
      %dma_start3A_89 = arith.constant 64 : i32
      %dma_start3A_90 = arith.constant 0 : i32
      %dma_start3A_91 = tpu.memref_slice %arg6[%dma_start3A_89, %dma_start3A_90] : memref<128x128xf32, #tpu.memory_space<vmem>> -> memref<64x128xf32, #tpu.memory_space<vmem>>
      %dma_start3A_92 = arith.constant 64 : i32
      %dma_start3A_93 = tpu.memref_slice %arg5[%dma_start3A_88, %dma_start3A_92] : memref<2x5120xi32, #tpu.memory_space<vmem>> -> memref<1x64xi32, #tpu.memory_space<vmem>>
      %dma_start3A_94 = tpu.memref_squeeze %dma_start3A_93 : memref<1x64xi32, #tpu.memory_space<vmem>> -> memref<64xi32, #tpu.memory_space<vmem>>
      %dma_start3A_95 = arith.constant 0 : i32
      %dma_start3A_96 = arith.constant 0 : i32
      %dma_start3A_97 = tpu.memref_slice %arg2[%dma_start3A_95, %dma_start3A_96] : memref<10000x128xf32, #tpu.memory_space<hbm>> -> memref<10000x128xf32, #tpu.memory_space<hbm>>
      tpu.enqueue_indirect_dma source(%dma_start3A_97 : memref<10000x128xf32, #tpu.memory_space<hbm>>) target(%dma_start3A_91 : memref<64x128xf32, #tpu.memory_space<vmem>>) offsets(%dma_start3A_94 : memref<64xi32, #tpu.memory_space<vmem>>) semaphore(%arg9 : memref<!tpu.dma_semaphore, #tpu.memory_space<semaphore_mem>>)
      %scan3A_98 = arith.constant 0 : i32
      %scan3A_99 = arith.constant 19 : i32
      %scan3A_100 = arith.addi %scan3A_98, %scan3A_99 : i32
      %scan3A_101 = arith.constant 1 : i32
      scf.for %scan3A_103 = %scan3A_98 to %scan3A_100 step %scan3A_101  : i32 {
        %mul3A_104 = arith.constant 2 : i32
        %mul3A_105 = arith.muli %scan3A_103, %mul3A_104 : i32
        %add3A_106 = arith.constant 0 : i32
        %add3A_107 = arith.addi %add3A_106, %mul3A_105 : i32
        %add3A_108 = arith.constant 1 : i32
        %add3A_109 = arith.addi %add3A_107, %add3A_108 : i32
        %mul3A_110 = arith.constant 128 : i32
        %mul3A_111 = arith.muli %add3A_109, %mul3A_110 : i32
        %dma_start3A_112 = arith.constant 0 : i32
        %dma_start3A_113 = arith.constant 0 : i32
        %dma_start3A_114 = arith.constant 0 : i32
        %dma_start3A_115 = tpu.memref_slice %arg7[%dma_start3A_113, %dma_start3A_114] : memref<128x128xf32, #tpu.memory_space<vmem>> -> memref<64x128xf32, #tpu.memory_space<vmem>>
        %dma_start3A_116 = tpu.memref_slice %arg5[%dma_start3A_112, %mul3A_111] : memref<2x5120xi32, #tpu.memory_space<vmem>> -> memref<1x64xi32, #tpu.memory_space<vmem>>
        %dma_start3A_117 = tpu.memref_squeeze %dma_start3A_116 : memref<1x64xi32, #tpu.memory_space<vmem>> -> memref<64xi32, #tpu.memory_space<vmem>>
        %dma_start3A_118 = arith.constant 0 : i32
        %dma_start3A_119 = arith.constant 0 : i32
        %dma_start3A_120 = tpu.memref_slice %arg2[%dma_start3A_118, %dma_start3A_119] : memref<10000x128xf32, #tpu.memory_space<hbm>> -> memref<10000x128xf32, #tpu.memory_space<hbm>>
        tpu.enqueue_indirect_dma source(%dma_start3A_120 : memref<10000x128xf32, #tpu.memory_space<hbm>>) target(%dma_start3A_115 : memref<64x128xf32, #tpu.memory_space<vmem>>) offsets(%dma_start3A_117 : memref<64xi32, #tpu.memory_space<vmem>>) semaphore(%arg10 : memref<!tpu.dma_semaphore, #tpu.memory_space<semaphore_mem>>)
        %mul3A_121 = arith.constant 128 : i32
        %mul3A_122 = arith.muli %add3A_109, %mul3A_121 : i32
        %add3A_123 = arith.constant 64 : i32
        %add3A_124 = arith.addi %mul3A_122, %add3A_123 : i32
        %dma_start3A_125 = arith.constant 0 : i32
        %dma_start3A_126 = arith.constant 64 : i32
        %dma_start3A_127 = arith.constant 0 : i32
        %dma_start3A_128 = tpu.memref_slice %arg7[%dma_start3A_126, %dma_start3A_127] : memref<128x128xf32, #tpu.memory_space<vmem>> -> memref<64x128xf32, #tpu.memory_space<vmem>>
        %dma_start3A_129 = tpu.memref_slice %arg5[%dma_start3A_125, %add3A_124] : memref<2x5120xi32, #tpu.memory_space<vmem>> -> memref<1x64xi32, #tpu.memory_space<vmem>>
        %dma_start3A_130 = tpu.memref_squeeze %dma_start3A_129 : memref<1x64xi32, #tpu.memory_space<vmem>> -> memref<64xi32, #tpu.memory_space<vmem>>
        %dma_start3A_131 = arith.constant 0 : i32
        %dma_start3A_132 = arith.constant 0 : i32
        %dma_start3A_133 = tpu.memref_slice %arg2[%dma_start3A_131, %dma_start3A_132] : memref<10000x128xf32, #tpu.memory_space<hbm>> -> memref<10000x128xf32, #tpu.memory_space<hbm>>
        tpu.enqueue_indirect_dma source(%dma_start3A_133 : memref<10000x128xf32, #tpu.memory_space<hbm>>) target(%dma_start3A_128 : memref<64x128xf32, #tpu.memory_space<vmem>>) offsets(%dma_start3A_130 : memref<64xi32, #tpu.memory_space<vmem>>) semaphore(%arg10 : memref<!tpu.dma_semaphore, #tpu.memory_space<semaphore_mem>>)
        %dma_wait3A = arith.constant 0 : i32
        %dma_wait3A_134 = arith.constant 0 : i32
        %dma_wait3A_135 = tpu.memref_slice %arg2[%dma_wait3A, %dma_wait3A_134] : memref<10000x128xf32, #tpu.memory_space<hbm>> -> memref<128x128xf32, #tpu.memory_space<hbm>>
        %dma_wait3A_136 = arith.constant 0 : i32
        %dma_wait3A_137 = arith.constant 0 : i32
        %dma_wait3A_138 = tpu.memref_slice %arg2[%dma_wait3A_136, %dma_wait3A_137] : memref<10000x128xf32, #tpu.memory_space<hbm>> -> memref<128x128xf32, #tpu.memory_space<hbm>>
        tpu.wait_dma2 semaphore(%arg9 : memref<!tpu.dma_semaphore, #tpu.memory_space<semaphore_mem>>) src(%dma_wait3A_138 : memref<128x128xf32, #tpu.memory_space<hbm>>) dst(%arg6 : memref<128x128xf32, #tpu.memory_space<vmem>>)
        %mul3A_139 = arith.constant 128 : i32
        %mul3A_140 = arith.muli %add3A_107, %mul3A_139 : i32
        %run_scoped3A = arith.constant 1 : i32
        "tpu.region"() ({
          %run_scoped3A_159 = tpu.sem_alloc : memref<!tpu.dma_semaphore, #tpu.memory_space<semaphore_mem>>
          %dma_start3A_160 = tpu.memref_slice %arg5[%run_scoped3A, %mul3A_140] : memref<2x5120xi32, #tpu.memory_space<vmem>> -> memref<1x128xi32, #tpu.memory_space<vmem>>
          %dma_start3A_161 = tpu.memref_squeeze %dma_start3A_160 : memref<1x128xi32, #tpu.memory_space<vmem>> -> memref<128xi32, #tpu.memory_space<vmem>>
          %dma_start3A_162 = arith.constant 0 : i32
          %dma_start3A_163 = arith.constant 0 : i32
          %dma_start3A_164 = tpu.memref_slice %arg8[%dma_start3A_162, %dma_start3A_163] : memref<10112x128xf32, #tpu.memory_space<vmem_shared>> -> memref<10112x128xf32, #tpu.memory_space<vmem_shared>>
          tpu.enqueue_indirect_dma source(%arg6 : memref<128x128xf32, #tpu.memory_space<vmem>>) target(%dma_start3A_164 : memref<10112x128xf32, #tpu.memory_space<vmem_shared>>) offsets(%dma_start3A_161 : memref<128xi32, #tpu.memory_space<vmem>>) semaphore(%run_scoped3A_159 : memref<!tpu.dma_semaphore, #tpu.memory_space<semaphore_mem>>) {add = true}
          %dma_wait3A_165 = tpu.memref_slice %arg5[%run_scoped3A, %mul3A_140] : memref<2x5120xi32, #tpu.memory_space<vmem>> -> memref<1x128xi32, #tpu.memory_space<vmem>>
          %dma_wait3A_166 = tpu.memref_squeeze %dma_wait3A_165 : memref<1x128xi32, #tpu.memory_space<vmem>> -> memref<128xi32, #tpu.memory_space<vmem>>
          %dma_wait3A_167 = arith.constant 0 : i32
          %dma_wait3A_168 = arith.constant 0 : i32
          %dma_wait3A_169 = tpu.memref_slice %arg8[%dma_wait3A_167, %dma_wait3A_168] : memref<10112x128xf32, #tpu.memory_space<vmem_shared>> -> memref<10112x128xf32, #tpu.memory_space<vmem_shared>>
          tpu.wait_indirect_dma semaphore(%run_scoped3A_159 : memref<!tpu.dma_semaphore, #tpu.memory_space<semaphore_mem>>) src(%arg6 : memref<128x128xf32, #tpu.memory_space<vmem>>) dst(%dma_wait3A_169 : memref<10112x128xf32, #tpu.memory_space<vmem_shared>>)
          tpu.yield
        }) : () -> ()
        %add3A_141 = arith.constant 2 : i32
        %add3A_142 = arith.addi %add3A_107, %add3A_141 : i32
        %lt3A_143 = arith.constant 38 : i32
        %lt3A_144 = arith.cmpi slt, %add3A_142, %lt3A_143 : i32
        %convert_element_type3A_145 = arith.extui %lt3A_144 : i1 to i32
        %cond3A_146 = arith.constant 0 : i32
        %cond3A_147 = arith.cmpi ne, %convert_element_type3A_145, %cond3A_146 : i32
        scf.if %cond3A_147 {
          %add3A_159 = arith.constant 2 : i32
          %add3A_160 = arith.addi %add3A_107, %add3A_159 : i32
          %mul3A_161 = arith.constant 128 : i32
          %mul3A_162 = arith.muli %add3A_160, %mul3A_161 : i32
          %dma_start3A_163 = arith.constant 0 : i32
          %dma_start3A_164 = arith.constant 0 : i32
          %dma_start3A_165 = arith.constant 0 : i32
          %dma_start3A_166 = tpu.memref_slice %arg6[%dma_start3A_164, %dma_start3A_165] : memref<128x128xf32, #tpu.memory_space<vmem>> -> memref<64x128xf32, #tpu.memory_space<vmem>>
          %dma_start3A_167 = tpu.memref_slice %arg5[%dma_start3A_163, %mul3A_162] : memref<2x5120xi32, #tpu.memory_space<vmem>> -> memref<1x64xi32, #tpu.memory_space<vmem>>
          %dma_start3A_168 = tpu.memref_squeeze %dma_start3A_167 : memref<1x64xi32, #tpu.memory_space<vmem>> -> memref<64xi32, #tpu.memory_space<vmem>>
          %dma_start3A_169 = arith.constant 0 : i32
          %dma_start3A_170 = arith.constant 0 : i32
          %dma_start3A_171 = tpu.memref_slice %arg2[%dma_start3A_169, %dma_start3A_170] : memref<10000x128xf32, #tpu.memory_space<hbm>> -> memref<10000x128xf32, #tpu.memory_space<hbm>>
          tpu.enqueue_indirect_dma source(%dma_start3A_171 : memref<10000x128xf32, #tpu.memory_space<hbm>>) target(%dma_start3A_166 : memref<64x128xf32, #tpu.memory_space<vmem>>) offsets(%dma_start3A_168 : memref<64xi32, #tpu.memory_space<vmem>>) semaphore(%arg9 : memref<!tpu.dma_semaphore, #tpu.memory_space<semaphore_mem>>)
          %mul3A_172 = arith.constant 128 : i32
          %mul3A_173 = arith.muli %add3A_160, %mul3A_172 : i32
          %add3A_174 = arith.constant 64 : i32
          %add3A_175 = arith.addi %mul3A_173, %add3A_174 : i32
          %dma_start3A_176 = arith.constant 0 : i32
          %dma_start3A_177 = arith.constant 64 : i32
          %dma_start3A_178 = arith.constant 0 : i32
          %dma_start3A_179 = tpu.memref_slice %arg6[%dma_start3A_177, %dma_start3A_178] : memref<128x128xf32, #tpu.memory_space<vmem>> -> memref<64x128xf32, #tpu.memory_space<vmem>>
          %dma_start3A_180 = tpu.memref_slice %arg5[%dma_start3A_176, %add3A_175] : memref<2x5120xi32, #tpu.memory_space<vmem>> -> memref<1x64xi32, #tpu.memory_space<vmem>>
          %dma_start3A_181 = tpu.memref_squeeze %dma_start3A_180 : memref<1x64xi32, #tpu.memory_space<vmem>> -> memref<64xi32, #tpu.memory_space<vmem>>
          %dma_start3A_182 = arith.constant 0 : i32
          %dma_start3A_183 = arith.constant 0 : i32
          %dma_start3A_184 = tpu.memref_slice %arg2[%dma_start3A_182, %dma_start3A_183] : memref<10000x128xf32, #tpu.memory_space<hbm>> -> memref<10000x128xf32, #tpu.memory_space<hbm>>
          tpu.enqueue_indirect_dma source(%dma_start3A_184 : memref<10000x128xf32, #tpu.memory_space<hbm>>) target(%dma_start3A_179 : memref<64x128xf32, #tpu.memory_space<vmem>>) offsets(%dma_start3A_181 : memref<64xi32, #tpu.memory_space<vmem>>) semaphore(%arg9 : memref<!tpu.dma_semaphore, #tpu.memory_space<semaphore_mem>>)
        } else {
        }
        %dma_wait3A_148 = arith.constant 0 : i32
        %dma_wait3A_149 = arith.constant 0 : i32
        %dma_wait3A_150 = tpu.memref_slice %arg2[%dma_wait3A_148, %dma_wait3A_149] : memref<10000x128xf32, #tpu.memory_space<hbm>> -> memref<128x128xf32, #tpu.memory_space<hbm>>
        %dma_wait3A_151 = arith.constant 0 : i32
        %dma_wait3A_152 = arith.constant 0 : i32
        %dma_wait3A_153 = tpu.memref_slice %arg2[%dma_wait3A_151, %dma_wait3A_152] : memref<10000x128xf32, #tpu.memory_space<hbm>> -> memref<128x128xf32, #tpu.memory_space<hbm>>
        tpu.wait_dma2 semaphore(%arg10 : memref<!tpu.dma_semaphore, #tpu.memory_space<semaphore_mem>>) src(%dma_wait3A_153 : memref<128x128xf32, #tpu.memory_space<hbm>>) dst(%arg7 : memref<128x128xf32, #tpu.memory_space<vmem>>)
        %add3A_154 = arith.constant 1 : i32
        %add3A_155 = arith.addi %add3A_107, %add3A_154 : i32
        %mul3A_156 = arith.constant 128 : i32
        %mul3A_157 = arith.muli %add3A_155, %mul3A_156 : i32
        %run_scoped3A_158 = arith.constant 1 : i32
        "tpu.region"() ({
          %run_scoped3A_159 = tpu.sem_alloc : memref<!tpu.dma_semaphore, #tpu.memory_space<semaphore_mem>>
          %dma_start3A_160 = tpu.memref_slice %arg5[%run_scoped3A_158, %mul3A_157] : memref<2x5120xi32, #tpu.memory_space<vmem>> -> memref<1x128xi32, #tpu.memory_space<vmem>>
          %dma_start3A_161 = tpu.memref_squeeze %dma_start3A_160 : memref<1x128xi32, #tpu.memory_space<vmem>> -> memref<128xi32, #tpu.memory_space<vmem>>
          %dma_start3A_162 = arith.constant 0 : i32
          %dma_start3A_163 = arith.constant 0 : i32
          %dma_start3A_164 = tpu.memref_slice %arg8[%dma_start3A_162, %dma_start3A_163] : memref<10112x128xf32, #tpu.memory_space<vmem_shared>> -> memref<10112x128xf32, #tpu.memory_space<vmem_shared>>
          tpu.enqueue_indirect_dma source(%arg7 : memref<128x128xf32, #tpu.memory_space<vmem>>) target(%dma_start3A_164 : memref<10112x128xf32, #tpu.memory_space<vmem_shared>>) offsets(%dma_start3A_161 : memref<128xi32, #tpu.memory_space<vmem>>) semaphore(%run_scoped3A_159 : memref<!tpu.dma_semaphore, #tpu.memory_space<semaphore_mem>>) {add = true}
          %dma_wait3A_165 = tpu.memref_slice %arg5[%run_scoped3A_158, %mul3A_157] : memref<2x5120xi32, #tpu.memory_space<vmem>> -> memref<1x128xi32, #tpu.memory_space<vmem>>
          %dma_wait3A_166 = tpu.memref_squeeze %dma_wait3A_165 : memref<1x128xi32, #tpu.memory_space<vmem>> -> memref<128xi32, #tpu.memory_space<vmem>>
          %dma_wait3A_167 = arith.constant 0 : i32
          %dma_wait3A_168 = arith.constant 0 : i32
          %dma_wait3A_169 = tpu.memref_slice %arg8[%dma_wait3A_167, %dma_wait3A_168] : memref<10112x128xf32, #tpu.memory_space<vmem_shared>> -> memref<10112x128xf32, #tpu.memory_space<vmem_shared>>
          tpu.wait_indirect_dma semaphore(%run_scoped3A_159 : memref<!tpu.dma_semaphore, #tpu.memory_space<semaphore_mem>>) src(%arg7 : memref<128x128xf32, #tpu.memory_space<vmem>>) dst(%dma_wait3A_169 : memref<10112x128xf32, #tpu.memory_space<vmem_shared>>)
          tpu.yield
        }) : () -> ()
      }
      %scan3A_102 = arith.constant 19 : i32
    } else {
    }
    %barrier3A_71 = arith.constant 0 : index
    tpu.barrier barrier_id(%barrier3A_71)
    %mul3A_72 = arith.constant 632 : i32
    %mul3A_73 = arith.muli %arg1, %mul3A_72 : i32
    %mul3A_74 = arith.constant 632 : i32
    %mul3A_75 = arith.muli %arg1, %mul3A_74 : i32
    "tpu.region"() ({
      %run_scoped3A = tpu.sem_alloc : memref<!tpu.dma_semaphore, #tpu.memory_space<semaphore_mem>>
      %dma_start3A_76 = arith.constant 0 : i32
      %dma_start3A_77 = tpu.memref_slice %arg4[%arg0, %mul3A_75, %dma_start3A_76] : memref<2x10112x128xf32, #tpu.memory_space<hbm>> -> memref<1x632x128xf32, #tpu.memory_space<hbm>>
      %dma_start3A_78 = tpu.memref_squeeze %dma_start3A_77 : memref<1x632x128xf32, #tpu.memory_space<hbm>> -> memref<632x128xf32, #tpu.memory_space<hbm>>
      %dma_start3A_79 = arith.constant 0 : i32
      %dma_start3A_80 = tpu.memref_slice %arg8[%mul3A_73, %dma_start3A_79] : memref<10112x128xf32, #tpu.memory_space<vmem_shared>> -> memref<632x128xf32, #tpu.memory_space<vmem_shared>>
      tpu.enqueue_dma source(%dma_start3A_80 : memref<632x128xf32, #tpu.memory_space<vmem_shared>>) target(%dma_start3A_78 : memref<632x128xf32, #tpu.memory_space<hbm>>) target_semaphore(%run_scoped3A : memref<!tpu.dma_semaphore, #tpu.memory_space<semaphore_mem>>)
      %dma_wait3A = arith.constant 0 : i32
      %dma_wait3A_81 = tpu.memref_slice %arg4[%arg0, %mul3A_75, %dma_wait3A] : memref<2x10112x128xf32, #tpu.memory_space<hbm>> -> memref<1x632x128xf32, #tpu.memory_space<hbm>>
      %dma_wait3A_82 = tpu.memref_squeeze %dma_wait3A_81 : memref<1x632x128xf32, #tpu.memory_space<hbm>> -> memref<632x128xf32, #tpu.memory_space<hbm>>
      %dma_wait3A_83 = arith.constant 0 : i32
      %dma_wait3A_84 = tpu.memref_slice %arg8[%mul3A_73, %dma_wait3A_83] : memref<10112x128xf32, #tpu.memory_space<vmem_shared>> -> memref<632x128xf32, #tpu.memory_space<vmem_shared>>
      tpu.wait_dma2 semaphore(%run_scoped3A : memref<!tpu.dma_semaphore, #tpu.memory_space<semaphore_mem>>) src(%dma_wait3A_84 : memref<632x128xf32, #tpu.memory_space<vmem_shared>>) dst(%dma_wait3A_82 : memref<632x128xf32, #tpu.memory_space<hbm>>)
      tpu.yield
    }) : () -> ()
    return
  }
}

#map = affine_map<(d0, d1) -> (0, 0)>
#map1 = affine_map<(d0, d1) -> (0, 0, 0)>
module attributes {stable_mosaic.version = 14 : i64} {
  func.func @agg_kernel(%arg0: i32, %arg1: i32, %arg2: memref<10000x128xf32, #tpu.memory_space<hbm>>, %arg3: memref<2x320000xi32, #tpu.memory_space<hbm>>, %arg4: memref<2x10112x128xf32, #tpu.memory_space<hbm>>, %arg5: memref<2x5120xi32, #tpu.memory_space<vmem>>, %arg6: memref<128x128xf32, #tpu.memory_space<vmem>>, %arg7: memref<128x128xf32, #tpu.memory_space<vmem>>, %arg8: memref<10112x128xf32, #tpu.memory_space<vmem_shared>>, %arg9: memref<!tpu.dma_semaphore, #tpu.memory_space<semaphore_mem>>, %arg10: memref<!tpu.dma_semaphore, #tpu.memory_space<semaphore_mem>>) attributes {dimension_semantics = [#tpu.dimension_semantics<core_parallel>, #tpu.dimension_semantics<subcore_parallel>], iteration_bounds = array<i64: 2, 16>, scalar_prefetch = 0 : i64, scratch_operands = 6 : i64, tpu.core_type = #tpu.core_type<sc_vector_subcore>, window_params = [{transform_indices = #map}, {transform_indices = #map}, {transform_indices = #map1}]} {
    %broadcast_in_dim3A = arith.constant 0.000000e+00 : f32
    %broadcast_in_dim3A_0 = vector.broadcast %broadcast_in_dim3A : f32 to vector<16xf32>
    %scan3A = arith.constant 0 : i32
    %scan3A_1 = arith.constant 128 : i32
    %scan3A_2 = arith.addi %scan3A, %scan3A_1 : i32
    %scan3A_3 = arith.constant 1 : i32
    scf.for %scan3A_76 = %scan3A to %scan3A_2 step %scan3A_3  : i32 {
      %mul3A_77 = arith.constant 1 : i32
      %mul3A_78 = arith.muli %scan3A_76, %mul3A_77 : i32
      %add3A_79 = arith.constant 0 : i32
      %add3A_80 = arith.addi %add3A_79, %mul3A_78 : i32
      %swap3A = arith.index_cast %add3A_80 : i32 to index
      %swap3A_81 = arith.constant 0 : index
      %swap3A_82 = tpu.vector_load %arg6[%swap3A, %swap3A_81] {strides = array<i32>} : memref<128x128xf32, #tpu.memory_space<vmem>>, vector<1x16xf32>,
      %swap3A_83 = vector.shape_cast %swap3A_82 : vector<1x16xf32> to vector<16xf32>
      %swap3A_84 = vector.shape_cast %broadcast_in_dim3A_0 : vector<16xf32> to vector<1x16xf32>
      tpu.vector_store %arg6[%swap3A, %swap3A_81], %swap3A_84 {strides = array<i32>} : memref<128x128xf32, #tpu.memory_space<vmem>>, vector<1x16xf32>,
      %swap3A_85 = arith.index_cast %add3A_80 : i32 to index
      %swap3A_86 = arith.constant 16 : index
      %swap3A_87 = tpu.vector_load %arg6[%swap3A_85, %swap3A_86] {strides = array<i32>} : memref<128x128xf32, #tpu.memory_space<vmem>>, vector<1x16xf32>,
      %swap3A_88 = vector.shape_cast %swap3A_87 : vector<1x16xf32> to vector<16xf32>
      %swap3A_89 = vector.shape_cast %broadcast_in_dim3A_0 : vector<16xf32> to vector<1x16xf32>
      tpu.vector_store %arg6[%swap3A_85, %swap3A_86], %swap3A_89 {strides = array<i32>} : memref<128x128xf32, #tpu.memory_space<vmem>>, vector<1x16xf32>,
      %swap3A_90 = arith.index_cast %add3A_80 : i32 to index
      %swap3A_91 = arith.constant 32 : index
      %swap3A_92 = tpu.vector_load %arg6[%swap3A_90, %swap3A_91] {strides = array<i32>} : memref<128x128xf32, #tpu.memory_space<vmem>>, vector<1x16xf32>,
      %swap3A_93 = vector.shape_cast %swap3A_92 : vector<1x16xf32> to vector<16xf32>
      %swap3A_94 = vector.shape_cast %broadcast_in_dim3A_0 : vector<16xf32> to vector<1x16xf32>
      tpu.vector_store %arg6[%swap3A_90, %swap3A_91], %swap3A_94 {strides = array<i32>} : memref<128x128xf32, #tpu.memory_space<vmem>>, vector<1x16xf32>,
      %swap3A_95 = arith.index_cast %add3A_80 : i32 to index
      %swap3A_96 = arith.constant 48 : index
      %swap3A_97 = tpu.vector_load %arg6[%swap3A_95, %swap3A_96] {strides = array<i32>} : memref<128x128xf32, #tpu.memory_space<vmem>>, vector<1x16xf32>,
      %swap3A_98 = vector.shape_cast %swap3A_97 : vector<1x16xf32> to vector<16xf32>
      %swap3A_99 = vector.shape_cast %broadcast_in_dim3A_0 : vector<16xf32> to vector<1x16xf32>
      tpu.vector_store %arg6[%swap3A_95, %swap3A_96], %swap3A_99 {strides = array<i32>} : memref<128x128xf32, #tpu.memory_space<vmem>>, vector<1x16xf32>,
      %swap3A_100 = arith.index_cast %add3A_80 : i32 to index
      %swap3A_101 = arith.constant 64 : index
      %swap3A_102 = tpu.vector_load %arg6[%swap3A_100, %swap3A_101] {strides = array<i32>} : memref<128x128xf32, #tpu.memory_space<vmem>>, vector<1x16xf32>,
      %swap3A_103 = vector.shape_cast %swap3A_102 : vector<1x16xf32> to vector<16xf32>
      %swap3A_104 = vector.shape_cast %broadcast_in_dim3A_0 : vector<16xf32> to vector<1x16xf32>
      tpu.vector_store %arg6[%swap3A_100, %swap3A_101], %swap3A_104 {strides = array<i32>} : memref<128x128xf32, #tpu.memory_space<vmem>>, vector<1x16xf32>,
      %swap3A_105 = arith.index_cast %add3A_80 : i32 to index
      %swap3A_106 = arith.constant 80 : index
      %swap3A_107 = tpu.vector_load %arg6[%swap3A_105, %swap3A_106] {strides = array<i32>} : memref<128x128xf32, #tpu.memory_space<vmem>>, vector<1x16xf32>,
      %swap3A_108 = vector.shape_cast %swap3A_107 : vector<1x16xf32> to vector<16xf32>
      %swap3A_109 = vector.shape_cast %broadcast_in_dim3A_0 : vector<16xf32> to vector<1x16xf32>
      tpu.vector_store %arg6[%swap3A_105, %swap3A_106], %swap3A_109 {strides = array<i32>} : memref<128x128xf32, #tpu.memory_space<vmem>>, vector<1x16xf32>,
      %swap3A_110 = arith.index_cast %add3A_80 : i32 to index
      %swap3A_111 = arith.constant 96 : index
      %swap3A_112 = tpu.vector_load %arg6[%swap3A_110, %swap3A_111] {strides = array<i32>} : memref<128x128xf32, #tpu.memory_space<vmem>>, vector<1x16xf32>,
      %swap3A_113 = vector.shape_cast %swap3A_112 : vector<1x16xf32> to vector<16xf32>
      %swap3A_114 = vector.shape_cast %broadcast_in_dim3A_0 : vector<16xf32> to vector<1x16xf32>
      tpu.vector_store %arg6[%swap3A_110, %swap3A_111], %swap3A_114 {strides = array<i32>} : memref<128x128xf32, #tpu.memory_space<vmem>>, vector<1x16xf32>,
      %swap3A_115 = arith.index_cast %add3A_80 : i32 to index
      %swap3A_116 = arith.constant 112 : index
      %swap3A_117 = tpu.vector_load %arg6[%swap3A_115, %swap3A_116] {strides = array<i32>} : memref<128x128xf32, #tpu.memory_space<vmem>>, vector<1x16xf32>,
      %swap3A_118 = vector.shape_cast %swap3A_117 : vector<1x16xf32> to vector<16xf32>
      %swap3A_119 = vector.shape_cast %broadcast_in_dim3A_0 : vector<16xf32> to vector<1x16xf32>
      tpu.vector_store %arg6[%swap3A_115, %swap3A_116], %swap3A_119 {strides = array<i32>} : memref<128x128xf32, #tpu.memory_space<vmem>>, vector<1x16xf32>,
    }
    %scan3A_4 = arith.constant 128 : i32
    %mul3A = arith.constant 632 : i32
    %mul3A_5 = arith.muli %arg1, %mul3A : i32
    %add3A = arith.constant 0 : i32
    %add3A_6 = arith.addi %mul3A_5, %add3A : i32
    "tpu.region"() ({
      %run_scoped3A = tpu.sem_alloc : memref<!tpu.dma_semaphore, #tpu.memory_space<semaphore_mem>>
      %dma_start3A_76 = arith.constant 0 : i32
      %dma_start3A_77 = tpu.memref_slice %arg8[%add3A_6, %dma_start3A_76] : memref<10112x128xf32, #tpu.memory_space<vmem_shared>> -> memref<128x128xf32, #tpu.memory_space<vmem_shared>>
      %dma_start3A_78 = arith.constant 0 : i32
      %dma_start3A_79 = tpu.memref_slice %arg8[%add3A_6, %dma_start3A_78] : memref<10112x128xf32, #tpu.memory_space<vmem_shared>> -> memref<128x128xf32, #tpu.memory_space<vmem_shared>>
      tpu.enqueue_dma source(%arg6 : memref<128x128xf32, #tpu.memory_space<vmem>>) target(%dma_start3A_79 : memref<128x128xf32, #tpu.memory_space<vmem_shared>>) target_semaphore(%run_scoped3A : memref<!tpu.dma_semaphore, #tpu.memory_space<semaphore_mem>>)
      %dma_wait3A = arith.constant 0 : i32
      %dma_wait3A_80 = tpu.memref_slice %arg8[%add3A_6, %dma_wait3A] : memref<10112x128xf32, #tpu.memory_space<vmem_shared>> -> memref<128x128xf32, #tpu.memory_space<vmem_shared>>
      %dma_wait3A_81 = arith.constant 0 : i32
      %dma_wait3A_82 = tpu.memref_slice %arg8[%add3A_6, %dma_wait3A_81] : memref<10112x128xf32, #tpu.memory_space<vmem_shared>> -> memref<128x128xf32, #tpu.memory_space<vmem_shared>>
      tpu.wait_dma2 semaphore(%run_scoped3A : memref<!tpu.dma_semaphore, #tpu.memory_space<semaphore_mem>>) src(%arg6 : memref<128x128xf32, #tpu.memory_space<vmem>>) dst(%dma_wait3A_82 : memref<128x128xf32, #tpu.memory_space<vmem_shared>>)
      tpu.yield
    }) : () -> ()
    %add3A_7 = arith.constant 128 : i32
    %add3A_8 = arith.addi %mul3A_5, %add3A_7 : i32
    "tpu.region"() ({
      %run_scoped3A = tpu.sem_alloc : memref<!tpu.dma_semaphore, #tpu.memory_space<semaphore_mem>>
      %dma_start3A_76 = arith.constant 0 : i32
      %dma_start3A_77 = tpu.memref_slice %arg8[%add3A_8, %dma_start3A_76] : memref<10112x128xf32, #tpu.memory_space<vmem_shared>> -> memref<128x128xf32, #tpu.memory_space<vmem_shared>>
      %dma_start3A_78 = arith.constant 0 : i32
      %dma_start3A_79 = tpu.memref_slice %arg8[%add3A_8, %dma_start3A_78] : memref<10112x128xf32, #tpu.memory_space<vmem_shared>> -> memref<128x128xf32, #tpu.memory_space<vmem_shared>>
      tpu.enqueue_dma source(%arg6 : memref<128x128xf32, #tpu.memory_space<vmem>>) target(%dma_start3A_79 : memref<128x128xf32, #tpu.memory_space<vmem_shared>>) target_semaphore(%run_scoped3A : memref<!tpu.dma_semaphore, #tpu.memory_space<semaphore_mem>>)
      %dma_wait3A = arith.constant 0 : i32
      %dma_wait3A_80 = tpu.memref_slice %arg8[%add3A_8, %dma_wait3A] : memref<10112x128xf32, #tpu.memory_space<vmem_shared>> -> memref<128x128xf32, #tpu.memory_space<vmem_shared>>
      %dma_wait3A_81 = arith.constant 0 : i32
      %dma_wait3A_82 = tpu.memref_slice %arg8[%add3A_8, %dma_wait3A_81] : memref<10112x128xf32, #tpu.memory_space<vmem_shared>> -> memref<128x128xf32, #tpu.memory_space<vmem_shared>>
      tpu.wait_dma2 semaphore(%run_scoped3A : memref<!tpu.dma_semaphore, #tpu.memory_space<semaphore_mem>>) src(%arg6 : memref<128x128xf32, #tpu.memory_space<vmem>>) dst(%dma_wait3A_82 : memref<128x128xf32, #tpu.memory_space<vmem_shared>>)
      tpu.yield
    }) : () -> ()
    %add3A_9 = arith.constant 256 : i32
    %add3A_10 = arith.addi %mul3A_5, %add3A_9 : i32
    "tpu.region"() ({
      %run_scoped3A = tpu.sem_alloc : memref<!tpu.dma_semaphore, #tpu.memory_space<semaphore_mem>>
      %dma_start3A_76 = arith.constant 0 : i32
      %dma_start3A_77 = tpu.memref_slice %arg8[%add3A_10, %dma_start3A_76] : memref<10112x128xf32, #tpu.memory_space<vmem_shared>> -> memref<128x128xf32, #tpu.memory_space<vmem_shared>>
      %dma_start3A_78 = arith.constant 0 : i32
      %dma_start3A_79 = tpu.memref_slice %arg8[%add3A_10, %dma_start3A_78] : memref<10112x128xf32, #tpu.memory_space<vmem_shared>> -> memref<128x128xf32, #tpu.memory_space<vmem_shared>>
      tpu.enqueue_dma source(%arg6 : memref<128x128xf32, #tpu.memory_space<vmem>>) target(%dma_start3A_79 : memref<128x128xf32, #tpu.memory_space<vmem_shared>>) target_semaphore(%run_scoped3A : memref<!tpu.dma_semaphore, #tpu.memory_space<semaphore_mem>>)
      %dma_wait3A = arith.constant 0 : i32
      %dma_wait3A_80 = tpu.memref_slice %arg8[%add3A_10, %dma_wait3A] : memref<10112x128xf32, #tpu.memory_space<vmem_shared>> -> memref<128x128xf32, #tpu.memory_space<vmem_shared>>
      %dma_wait3A_81 = arith.constant 0 : i32
      %dma_wait3A_82 = tpu.memref_slice %arg8[%add3A_10, %dma_wait3A_81] : memref<10112x128xf32, #tpu.memory_space<vmem_shared>> -> memref<128x128xf32, #tpu.memory_space<vmem_shared>>
      tpu.wait_dma2 semaphore(%run_scoped3A : memref<!tpu.dma_semaphore, #tpu.memory_space<semaphore_mem>>) src(%arg6 : memref<128x128xf32, #tpu.memory_space<vmem>>) dst(%dma_wait3A_82 : memref<128x128xf32, #tpu.memory_space<vmem_shared>>)
      tpu.yield
    }) : () -> ()
    %add3A_11 = arith.constant 384 : i32
    %add3A_12 = arith.addi %mul3A_5, %add3A_11 : i32
    "tpu.region"() ({
      %run_scoped3A = tpu.sem_alloc : memref<!tpu.dma_semaphore, #tpu.memory_space<semaphore_mem>>
      %dma_start3A_76 = arith.constant 0 : i32
      %dma_start3A_77 = tpu.memref_slice %arg8[%add3A_12, %dma_start3A_76] : memref<10112x128xf32, #tpu.memory_space<vmem_shared>> -> memref<128x128xf32, #tpu.memory_space<vmem_shared>>
      %dma_start3A_78 = arith.constant 0 : i32
      %dma_start3A_79 = tpu.memref_slice %arg8[%add3A_12, %dma_start3A_78] : memref<10112x128xf32, #tpu.memory_space<vmem_shared>> -> memref<128x128xf32, #tpu.memory_space<vmem_shared>>
      tpu.enqueue_dma source(%arg6 : memref<128x128xf32, #tpu.memory_space<vmem>>) target(%dma_start3A_79 : memref<128x128xf32, #tpu.memory_space<vmem_shared>>) target_semaphore(%run_scoped3A : memref<!tpu.dma_semaphore, #tpu.memory_space<semaphore_mem>>)
      %dma_wait3A = arith.constant 0 : i32
      %dma_wait3A_80 = tpu.memref_slice %arg8[%add3A_12, %dma_wait3A] : memref<10112x128xf32, #tpu.memory_space<vmem_shared>> -> memref<128x128xf32, #tpu.memory_space<vmem_shared>>
      %dma_wait3A_81 = arith.constant 0 : i32
      %dma_wait3A_82 = tpu.memref_slice %arg8[%add3A_12, %dma_wait3A_81] : memref<10112x128xf32, #tpu.memory_space<vmem_shared>> -> memref<128x128xf32, #tpu.memory_space<vmem_shared>>
      tpu.wait_dma2 semaphore(%run_scoped3A : memref<!tpu.dma_semaphore, #tpu.memory_space<semaphore_mem>>) src(%arg6 : memref<128x128xf32, #tpu.memory_space<vmem>>) dst(%dma_wait3A_82 : memref<128x128xf32, #tpu.memory_space<vmem_shared>>)
      tpu.yield
    }) : () -> ()
    %add3A_13 = arith.constant 512 : i32
    %add3A_14 = arith.addi %mul3A_5, %add3A_13 : i32
    "tpu.region"() ({
      %run_scoped3A = tpu.sem_alloc : memref<!tpu.dma_semaphore, #tpu.memory_space<semaphore_mem>>
      %dma_start3A_76 = arith.constant 0 : i32
      %dma_start3A_77 = arith.constant 0 : i32
      %dma_start3A_78 = tpu.memref_slice %arg6[%dma_start3A_76, %dma_start3A_77] : memref<128x128xf32, #tpu.memory_space<vmem>> -> memref<120x128xf32, #tpu.memory_space<vmem>>
      %dma_start3A_79 = arith.constant 0 : i32
      %dma_start3A_80 = tpu.memref_slice %arg8[%add3A_14, %dma_start3A_79] : memref<10112x128xf32, #tpu.memory_space<vmem_shared>> -> memref<120x128xf32, #tpu.memory_space<vmem_shared>>
      %dma_start3A_81 = arith.constant 0 : i32
      %dma_start3A_82 = tpu.memref_slice %arg8[%add3A_14, %dma_start3A_81] : memref<10112x128xf32, #tpu.memory_space<vmem_shared>> -> memref<120x128xf32, #tpu.memory_space<vmem_shared>>
      %dma_start3A_83 = arith.constant 0 : i32
      %dma_start3A_84 = arith.constant 0 : i32
      %dma_start3A_85 = tpu.memref_slice %arg6[%dma_start3A_83, %dma_start3A_84] : memref<128x128xf32, #tpu.memory_space<vmem>> -> memref<120x128xf32, #tpu.memory_space<vmem>>
      tpu.enqueue_dma source(%dma_start3A_85 : memref<120x128xf32, #tpu.memory_space<vmem>>) target(%dma_start3A_82 : memref<120x128xf32, #tpu.memory_space<vmem_shared>>) target_semaphore(%run_scoped3A : memref<!tpu.dma_semaphore, #tpu.memory_space<semaphore_mem>>)
      %dma_wait3A = arith.constant 0 : i32
      %dma_wait3A_86 = arith.constant 0 : i32
      %dma_wait3A_87 = tpu.memref_slice %arg6[%dma_wait3A, %dma_wait3A_86] : memref<128x128xf32, #tpu.memory_space<vmem>> -> memref<120x128xf32, #tpu.memory_space<vmem>>
      %dma_wait3A_88 = arith.constant 0 : i32
      %dma_wait3A_89 = tpu.memref_slice %arg8[%add3A_14, %dma_wait3A_88] : memref<10112x128xf32, #tpu.memory_space<vmem_shared>> -> memref<120x128xf32, #tpu.memory_space<vmem_shared>>
      %dma_wait3A_90 = arith.constant 0 : i32
      %dma_wait3A_91 = tpu.memref_slice %arg8[%add3A_14, %dma_wait3A_90] : memref<10112x128xf32, #tpu.memory_space<vmem_shared>> -> memref<120x128xf32, #tpu.memory_space<vmem_shared>>
      %dma_wait3A_92 = arith.constant 0 : i32
      %dma_wait3A_93 = arith.constant 0 : i32
      %dma_wait3A_94 = tpu.memref_slice %arg6[%dma_wait3A_92, %dma_wait3A_93] : memref<128x128xf32, #tpu.memory_space<vmem>> -> memref<120x128xf32, #tpu.memory_space<vmem>>
      tpu.wait_dma2 semaphore(%run_scoped3A : memref<!tpu.dma_semaphore, #tpu.memory_space<semaphore_mem>>) src(%dma_wait3A_94 : memref<120x128xf32, #tpu.memory_space<vmem>>) dst(%dma_wait3A_91 : memref<120x128xf32, #tpu.memory_space<vmem_shared>>)
      tpu.yield
    }) : () -> ()
    %barrier3A = arith.constant 0 : index
    tpu.barrier barrier_id(%barrier3A)
    %lt3A = arith.constant 0 : i32
    %lt3A_15 = arith.cmpi slt, %arg0, %lt3A : i32
    %jit3A = arith.constant 1 : i32
    %jit3A_16 = arith.constant 0 : i32
    %select_n3A = arith.select %lt3A_15, %jit3A, %jit3A_16 : i32
    %add3A_17 = arith.constant 2 : i32
    %add3A_18 = arith.addi %add3A_17, %select_n3A : i32
    %mul3A_19 = arith.constant 16 : i32
    %mul3A_20 = arith.muli %arg0, %mul3A_19 : i32
    %mul3A_21 = arith.constant 78 : i32
    %mul3A_22 = arith.muli %mul3A_20, %mul3A_21 : i32
    %mul3A_23 = arith.constant 2 : i32
    %mul3A_24 = arith.muli %arg0, %mul3A_23 : i32
    %add3A_25 = arith.addi %mul3A_22, %mul3A_24 : i32
    %min3A = arith.constant 0 : i32
    %min3A_26 = arith.minsi %arg0, %min3A : i32
    %add3A_27 = arith.addi %add3A_25, %min3A_26 : i32
    %lt3A_28 = arith.cmpi slt, %arg1, %add3A_18 : i32
    %mul3A_29 = arith.constant 79 : i32
    %mul3A_30 = arith.muli %arg1, %mul3A_29 : i32
    %mul3A_31 = arith.constant 79 : i32
    %mul3A_32 = arith.muli %add3A_18, %mul3A_31 : i32
    %sub3A = arith.subi %arg1, %add3A_18 : i32
    %mul3A_33 = arith.constant 78 : i32
    %mul3A_34 = arith.muli %sub3A, %mul3A_33 : i32
    %add3A_35 = arith.addi %mul3A_32, %mul3A_34 : i32
    %select_n3A_36 = arith.select %lt3A_28, %mul3A_30, %add3A_35 : i32
    %add3A_37 = arith.addi %add3A_27, %select_n3A_36 : i32
    %mul3A_38 = arith.constant 128 : i32
    %mul3A_39 = arith.muli %add3A_37, %mul3A_38 : i32
    %multiple_of3A = tpu.assume_multiple %mul3A_39, 128 : i32
    %add3A_40 = arith.constant 0 : i32
    %add3A_41 = arith.addi %multiple_of3A, %add3A_40 : i32
    "tpu.region"() ({
      %run_scoped3A = tpu.sem_alloc : memref<!tpu.dma_semaphore, #tpu.memory_space<semaphore_mem>>
      %dma_start3A_76 = arith.constant 0 : i32
      %dma_start3A_77 = arith.constant 0 : i32
      %dma_start3A_78 = tpu.memref_slice %arg5[%dma_start3A_76, %dma_start3A_77] : memref<2x5120xi32, #tpu.memory_space<vmem>> -> memref<2x5120xi32, #tpu.memory_space<vmem>>
      %dma_start3A_79 = arith.constant 0 : i32
      %dma_start3A_80 = tpu.memref_slice %arg3[%dma_start3A_79, %add3A_41] : memref<2x320000xi32, #tpu.memory_space<hbm>> -> memref<2x5120xi32, #tpu.memory_space<hbm>>
      %dma_start3A_81 = arith.constant 0 : i32
      %dma_start3A_82 = arith.constant 0 : i32
      %dma_start3A_83 = tpu.memref_slice %arg5[%dma_start3A_81, %dma_start3A_82] : memref<2x5120xi32, #tpu.memory_space<vmem>> -> memref<2x5120xi32, #tpu.memory_space<vmem>>
      %dma_start3A_84 = arith.constant 0 : i32
      %dma_start3A_85 = tpu.memref_slice %arg3[%dma_start3A_84, %add3A_41] : memref<2x320000xi32, #tpu.memory_space<hbm>> -> memref<2x5120xi32, #tpu.memory_space<hbm>>
      tpu.enqueue_dma source(%dma_start3A_85 : memref<2x5120xi32, #tpu.memory_space<hbm>>) target(%dma_start3A_83 : memref<2x5120xi32, #tpu.memory_space<vmem>>) target_semaphore(%run_scoped3A : memref<!tpu.dma_semaphore, #tpu.memory_space<semaphore_mem>>)
      %dma_wait3A = arith.constant 0 : i32
      %dma_wait3A_86 = arith.constant 0 : i32
      %dma_wait3A_87 = tpu.memref_slice %arg5[%dma_wait3A, %dma_wait3A_86] : memref<2x5120xi32, #tpu.memory_space<vmem>> -> memref<2x5120xi32, #tpu.memory_space<vmem>>
      %dma_wait3A_88 = arith.constant 0 : i32
      %dma_wait3A_89 = tpu.memref_slice %arg3[%dma_wait3A_88, %add3A_41] : memref<2x320000xi32, #tpu.memory_space<hbm>> -> memref<2x5120xi32, #tpu.memory_space<hbm>>
      %dma_wait3A_90 = arith.constant 0 : i32
      %dma_wait3A_91 = arith.constant 0 : i32
      %dma_wait3A_92 = tpu.memref_slice %arg5[%dma_wait3A_90, %dma_wait3A_91] : memref<2x5120xi32, #tpu.memory_space<vmem>> -> memref<2x5120xi32, #tpu.memory_space<vmem>>
      %dma_wait3A_93 = arith.constant 0 : i32
      %dma_wait3A_94 = tpu.memref_slice %arg3[%dma_wait3A_93, %add3A_41] : memref<2x320000xi32, #tpu.memory_space<hbm>> -> memref<2x5120xi32, #tpu.memory_space<hbm>>
      tpu.wait_dma2 semaphore(%run_scoped3A : memref<!tpu.dma_semaphore, #tpu.memory_space<semaphore_mem>>) src(%dma_wait3A_94 : memref<2x5120xi32, #tpu.memory_space<hbm>>) dst(%dma_wait3A_92 : memref<2x5120xi32, #tpu.memory_space<vmem>>)
      tpu.yield
    }) : () -> ()
    %dma_start3A = arith.constant 0 : i32
    %dma_start3A_42 = arith.constant 0 : i32
    %dma_start3A_43 = arith.constant 0 : i32
    %dma_start3A_44 = tpu.memref_slice %arg6[%dma_start3A_42, %dma_start3A_43] : memref<128x128xf32, #tpu.memory_space<vmem>> -> memref<64x128xf32, #tpu.memory_space<vmem>>
    %dma_start3A_45 = arith.constant 0 : i32
    %dma_start3A_46 = tpu.memref_slice %arg5[%dma_start3A, %dma_start3A_45] : memref<2x5120xi32, #tpu.memory_space<vmem>> -> memref<1x64xi32, #tpu.memory_space<vmem>>
    %dma_start3A_47 = tpu.memref_squeeze %dma_start3A_46 : memref<1x64xi32, #tpu.memory_space<vmem>> -> memref<64xi32, #tpu.memory_space<vmem>>
    %dma_start3A_48 = arith.constant 0 : i32
    %dma_start3A_49 = arith.constant 0 : i32
    %dma_start3A_50 = tpu.memref_slice %arg2[%dma_start3A_48, %dma_start3A_49] : memref<10000x128xf32, #tpu.memory_space<hbm>> -> memref<10000x128xf32, #tpu.memory_space<hbm>>
    tpu.enqueue_indirect_dma source(%dma_start3A_50 : memref<10000x128xf32, #tpu.memory_space<hbm>>) target(%dma_start3A_44 : memref<64x128xf32, #tpu.memory_space<vmem>>) offsets(%dma_start3A_47 : memref<64xi32, #tpu.memory_space<vmem>>) semaphore(%arg9 : memref<!tpu.dma_semaphore, #tpu.memory_space<semaphore_mem>>)
    %dma_start3A_51 = arith.constant 0 : i32
    %dma_start3A_52 = arith.constant 64 : i32
    %dma_start3A_53 = arith.constant 0 : i32
    %dma_start3A_54 = tpu.memref_slice %arg6[%dma_start3A_52, %dma_start3A_53] : memref<128x128xf32, #tpu.memory_space<vmem>> -> memref<64x128xf32, #tpu.memory_space<vmem>>
    %dma_start3A_55 = arith.constant 64 : i32
    %dma_start3A_56 = tpu.memref_slice %arg5[%dma_start3A_51, %dma_start3A_55] : memref<2x5120xi32, #tpu.memory_space<vmem>> -> memref<1x64xi32, #tpu.memory_space<vmem>>
    %dma_start3A_57 = tpu.memref_squeeze %dma_start3A_56 : memref<1x64xi32, #tpu.memory_space<vmem>> -> memref<64xi32, #tpu.memory_space<vmem>>
    %dma_start3A_58 = arith.constant 0 : i32
    %dma_start3A_59 = arith.constant 0 : i32
    %dma_start3A_60 = tpu.memref_slice %arg2[%dma_start3A_58, %dma_start3A_59] : memref<10000x128xf32, #tpu.memory_space<hbm>> -> memref<10000x128xf32, #tpu.memory_space<hbm>>
    tpu.enqueue_indirect_dma source(%dma_start3A_60 : memref<10000x128xf32, #tpu.memory_space<hbm>>) target(%dma_start3A_54 : memref<64x128xf32, #tpu.memory_space<vmem>>) offsets(%dma_start3A_57 : memref<64xi32, #tpu.memory_space<vmem>>) semaphore(%arg9 : memref<!tpu.dma_semaphore, #tpu.memory_space<semaphore_mem>>)
    %scan3A_61 = arith.constant 0 : i32
    %scan3A_62 = arith.constant 20 : i32
    %scan3A_63 = arith.addi %scan3A_61, %scan3A_62 : i32
    %scan3A_64 = arith.constant 1 : i32
    scf.for %scan3A_76 = %scan3A_61 to %scan3A_63 step %scan3A_64  : i32 {
      %mul3A_77 = arith.constant 2 : i32
      %mul3A_78 = arith.muli %scan3A_76, %mul3A_77 : i32
      %add3A_79 = arith.constant 0 : i32
      %add3A_80 = arith.addi %add3A_79, %mul3A_78 : i32
      %add3A_81 = arith.constant 1 : i32
      %add3A_82 = arith.addi %add3A_80, %add3A_81 : i32
      %mul3A_83 = arith.constant 128 : i32
      %mul3A_84 = arith.muli %add3A_82, %mul3A_83 : i32
      %dma_start3A_85 = arith.constant 0 : i32
      %dma_start3A_86 = arith.constant 0 : i32
      %dma_start3A_87 = arith.constant 0 : i32
      %dma_start3A_88 = tpu.memref_slice %arg7[%dma_start3A_86, %dma_start3A_87] : memref<128x128xf32, #tpu.memory_space<vmem>> -> memref<64x128xf32, #tpu.memory_space<vmem>>
      %dma_start3A_89 = tpu.memref_slice %arg5[%dma_start3A_85, %mul3A_84] : memref<2x5120xi32, #tpu.memory_space<vmem>> -> memref<1x64xi32, #tpu.memory_space<vmem>>
      %dma_start3A_90 = tpu.memref_squeeze %dma_start3A_89 : memref<1x64xi32, #tpu.memory_space<vmem>> -> memref<64xi32, #tpu.memory_space<vmem>>
      %dma_start3A_91 = arith.constant 0 : i32
      %dma_start3A_92 = arith.constant 0 : i32
      %dma_start3A_93 = tpu.memref_slice %arg2[%dma_start3A_91, %dma_start3A_92] : memref<10000x128xf32, #tpu.memory_space<hbm>> -> memref<10000x128xf32, #tpu.memory_space<hbm>>
      tpu.enqueue_indirect_dma source(%dma_start3A_93 : memref<10000x128xf32, #tpu.memory_space<hbm>>) target(%dma_start3A_88 : memref<64x128xf32, #tpu.memory_space<vmem>>) offsets(%dma_start3A_90 : memref<64xi32, #tpu.memory_space<vmem>>) semaphore(%arg10 : memref<!tpu.dma_semaphore, #tpu.memory_space<semaphore_mem>>)
      %mul3A_94 = arith.constant 128 : i32
      %mul3A_95 = arith.muli %add3A_82, %mul3A_94 : i32
      %add3A_96 = arith.constant 64 : i32
      %add3A_97 = arith.addi %mul3A_95, %add3A_96 : i32
      %dma_start3A_98 = arith.constant 0 : i32
      %dma_start3A_99 = arith.constant 64 : i32
      %dma_start3A_100 = arith.constant 0 : i32
      %dma_start3A_101 = tpu.memref_slice %arg7[%dma_start3A_99, %dma_start3A_100] : memref<128x128xf32, #tpu.memory_space<vmem>> -> memref<64x128xf32, #tpu.memory_space<vmem>>
      %dma_start3A_102 = tpu.memref_slice %arg5[%dma_start3A_98, %add3A_97] : memref<2x5120xi32, #tpu.memory_space<vmem>> -> memref<1x64xi32, #tpu.memory_space<vmem>>
      %dma_start3A_103 = tpu.memref_squeeze %dma_start3A_102 : memref<1x64xi32, #tpu.memory_space<vmem>> -> memref<64xi32, #tpu.memory_space<vmem>>
      %dma_start3A_104 = arith.constant 0 : i32
      %dma_start3A_105 = arith.constant 0 : i32
      %dma_start3A_106 = tpu.memref_slice %arg2[%dma_start3A_104, %dma_start3A_105] : memref<10000x128xf32, #tpu.memory_space<hbm>> -> memref<10000x128xf32, #tpu.memory_space<hbm>>
      tpu.enqueue_indirect_dma source(%dma_start3A_106 : memref<10000x128xf32, #tpu.memory_space<hbm>>) target(%dma_start3A_101 : memref<64x128xf32, #tpu.memory_space<vmem>>) offsets(%dma_start3A_103 : memref<64xi32, #tpu.memory_space<vmem>>) semaphore(%arg10 : memref<!tpu.dma_semaphore, #tpu.memory_space<semaphore_mem>>)
      %dma_wait3A = arith.constant 0 : i32
      %dma_wait3A_107 = arith.constant 0 : i32
      %dma_wait3A_108 = tpu.memref_slice %arg2[%dma_wait3A, %dma_wait3A_107] : memref<10000x128xf32, #tpu.memory_space<hbm>> -> memref<128x128xf32, #tpu.memory_space<hbm>>
      %dma_wait3A_109 = arith.constant 0 : i32
      %dma_wait3A_110 = arith.constant 0 : i32
      %dma_wait3A_111 = tpu.memref_slice %arg2[%dma_wait3A_109, %dma_wait3A_110] : memref<10000x128xf32, #tpu.memory_space<hbm>> -> memref<128x128xf32, #tpu.memory_space<hbm>>
      tpu.wait_dma2 semaphore(%arg9 : memref<!tpu.dma_semaphore, #tpu.memory_space<semaphore_mem>>) src(%dma_wait3A_111 : memref<128x128xf32, #tpu.memory_space<hbm>>) dst(%arg6 : memref<128x128xf32, #tpu.memory_space<vmem>>)
      %mul3A_112 = arith.constant 128 : i32
      %mul3A_113 = arith.muli %add3A_80, %mul3A_112 : i32
      %run_scoped3A = arith.constant 1 : i32
      "tpu.region"() ({
        %run_scoped3A_132 = tpu.sem_alloc : memref<!tpu.dma_semaphore, #tpu.memory_space<semaphore_mem>>
        %dma_start3A_133 = tpu.memref_slice %arg5[%run_scoped3A, %mul3A_113] : memref<2x5120xi32, #tpu.memory_space<vmem>> -> memref<1x128xi32, #tpu.memory_space<vmem>>
        %dma_start3A_134 = tpu.memref_squeeze %dma_start3A_133 : memref<1x128xi32, #tpu.memory_space<vmem>> -> memref<128xi32, #tpu.memory_space<vmem>>
        %dma_start3A_135 = arith.constant 0 : i32
        %dma_start3A_136 = arith.constant 0 : i32
        %dma_start3A_137 = tpu.memref_slice %arg8[%dma_start3A_135, %dma_start3A_136] : memref<10112x128xf32, #tpu.memory_space<vmem_shared>> -> memref<10112x128xf32, #tpu.memory_space<vmem_shared>>
        tpu.enqueue_indirect_dma source(%arg6 : memref<128x128xf32, #tpu.memory_space<vmem>>) target(%dma_start3A_137 : memref<10112x128xf32, #tpu.memory_space<vmem_shared>>) offsets(%dma_start3A_134 : memref<128xi32, #tpu.memory_space<vmem>>) semaphore(%run_scoped3A_132 : memref<!tpu.dma_semaphore, #tpu.memory_space<semaphore_mem>>) {add = true}
        %dma_wait3A_138 = tpu.memref_slice %arg5[%run_scoped3A, %mul3A_113] : memref<2x5120xi32, #tpu.memory_space<vmem>> -> memref<1x128xi32, #tpu.memory_space<vmem>>
        %dma_wait3A_139 = tpu.memref_squeeze %dma_wait3A_138 : memref<1x128xi32, #tpu.memory_space<vmem>> -> memref<128xi32, #tpu.memory_space<vmem>>
        %dma_wait3A_140 = arith.constant 0 : i32
        %dma_wait3A_141 = arith.constant 0 : i32
        %dma_wait3A_142 = tpu.memref_slice %arg8[%dma_wait3A_140, %dma_wait3A_141] : memref<10112x128xf32, #tpu.memory_space<vmem_shared>> -> memref<10112x128xf32, #tpu.memory_space<vmem_shared>>
        tpu.wait_indirect_dma semaphore(%run_scoped3A_132 : memref<!tpu.dma_semaphore, #tpu.memory_space<semaphore_mem>>) src(%arg6 : memref<128x128xf32, #tpu.memory_space<vmem>>) dst(%dma_wait3A_142 : memref<10112x128xf32, #tpu.memory_space<vmem_shared>>)
        tpu.yield
      }) : () -> ()
      %add3A_114 = arith.constant 2 : i32
      %add3A_115 = arith.addi %add3A_80, %add3A_114 : i32
      %lt3A_116 = arith.constant 40 : i32
      %lt3A_117 = arith.cmpi slt, %add3A_115, %lt3A_116 : i32
      %convert_element_type3A_118 = arith.extui %lt3A_117 : i1 to i32
      %cond3A_119 = arith.constant 0 : i32
      %cond3A_120 = arith.cmpi ne, %convert_element_type3A_118, %cond3A_119 : i32
      scf.if %cond3A_120 {
        %add3A_132 = arith.constant 2 : i32
        %add3A_133 = arith.addi %add3A_80, %add3A_132 : i32
        %mul3A_134 = arith.constant 128 : i32
        %mul3A_135 = arith.muli %add3A_133, %mul3A_134 : i32
        %dma_start3A_136 = arith.constant 0 : i32
        %dma_start3A_137 = arith.constant 0 : i32
        %dma_start3A_138 = arith.constant 0 : i32
        %dma_start3A_139 = tpu.memref_slice %arg6[%dma_start3A_137, %dma_start3A_138] : memref<128x128xf32, #tpu.memory_space<vmem>> -> memref<64x128xf32, #tpu.memory_space<vmem>>
        %dma_start3A_140 = tpu.memref_slice %arg5[%dma_start3A_136, %mul3A_135] : memref<2x5120xi32, #tpu.memory_space<vmem>> -> memref<1x64xi32, #tpu.memory_space<vmem>>
        %dma_start3A_141 = tpu.memref_squeeze %dma_start3A_140 : memref<1x64xi32, #tpu.memory_space<vmem>> -> memref<64xi32, #tpu.memory_space<vmem>>
        %dma_start3A_142 = arith.constant 0 : i32
        %dma_start3A_143 = arith.constant 0 : i32
        %dma_start3A_144 = tpu.memref_slice %arg2[%dma_start3A_142, %dma_start3A_143] : memref<10000x128xf32, #tpu.memory_space<hbm>> -> memref<10000x128xf32, #tpu.memory_space<hbm>>
        tpu.enqueue_indirect_dma source(%dma_start3A_144 : memref<10000x128xf32, #tpu.memory_space<hbm>>) target(%dma_start3A_139 : memref<64x128xf32, #tpu.memory_space<vmem>>) offsets(%dma_start3A_141 : memref<64xi32, #tpu.memory_space<vmem>>) semaphore(%arg9 : memref<!tpu.dma_semaphore, #tpu.memory_space<semaphore_mem>>)
        %mul3A_145 = arith.constant 128 : i32
        %mul3A_146 = arith.muli %add3A_133, %mul3A_145 : i32
        %add3A_147 = arith.constant 64 : i32
        %add3A_148 = arith.addi %mul3A_146, %add3A_147 : i32
        %dma_start3A_149 = arith.constant 0 : i32
        %dma_start3A_150 = arith.constant 64 : i32
        %dma_start3A_151 = arith.constant 0 : i32
        %dma_start3A_152 = tpu.memref_slice %arg6[%dma_start3A_150, %dma_start3A_151] : memref<128x128xf32, #tpu.memory_space<vmem>> -> memref<64x128xf32, #tpu.memory_space<vmem>>
        %dma_start3A_153 = tpu.memref_slice %arg5[%dma_start3A_149, %add3A_148] : memref<2x5120xi32, #tpu.memory_space<vmem>> -> memref<1x64xi32, #tpu.memory_space<vmem>>
        %dma_start3A_154 = tpu.memref_squeeze %dma_start3A_153 : memref<1x64xi32, #tpu.memory_space<vmem>> -> memref<64xi32, #tpu.memory_space<vmem>>
        %dma_start3A_155 = arith.constant 0 : i32
        %dma_start3A_156 = arith.constant 0 : i32
        %dma_start3A_157 = tpu.memref_slice %arg2[%dma_start3A_155, %dma_start3A_156] : memref<10000x128xf32, #tpu.memory_space<hbm>> -> memref<10000x128xf32, #tpu.memory_space<hbm>>
        tpu.enqueue_indirect_dma source(%dma_start3A_157 : memref<10000x128xf32, #tpu.memory_space<hbm>>) target(%dma_start3A_152 : memref<64x128xf32, #tpu.memory_space<vmem>>) offsets(%dma_start3A_154 : memref<64xi32, #tpu.memory_space<vmem>>) semaphore(%arg9 : memref<!tpu.dma_semaphore, #tpu.memory_space<semaphore_mem>>)
      } else {
      }
      %dma_wait3A_121 = arith.constant 0 : i32
      %dma_wait3A_122 = arith.constant 0 : i32
      %dma_wait3A_123 = tpu.memref_slice %arg2[%dma_wait3A_121, %dma_wait3A_122] : memref<10000x128xf32, #tpu.memory_space<hbm>> -> memref<128x128xf32, #tpu.memory_space<hbm>>
      %dma_wait3A_124 = arith.constant 0 : i32
      %dma_wait3A_125 = arith.constant 0 : i32
      %dma_wait3A_126 = tpu.memref_slice %arg2[%dma_wait3A_124, %dma_wait3A_125] : memref<10000x128xf32, #tpu.memory_space<hbm>> -> memref<128x128xf32, #tpu.memory_space<hbm>>
      tpu.wait_dma2 semaphore(%arg10 : memref<!tpu.dma_semaphore, #tpu.memory_space<semaphore_mem>>) src(%dma_wait3A_126 : memref<128x128xf32, #tpu.memory_space<hbm>>) dst(%arg7 : memref<128x128xf32, #tpu.memory_space<vmem>>)
      %add3A_127 = arith.constant 1 : i32
      %add3A_128 = arith.addi %add3A_80, %add3A_127 : i32
      %mul3A_129 = arith.constant 128 : i32
      %mul3A_130 = arith.muli %add3A_128, %mul3A_129 : i32
      %run_scoped3A_131 = arith.constant 1 : i32
      "tpu.region"() ({
        %run_scoped3A_132 = tpu.sem_alloc : memref<!tpu.dma_semaphore, #tpu.memory_space<semaphore_mem>>
        %dma_start3A_133 = tpu.memref_slice %arg5[%run_scoped3A_131, %mul3A_130] : memref<2x5120xi32, #tpu.memory_space<vmem>> -> memref<1x128xi32, #tpu.memory_space<vmem>>
        %dma_start3A_134 = tpu.memref_squeeze %dma_start3A_133 : memref<1x128xi32, #tpu.memory_space<vmem>> -> memref<128xi32, #tpu.memory_space<vmem>>
        %dma_start3A_135 = arith.constant 0 : i32
        %dma_start3A_136 = arith.constant 0 : i32
        %dma_start3A_137 = tpu.memref_slice %arg8[%dma_start3A_135, %dma_start3A_136] : memref<10112x128xf32, #tpu.memory_space<vmem_shared>> -> memref<10112x128xf32, #tpu.memory_space<vmem_shared>>
        tpu.enqueue_indirect_dma source(%arg7 : memref<128x128xf32, #tpu.memory_space<vmem>>) target(%dma_start3A_137 : memref<10112x128xf32, #tpu.memory_space<vmem_shared>>) offsets(%dma_start3A_134 : memref<128xi32, #tpu.memory_space<vmem>>) semaphore(%run_scoped3A_132 : memref<!tpu.dma_semaphore, #tpu.memory_space<semaphore_mem>>) {add = true}
        %dma_wait3A_138 = tpu.memref_slice %arg5[%run_scoped3A_131, %mul3A_130] : memref<2x5120xi32, #tpu.memory_space<vmem>> -> memref<1x128xi32, #tpu.memory_space<vmem>>
        %dma_wait3A_139 = tpu.memref_squeeze %dma_wait3A_138 : memref<1x128xi32, #tpu.memory_space<vmem>> -> memref<128xi32, #tpu.memory_space<vmem>>
        %dma_wait3A_140 = arith.constant 0 : i32
        %dma_wait3A_141 = arith.constant 0 : i32
        %dma_wait3A_142 = tpu.memref_slice %arg8[%dma_wait3A_140, %dma_wait3A_141] : memref<10112x128xf32, #tpu.memory_space<vmem_shared>> -> memref<10112x128xf32, #tpu.memory_space<vmem_shared>>
        tpu.wait_indirect_dma semaphore(%run_scoped3A_132 : memref<!tpu.dma_semaphore, #tpu.memory_space<semaphore_mem>>) src(%arg7 : memref<128x128xf32, #tpu.memory_space<vmem>>) dst(%dma_wait3A_142 : memref<10112x128xf32, #tpu.memory_space<vmem_shared>>)
        tpu.yield
      }) : () -> ()
    }
    %scan3A_65 = arith.constant 20 : i32
    %convert_element_type3A = arith.extui %lt3A_28 : i1 to i32
    %cond3A = arith.constant 0 : i32
    %cond3A_66 = arith.cmpi ne, %convert_element_type3A, %cond3A : i32
    scf.if %cond3A_66 {
      %add3A_76 = arith.constant 5120 : i32
      %add3A_77 = arith.addi %multiple_of3A, %add3A_76 : i32
      "tpu.region"() ({
        %run_scoped3A_128 = tpu.sem_alloc : memref<!tpu.dma_semaphore, #tpu.memory_space<semaphore_mem>>
        %dma_start3A_129 = arith.constant 0 : i32
        %dma_start3A_130 = arith.constant 0 : i32
        %dma_start3A_131 = tpu.memref_slice %arg5[%dma_start3A_129, %dma_start3A_130] : memref<2x5120xi32, #tpu.memory_space<vmem>> -> memref<2x4992xi32, #tpu.memory_space<vmem>>
        %dma_start3A_132 = arith.constant 0 : i32
        %dma_start3A_133 = tpu.memref_slice %arg3[%dma_start3A_132, %add3A_77] : memref<2x320000xi32, #tpu.memory_space<hbm>> -> memref<2x4992xi32, #tpu.memory_space<hbm>>
        %dma_start3A_134 = arith.constant 0 : i32
        %dma_start3A_135 = arith.constant 0 : i32
        %dma_start3A_136 = tpu.memref_slice %arg5[%dma_start3A_134, %dma_start3A_135] : memref<2x5120xi32, #tpu.memory_space<vmem>> -> memref<2x4992xi32, #tpu.memory_space<vmem>>
        %dma_start3A_137 = arith.constant 0 : i32
        %dma_start3A_138 = tpu.memref_slice %arg3[%dma_start3A_137, %add3A_77] : memref<2x320000xi32, #tpu.memory_space<hbm>> -> memref<2x4992xi32, #tpu.memory_space<hbm>>
        tpu.enqueue_dma source(%dma_start3A_138 : memref<2x4992xi32, #tpu.memory_space<hbm>>) target(%dma_start3A_136 : memref<2x4992xi32, #tpu.memory_space<vmem>>) target_semaphore(%run_scoped3A_128 : memref<!tpu.dma_semaphore, #tpu.memory_space<semaphore_mem>>)
        %dma_wait3A_139 = arith.constant 0 : i32
        %dma_wait3A_140 = arith.constant 0 : i32
        %dma_wait3A_141 = tpu.memref_slice %arg5[%dma_wait3A_139, %dma_wait3A_140] : memref<2x5120xi32, #tpu.memory_space<vmem>> -> memref<2x4992xi32, #tpu.memory_space<vmem>>
        %dma_wait3A_142 = arith.constant 0 : i32
        %dma_wait3A_143 = tpu.memref_slice %arg3[%dma_wait3A_142, %add3A_77] : memref<2x320000xi32, #tpu.memory_space<hbm>> -> memref<2x4992xi32, #tpu.memory_space<hbm>>
        %dma_wait3A_144 = arith.constant 0 : i32
        %dma_wait3A_145 = arith.constant 0 : i32
        %dma_wait3A_146 = tpu.memref_slice %arg5[%dma_wait3A_144, %dma_wait3A_145] : memref<2x5120xi32, #tpu.memory_space<vmem>> -> memref<2x4992xi32, #tpu.memory_space<vmem>>
        %dma_wait3A_147 = arith.constant 0 : i32
        %dma_wait3A_148 = tpu.memref_slice %arg3[%dma_wait3A_147, %add3A_77] : memref<2x320000xi32, #tpu.memory_space<hbm>> -> memref<2x4992xi32, #tpu.memory_space<hbm>>
        tpu.wait_dma2 semaphore(%run_scoped3A_128 : memref<!tpu.dma_semaphore, #tpu.memory_space<semaphore_mem>>) src(%dma_wait3A_148 : memref<2x4992xi32, #tpu.memory_space<hbm>>) dst(%dma_wait3A_146 : memref<2x4992xi32, #tpu.memory_space<vmem>>)
        tpu.yield
      }) : () -> ()
      %dma_start3A_78 = arith.constant 0 : i32
      %dma_start3A_79 = arith.constant 0 : i32
      %dma_start3A_80 = arith.constant 0 : i32
      %dma_start3A_81 = tpu.memref_slice %arg6[%dma_start3A_79, %dma_start3A_80] : memref<128x128xf32, #tpu.memory_space<vmem>> -> memref<64x128xf32, #tpu.memory_space<vmem>>
      %dma_start3A_82 = arith.constant 0 : i32
      %dma_start3A_83 = tpu.memref_slice %arg5[%dma_start3A_78, %dma_start3A_82] : memref<2x5120xi32, #tpu.memory_space<vmem>> -> memref<1x64xi32, #tpu.memory_space<vmem>>
      %dma_start3A_84 = tpu.memref_squeeze %dma_start3A_83 : memref<1x64xi32, #tpu.memory_space<vmem>> -> memref<64xi32, #tpu.memory_space<vmem>>
      %dma_start3A_85 = arith.constant 0 : i32
      %dma_start3A_86 = arith.constant 0 : i32
      %dma_start3A_87 = tpu.memref_slice %arg2[%dma_start3A_85, %dma_start3A_86] : memref<10000x128xf32, #tpu.memory_space<hbm>> -> memref<10000x128xf32, #tpu.memory_space<hbm>>
      tpu.enqueue_indirect_dma source(%dma_start3A_87 : memref<10000x128xf32, #tpu.memory_space<hbm>>) target(%dma_start3A_81 : memref<64x128xf32, #tpu.memory_space<vmem>>) offsets(%dma_start3A_84 : memref<64xi32, #tpu.memory_space<vmem>>) semaphore(%arg9 : memref<!tpu.dma_semaphore, #tpu.memory_space<semaphore_mem>>)
      %dma_start3A_88 = arith.constant 0 : i32
      %dma_start3A_89 = arith.constant 64 : i32
      %dma_start3A_90 = arith.constant 0 : i32
      %dma_start3A_91 = tpu.memref_slice %arg6[%dma_start3A_89, %dma_start3A_90] : memref<128x128xf32, #tpu.memory_space<vmem>> -> memref<64x128xf32, #tpu.memory_space<vmem>>
      %dma_start3A_92 = arith.constant 64 : i32
      %dma_start3A_93 = tpu.memref_slice %arg5[%dma_start3A_88, %dma_start3A_92] : memref<2x5120xi32, #tpu.memory_space<vmem>> -> memref<1x64xi32, #tpu.memory_space<vmem>>
      %dma_start3A_94 = tpu.memref_squeeze %dma_start3A_93 : memref<1x64xi32, #tpu.memory_space<vmem>> -> memref<64xi32, #tpu.memory_space<vmem>>
      %dma_start3A_95 = arith.constant 0 : i32
      %dma_start3A_96 = arith.constant 0 : i32
      %dma_start3A_97 = tpu.memref_slice %arg2[%dma_start3A_95, %dma_start3A_96] : memref<10000x128xf32, #tpu.memory_space<hbm>> -> memref<10000x128xf32, #tpu.memory_space<hbm>>
      tpu.enqueue_indirect_dma source(%dma_start3A_97 : memref<10000x128xf32, #tpu.memory_space<hbm>>) target(%dma_start3A_91 : memref<64x128xf32, #tpu.memory_space<vmem>>) offsets(%dma_start3A_94 : memref<64xi32, #tpu.memory_space<vmem>>) semaphore(%arg9 : memref<!tpu.dma_semaphore, #tpu.memory_space<semaphore_mem>>)
      %scan3A_98 = arith.constant 0 : i32
      %scan3A_99 = arith.constant 19 : i32
      %scan3A_100 = arith.addi %scan3A_98, %scan3A_99 : i32
      %scan3A_101 = arith.constant 1 : i32
      scf.for %scan3A_128 = %scan3A_98 to %scan3A_100 step %scan3A_101  : i32 {
        %mul3A_129 = arith.constant 2 : i32
        %mul3A_130 = arith.muli %scan3A_128, %mul3A_129 : i32
        %add3A_131 = arith.constant 0 : i32
        %add3A_132 = arith.addi %add3A_131, %mul3A_130 : i32
        %add3A_133 = arith.constant 1 : i32
        %add3A_134 = arith.addi %add3A_132, %add3A_133 : i32
        %mul3A_135 = arith.constant 128 : i32
        %mul3A_136 = arith.muli %add3A_134, %mul3A_135 : i32
        %dma_start3A_137 = arith.constant 0 : i32
        %dma_start3A_138 = arith.constant 0 : i32
        %dma_start3A_139 = arith.constant 0 : i32
        %dma_start3A_140 = tpu.memref_slice %arg7[%dma_start3A_138, %dma_start3A_139] : memref<128x128xf32, #tpu.memory_space<vmem>> -> memref<64x128xf32, #tpu.memory_space<vmem>>
        %dma_start3A_141 = tpu.memref_slice %arg5[%dma_start3A_137, %mul3A_136] : memref<2x5120xi32, #tpu.memory_space<vmem>> -> memref<1x64xi32, #tpu.memory_space<vmem>>
        %dma_start3A_142 = tpu.memref_squeeze %dma_start3A_141 : memref<1x64xi32, #tpu.memory_space<vmem>> -> memref<64xi32, #tpu.memory_space<vmem>>
        %dma_start3A_143 = arith.constant 0 : i32
        %dma_start3A_144 = arith.constant 0 : i32
        %dma_start3A_145 = tpu.memref_slice %arg2[%dma_start3A_143, %dma_start3A_144] : memref<10000x128xf32, #tpu.memory_space<hbm>> -> memref<10000x128xf32, #tpu.memory_space<hbm>>
        tpu.enqueue_indirect_dma source(%dma_start3A_145 : memref<10000x128xf32, #tpu.memory_space<hbm>>) target(%dma_start3A_140 : memref<64x128xf32, #tpu.memory_space<vmem>>) offsets(%dma_start3A_142 : memref<64xi32, #tpu.memory_space<vmem>>) semaphore(%arg10 : memref<!tpu.dma_semaphore, #tpu.memory_space<semaphore_mem>>)
        %mul3A_146 = arith.constant 128 : i32
        %mul3A_147 = arith.muli %add3A_134, %mul3A_146 : i32
        %add3A_148 = arith.constant 64 : i32
        %add3A_149 = arith.addi %mul3A_147, %add3A_148 : i32
        %dma_start3A_150 = arith.constant 0 : i32
        %dma_start3A_151 = arith.constant 64 : i32
        %dma_start3A_152 = arith.constant 0 : i32
        %dma_start3A_153 = tpu.memref_slice %arg7[%dma_start3A_151, %dma_start3A_152] : memref<128x128xf32, #tpu.memory_space<vmem>> -> memref<64x128xf32, #tpu.memory_space<vmem>>
        %dma_start3A_154 = tpu.memref_slice %arg5[%dma_start3A_150, %add3A_149] : memref<2x5120xi32, #tpu.memory_space<vmem>> -> memref<1x64xi32, #tpu.memory_space<vmem>>
        %dma_start3A_155 = tpu.memref_squeeze %dma_start3A_154 : memref<1x64xi32, #tpu.memory_space<vmem>> -> memref<64xi32, #tpu.memory_space<vmem>>
        %dma_start3A_156 = arith.constant 0 : i32
        %dma_start3A_157 = arith.constant 0 : i32
        %dma_start3A_158 = tpu.memref_slice %arg2[%dma_start3A_156, %dma_start3A_157] : memref<10000x128xf32, #tpu.memory_space<hbm>> -> memref<10000x128xf32, #tpu.memory_space<hbm>>
        tpu.enqueue_indirect_dma source(%dma_start3A_158 : memref<10000x128xf32, #tpu.memory_space<hbm>>) target(%dma_start3A_153 : memref<64x128xf32, #tpu.memory_space<vmem>>) offsets(%dma_start3A_155 : memref<64xi32, #tpu.memory_space<vmem>>) semaphore(%arg10 : memref<!tpu.dma_semaphore, #tpu.memory_space<semaphore_mem>>)
        %dma_wait3A_159 = arith.constant 0 : i32
        %dma_wait3A_160 = arith.constant 0 : i32
        %dma_wait3A_161 = tpu.memref_slice %arg2[%dma_wait3A_159, %dma_wait3A_160] : memref<10000x128xf32, #tpu.memory_space<hbm>> -> memref<128x128xf32, #tpu.memory_space<hbm>>
        %dma_wait3A_162 = arith.constant 0 : i32
        %dma_wait3A_163 = arith.constant 0 : i32
        %dma_wait3A_164 = tpu.memref_slice %arg2[%dma_wait3A_162, %dma_wait3A_163] : memref<10000x128xf32, #tpu.memory_space<hbm>> -> memref<128x128xf32, #tpu.memory_space<hbm>>
        tpu.wait_dma2 semaphore(%arg9 : memref<!tpu.dma_semaphore, #tpu.memory_space<semaphore_mem>>) src(%dma_wait3A_164 : memref<128x128xf32, #tpu.memory_space<hbm>>) dst(%arg6 : memref<128x128xf32, #tpu.memory_space<vmem>>)
        %mul3A_165 = arith.constant 128 : i32
        %mul3A_166 = arith.muli %add3A_132, %mul3A_165 : i32
        %run_scoped3A_167 = arith.constant 1 : i32
        "tpu.region"() ({
          %run_scoped3A_186 = tpu.sem_alloc : memref<!tpu.dma_semaphore, #tpu.memory_space<semaphore_mem>>
          %dma_start3A_187 = tpu.memref_slice %arg5[%run_scoped3A_167, %mul3A_166] : memref<2x5120xi32, #tpu.memory_space<vmem>> -> memref<1x128xi32, #tpu.memory_space<vmem>>
          %dma_start3A_188 = tpu.memref_squeeze %dma_start3A_187 : memref<1x128xi32, #tpu.memory_space<vmem>> -> memref<128xi32, #tpu.memory_space<vmem>>
          %dma_start3A_189 = arith.constant 0 : i32
          %dma_start3A_190 = arith.constant 0 : i32
          %dma_start3A_191 = tpu.memref_slice %arg8[%dma_start3A_189, %dma_start3A_190] : memref<10112x128xf32, #tpu.memory_space<vmem_shared>> -> memref<10112x128xf32, #tpu.memory_space<vmem_shared>>
          tpu.enqueue_indirect_dma source(%arg6 : memref<128x128xf32, #tpu.memory_space<vmem>>) target(%dma_start3A_191 : memref<10112x128xf32, #tpu.memory_space<vmem_shared>>) offsets(%dma_start3A_188 : memref<128xi32, #tpu.memory_space<vmem>>) semaphore(%run_scoped3A_186 : memref<!tpu.dma_semaphore, #tpu.memory_space<semaphore_mem>>) {add = true}
          %dma_wait3A_192 = tpu.memref_slice %arg5[%run_scoped3A_167, %mul3A_166] : memref<2x5120xi32, #tpu.memory_space<vmem>> -> memref<1x128xi32, #tpu.memory_space<vmem>>
          %dma_wait3A_193 = tpu.memref_squeeze %dma_wait3A_192 : memref<1x128xi32, #tpu.memory_space<vmem>> -> memref<128xi32, #tpu.memory_space<vmem>>
          %dma_wait3A_194 = arith.constant 0 : i32
          %dma_wait3A_195 = arith.constant 0 : i32
          %dma_wait3A_196 = tpu.memref_slice %arg8[%dma_wait3A_194, %dma_wait3A_195] : memref<10112x128xf32, #tpu.memory_space<vmem_shared>> -> memref<10112x128xf32, #tpu.memory_space<vmem_shared>>
          tpu.wait_indirect_dma semaphore(%run_scoped3A_186 : memref<!tpu.dma_semaphore, #tpu.memory_space<semaphore_mem>>) src(%arg6 : memref<128x128xf32, #tpu.memory_space<vmem>>) dst(%dma_wait3A_196 : memref<10112x128xf32, #tpu.memory_space<vmem_shared>>)
          tpu.yield
        }) : () -> ()
        %add3A_168 = arith.constant 2 : i32
        %add3A_169 = arith.addi %add3A_132, %add3A_168 : i32
        %lt3A_170 = arith.constant 38 : i32
        %lt3A_171 = arith.cmpi slt, %add3A_169, %lt3A_170 : i32
        %convert_element_type3A_172 = arith.extui %lt3A_171 : i1 to i32
        %cond3A_173 = arith.constant 0 : i32
        %cond3A_174 = arith.cmpi ne, %convert_element_type3A_172, %cond3A_173 : i32
        scf.if %cond3A_174 {
          %add3A_186 = arith.constant 2 : i32
          %add3A_187 = arith.addi %add3A_132, %add3A_186 : i32
          %mul3A_188 = arith.constant 128 : i32
          %mul3A_189 = arith.muli %add3A_187, %mul3A_188 : i32
          %dma_start3A_190 = arith.constant 0 : i32
          %dma_start3A_191 = arith.constant 0 : i32
          %dma_start3A_192 = arith.constant 0 : i32
          %dma_start3A_193 = tpu.memref_slice %arg6[%dma_start3A_191, %dma_start3A_192] : memref<128x128xf32, #tpu.memory_space<vmem>> -> memref<64x128xf32, #tpu.memory_space<vmem>>
          %dma_start3A_194 = tpu.memref_slice %arg5[%dma_start3A_190, %mul3A_189] : memref<2x5120xi32, #tpu.memory_space<vmem>> -> memref<1x64xi32, #tpu.memory_space<vmem>>
          %dma_start3A_195 = tpu.memref_squeeze %dma_start3A_194 : memref<1x64xi32, #tpu.memory_space<vmem>> -> memref<64xi32, #tpu.memory_space<vmem>>
          %dma_start3A_196 = arith.constant 0 : i32
          %dma_start3A_197 = arith.constant 0 : i32
          %dma_start3A_198 = tpu.memref_slice %arg2[%dma_start3A_196, %dma_start3A_197] : memref<10000x128xf32, #tpu.memory_space<hbm>> -> memref<10000x128xf32, #tpu.memory_space<hbm>>
          tpu.enqueue_indirect_dma source(%dma_start3A_198 : memref<10000x128xf32, #tpu.memory_space<hbm>>) target(%dma_start3A_193 : memref<64x128xf32, #tpu.memory_space<vmem>>) offsets(%dma_start3A_195 : memref<64xi32, #tpu.memory_space<vmem>>) semaphore(%arg9 : memref<!tpu.dma_semaphore, #tpu.memory_space<semaphore_mem>>)
          %mul3A_199 = arith.constant 128 : i32
          %mul3A_200 = arith.muli %add3A_187, %mul3A_199 : i32
          %add3A_201 = arith.constant 64 : i32
          %add3A_202 = arith.addi %mul3A_200, %add3A_201 : i32
          %dma_start3A_203 = arith.constant 0 : i32
          %dma_start3A_204 = arith.constant 64 : i32
          %dma_start3A_205 = arith.constant 0 : i32
          %dma_start3A_206 = tpu.memref_slice %arg6[%dma_start3A_204, %dma_start3A_205] : memref<128x128xf32, #tpu.memory_space<vmem>> -> memref<64x128xf32, #tpu.memory_space<vmem>>
          %dma_start3A_207 = tpu.memref_slice %arg5[%dma_start3A_203, %add3A_202] : memref<2x5120xi32, #tpu.memory_space<vmem>> -> memref<1x64xi32, #tpu.memory_space<vmem>>
          %dma_start3A_208 = tpu.memref_squeeze %dma_start3A_207 : memref<1x64xi32, #tpu.memory_space<vmem>> -> memref<64xi32, #tpu.memory_space<vmem>>
          %dma_start3A_209 = arith.constant 0 : i32
          %dma_start3A_210 = arith.constant 0 : i32
          %dma_start3A_211 = tpu.memref_slice %arg2[%dma_start3A_209, %dma_start3A_210] : memref<10000x128xf32, #tpu.memory_space<hbm>> -> memref<10000x128xf32, #tpu.memory_space<hbm>>
          tpu.enqueue_indirect_dma source(%dma_start3A_211 : memref<10000x128xf32, #tpu.memory_space<hbm>>) target(%dma_start3A_206 : memref<64x128xf32, #tpu.memory_space<vmem>>) offsets(%dma_start3A_208 : memref<64xi32, #tpu.memory_space<vmem>>) semaphore(%arg9 : memref<!tpu.dma_semaphore, #tpu.memory_space<semaphore_mem>>)
        } else {
        }
        %dma_wait3A_175 = arith.constant 0 : i32
        %dma_wait3A_176 = arith.constant 0 : i32
        %dma_wait3A_177 = tpu.memref_slice %arg2[%dma_wait3A_175, %dma_wait3A_176] : memref<10000x128xf32, #tpu.memory_space<hbm>> -> memref<128x128xf32, #tpu.memory_space<hbm>>
        %dma_wait3A_178 = arith.constant 0 : i32
        %dma_wait3A_179 = arith.constant 0 : i32
        %dma_wait3A_180 = tpu.memref_slice %arg2[%dma_wait3A_178, %dma_wait3A_179] : memref<10000x128xf32, #tpu.memory_space<hbm>> -> memref<128x128xf32, #tpu.memory_space<hbm>>
        tpu.wait_dma2 semaphore(%arg10 : memref<!tpu.dma_semaphore, #tpu.memory_space<semaphore_mem>>) src(%dma_wait3A_180 : memref<128x128xf32, #tpu.memory_space<hbm>>) dst(%arg7 : memref<128x128xf32, #tpu.memory_space<vmem>>)
        %add3A_181 = arith.constant 1 : i32
        %add3A_182 = arith.addi %add3A_132, %add3A_181 : i32
        %mul3A_183 = arith.constant 128 : i32
        %mul3A_184 = arith.muli %add3A_182, %mul3A_183 : i32
        %run_scoped3A_185 = arith.constant 1 : i32
        "tpu.region"() ({
          %run_scoped3A_186 = tpu.sem_alloc : memref<!tpu.dma_semaphore, #tpu.memory_space<semaphore_mem>>
          %dma_start3A_187 = tpu.memref_slice %arg5[%run_scoped3A_185, %mul3A_184] : memref<2x5120xi32, #tpu.memory_space<vmem>> -> memref<1x128xi32, #tpu.memory_space<vmem>>
          %dma_start3A_188 = tpu.memref_squeeze %dma_start3A_187 : memref<1x128xi32, #tpu.memory_space<vmem>> -> memref<128xi32, #tpu.memory_space<vmem>>
          %dma_start3A_189 = arith.constant 0 : i32
          %dma_start3A_190 = arith.constant 0 : i32
          %dma_start3A_191 = tpu.memref_slice %arg8[%dma_start3A_189, %dma_start3A_190] : memref<10112x128xf32, #tpu.memory_space<vmem_shared>> -> memref<10112x128xf32, #tpu.memory_space<vmem_shared>>
          tpu.enqueue_indirect_dma source(%arg7 : memref<128x128xf32, #tpu.memory_space<vmem>>) target(%dma_start3A_191 : memref<10112x128xf32, #tpu.memory_space<vmem_shared>>) offsets(%dma_start3A_188 : memref<128xi32, #tpu.memory_space<vmem>>) semaphore(%run_scoped3A_186 : memref<!tpu.dma_semaphore, #tpu.memory_space<semaphore_mem>>) {add = true}
          %dma_wait3A_192 = tpu.memref_slice %arg5[%run_scoped3A_185, %mul3A_184] : memref<2x5120xi32, #tpu.memory_space<vmem>> -> memref<1x128xi32, #tpu.memory_space<vmem>>
          %dma_wait3A_193 = tpu.memref_squeeze %dma_wait3A_192 : memref<1x128xi32, #tpu.memory_space<vmem>> -> memref<128xi32, #tpu.memory_space<vmem>>
          %dma_wait3A_194 = arith.constant 0 : i32
          %dma_wait3A_195 = arith.constant 0 : i32
          %dma_wait3A_196 = tpu.memref_slice %arg8[%dma_wait3A_194, %dma_wait3A_195] : memref<10112x128xf32, #tpu.memory_space<vmem_shared>> -> memref<10112x128xf32, #tpu.memory_space<vmem_shared>>
          tpu.wait_indirect_dma semaphore(%run_scoped3A_186 : memref<!tpu.dma_semaphore, #tpu.memory_space<semaphore_mem>>) src(%arg7 : memref<128x128xf32, #tpu.memory_space<vmem>>) dst(%dma_wait3A_196 : memref<10112x128xf32, #tpu.memory_space<vmem_shared>>)
          tpu.yield
        }) : () -> ()
      }
      %scan3A_102 = arith.constant 19 : i32
      %dma_start3A_103 = arith.constant 0 : i32
      %dma_start3A_104 = arith.constant 0 : i32
      %dma_start3A_105 = arith.constant 0 : i32
      %dma_start3A_106 = tpu.memref_slice %arg6[%dma_start3A_104, %dma_start3A_105] : memref<128x128xf32, #tpu.memory_space<vmem>> -> memref<64x128xf32, #tpu.memory_space<vmem>>
      %dma_start3A_107 = arith.constant 4864 : i32
      %dma_start3A_108 = tpu.memref_slice %arg5[%dma_start3A_103, %dma_start3A_107] : memref<2x5120xi32, #tpu.memory_space<vmem>> -> memref<1x64xi32, #tpu.memory_space<vmem>>
      %dma_start3A_109 = tpu.memref_squeeze %dma_start3A_108 : memref<1x64xi32, #tpu.memory_space<vmem>> -> memref<64xi32, #tpu.memory_space<vmem>>
      %dma_start3A_110 = arith.constant 0 : i32
      %dma_start3A_111 = arith.constant 0 : i32
      %dma_start3A_112 = tpu.memref_slice %arg2[%dma_start3A_110, %dma_start3A_111] : memref<10000x128xf32, #tpu.memory_space<hbm>> -> memref<10000x128xf32, #tpu.memory_space<hbm>>
      tpu.enqueue_indirect_dma source(%dma_start3A_112 : memref<10000x128xf32, #tpu.memory_space<hbm>>) target(%dma_start3A_106 : memref<64x128xf32, #tpu.memory_space<vmem>>) offsets(%dma_start3A_109 : memref<64xi32, #tpu.memory_space<vmem>>) semaphore(%arg9 : memref<!tpu.dma_semaphore, #tpu.memory_space<semaphore_mem>>)
      %dma_start3A_113 = arith.constant 0 : i32
      %dma_start3A_114 = arith.constant 64 : i32
      %dma_start3A_115 = arith.constant 0 : i32
      %dma_start3A_116 = tpu.memref_slice %arg6[%dma_start3A_114, %dma_start3A_115] : memref<128x128xf32, #tpu.memory_space<vmem>> -> memref<64x128xf32, #tpu.memory_space<vmem>>
      %dma_start3A_117 = arith.constant 4928 : i32
      %dma_start3A_118 = tpu.memref_slice %arg5[%dma_start3A_113, %dma_start3A_117] : memref<2x5120xi32, #tpu.memory_space<vmem>> -> memref<1x64xi32, #tpu.memory_space<vmem>>
      %dma_start3A_119 = tpu.memref_squeeze %dma_start3A_118 : memref<1x64xi32, #tpu.memory_space<vmem>> -> memref<64xi32, #tpu.memory_space<vmem>>
      %dma_start3A_120 = arith.constant 0 : i32
      %dma_start3A_121 = arith.constant 0 : i32
      %dma_start3A_122 = tpu.memref_slice %arg2[%dma_start3A_120, %dma_start3A_121] : memref<10000x128xf32, #tpu.memory_space<hbm>> -> memref<10000x128xf32, #tpu.memory_space<hbm>>
      tpu.enqueue_indirect_dma source(%dma_start3A_122 : memref<10000x128xf32, #tpu.memory_space<hbm>>) target(%dma_start3A_116 : memref<64x128xf32, #tpu.memory_space<vmem>>) offsets(%dma_start3A_119 : memref<64xi32, #tpu.memory_space<vmem>>) semaphore(%arg9 : memref<!tpu.dma_semaphore, #tpu.memory_space<semaphore_mem>>)
      %dma_wait3A = arith.constant 0 : i32
      %dma_wait3A_123 = arith.constant 0 : i32
      %dma_wait3A_124 = tpu.memref_slice %arg2[%dma_wait3A, %dma_wait3A_123] : memref<10000x128xf32, #tpu.memory_space<hbm>> -> memref<128x128xf32, #tpu.memory_space<hbm>>
      %dma_wait3A_125 = arith.constant 0 : i32
      %dma_wait3A_126 = arith.constant 0 : i32
      %dma_wait3A_127 = tpu.memref_slice %arg2[%dma_wait3A_125, %dma_wait3A_126] : memref<10000x128xf32, #tpu.memory_space<hbm>> -> memref<128x128xf32, #tpu.memory_space<hbm>>
      tpu.wait_dma2 semaphore(%arg9 : memref<!tpu.dma_semaphore, #tpu.memory_space<semaphore_mem>>) src(%dma_wait3A_127 : memref<128x128xf32, #tpu.memory_space<hbm>>) dst(%arg6 : memref<128x128xf32, #tpu.memory_space<vmem>>)
      %run_scoped3A = arith.constant 1 : i32
      "tpu.region"() ({
        %run_scoped3A_128 = tpu.sem_alloc : memref<!tpu.dma_semaphore, #tpu.memory_space<semaphore_mem>>
        %dma_start3A_129 = arith.constant 4864 : i32
        %dma_start3A_130 = tpu.memref_slice %arg5[%run_scoped3A, %dma_start3A_129] : memref<2x5120xi32, #tpu.memory_space<vmem>> -> memref<1x128xi32, #tpu.memory_space<vmem>>
        %dma_start3A_131 = tpu.memref_squeeze %dma_start3A_130 : memref<1x128xi32, #tpu.memory_space<vmem>> -> memref<128xi32, #tpu.memory_space<vmem>>
        %dma_start3A_132 = arith.constant 0 : i32
        %dma_start3A_133 = arith.constant 0 : i32
        %dma_start3A_134 = tpu.memref_slice %arg8[%dma_start3A_132, %dma_start3A_133] : memref<10112x128xf32, #tpu.memory_space<vmem_shared>> -> memref<10112x128xf32, #tpu.memory_space<vmem_shared>>
        tpu.enqueue_indirect_dma source(%arg6 : memref<128x128xf32, #tpu.memory_space<vmem>>) target(%dma_start3A_134 : memref<10112x128xf32, #tpu.memory_space<vmem_shared>>) offsets(%dma_start3A_131 : memref<128xi32, #tpu.memory_space<vmem>>) semaphore(%run_scoped3A_128 : memref<!tpu.dma_semaphore, #tpu.memory_space<semaphore_mem>>) {add = true}
        %dma_wait3A_135 = arith.constant 4864 : i32
        %dma_wait3A_136 = tpu.memref_slice %arg5[%run_scoped3A, %dma_wait3A_135] : memref<2x5120xi32, #tpu.memory_space<vmem>> -> memref<1x128xi32, #tpu.memory_space<vmem>>
        %dma_wait3A_137 = tpu.memref_squeeze %dma_wait3A_136 : memref<1x128xi32, #tpu.memory_space<vmem>> -> memref<128xi32, #tpu.memory_space<vmem>>
        %dma_wait3A_138 = arith.constant 0 : i32
        %dma_wait3A_139 = arith.constant 0 : i32
        %dma_wait3A_140 = tpu.memref_slice %arg8[%dma_wait3A_138, %dma_wait3A_139] : memref<10112x128xf32, #tpu.memory_space<vmem_shared>> -> memref<10112x128xf32, #tpu.memory_space<vmem_shared>>
        tpu.wait_indirect_dma semaphore(%run_scoped3A_128 : memref<!tpu.dma_semaphore, #tpu.memory_space<semaphore_mem>>) src(%arg6 : memref<128x128xf32, #tpu.memory_space<vmem>>) dst(%dma_wait3A_140 : memref<10112x128xf32, #tpu.memory_space<vmem_shared>>)
        tpu.yield
      }) : () -> ()
    } else {
    }
    %not3A = arith.constant true
    %not3A_67 = arith.xori %lt3A_28, %not3A : i1
    %convert_element_type3A_68 = arith.extui %not3A_67 : i1 to i32
    %cond3A_69 = arith.constant 0 : i32
    %cond3A_70 = arith.cmpi ne, %convert_element_type3A_68, %cond3A_69 : i32
    scf.if %cond3A_70 {
      %add3A_76 = arith.constant 5120 : i32
      %add3A_77 = arith.addi %multiple_of3A, %add3A_76 : i32
      "tpu.region"() ({
        %run_scoped3A = tpu.sem_alloc : memref<!tpu.dma_semaphore, #tpu.memory_space<semaphore_mem>>
        %dma_start3A_103 = arith.constant 0 : i32
        %dma_start3A_104 = arith.constant 0 : i32
        %dma_start3A_105 = tpu.memref_slice %arg5[%dma_start3A_103, %dma_start3A_104] : memref<2x5120xi32, #tpu.memory_space<vmem>> -> memref<2x4864xi32, #tpu.memory_space<vmem>>
        %dma_start3A_106 = arith.constant 0 : i32
        %dma_start3A_107 = tpu.memref_slice %arg3[%dma_start3A_106, %add3A_77] : memref<2x320000xi32, #tpu.memory_space<hbm>> -> memref<2x4864xi32, #tpu.memory_space<hbm>>
        %dma_start3A_108 = arith.constant 0 : i32
        %dma_start3A_109 = arith.constant 0 : i32
        %dma_start3A_110 = tpu.memref_slice %arg5[%dma_start3A_108, %dma_start3A_109] : memref<2x5120xi32, #tpu.memory_space<vmem>> -> memref<2x4864xi32, #tpu.memory_space<vmem>>
        %dma_start3A_111 = arith.constant 0 : i32
        %dma_start3A_112 = tpu.memref_slice %arg3[%dma_start3A_111, %add3A_77] : memref<2x320000xi32, #tpu.memory_space<hbm>> -> memref<2x4864xi32, #tpu.memory_space<hbm>>
        tpu.enqueue_dma source(%dma_start3A_112 : memref<2x4864xi32, #tpu.memory_space<hbm>>) target(%dma_start3A_110 : memref<2x4864xi32, #tpu.memory_space<vmem>>) target_semaphore(%run_scoped3A : memref<!tpu.dma_semaphore, #tpu.memory_space<semaphore_mem>>)
        %dma_wait3A = arith.constant 0 : i32
        %dma_wait3A_113 = arith.constant 0 : i32
        %dma_wait3A_114 = tpu.memref_slice %arg5[%dma_wait3A, %dma_wait3A_113] : memref<2x5120xi32, #tpu.memory_space<vmem>> -> memref<2x4864xi32, #tpu.memory_space<vmem>>
        %dma_wait3A_115 = arith.constant 0 : i32
        %dma_wait3A_116 = tpu.memref_slice %arg3[%dma_wait3A_115, %add3A_77] : memref<2x320000xi32, #tpu.memory_space<hbm>> -> memref<2x4864xi32, #tpu.memory_space<hbm>>
        %dma_wait3A_117 = arith.constant 0 : i32
        %dma_wait3A_118 = arith.constant 0 : i32
        %dma_wait3A_119 = tpu.memref_slice %arg5[%dma_wait3A_117, %dma_wait3A_118] : memref<2x5120xi32, #tpu.memory_space<vmem>> -> memref<2x4864xi32, #tpu.memory_space<vmem>>
        %dma_wait3A_120 = arith.constant 0 : i32
        %dma_wait3A_121 = tpu.memref_slice %arg3[%dma_wait3A_120, %add3A_77] : memref<2x320000xi32, #tpu.memory_space<hbm>> -> memref<2x4864xi32, #tpu.memory_space<hbm>>
        tpu.wait_dma2 semaphore(%run_scoped3A : memref<!tpu.dma_semaphore, #tpu.memory_space<semaphore_mem>>) src(%dma_wait3A_121 : memref<2x4864xi32, #tpu.memory_space<hbm>>) dst(%dma_wait3A_119 : memref<2x4864xi32, #tpu.memory_space<vmem>>)
        tpu.yield
      }) : () -> ()
      %dma_start3A_78 = arith.constant 0 : i32
      %dma_start3A_79 = arith.constant 0 : i32
      %dma_start3A_80 = arith.constant 0 : i32
      %dma_start3A_81 = tpu.memref_slice %arg6[%dma_start3A_79, %dma_start3A_80] : memref<128x128xf32, #tpu.memory_space<vmem>> -> memref<64x128xf32, #tpu.memory_space<vmem>>
      %dma_start3A_82 = arith.constant 0 : i32
      %dma_start3A_83 = tpu.memref_slice %arg5[%dma_start3A_78, %dma_start3A_82] : memref<2x5120xi32, #tpu.memory_space<vmem>> -> memref<1x64xi32, #tpu.memory_space<vmem>>
      %dma_start3A_84 = tpu.memref_squeeze %dma_start3A_83 : memref<1x64xi32, #tpu.memory_space<vmem>> -> memref<64xi32, #tpu.memory_space<vmem>>
      %dma_start3A_85 = arith.constant 0 : i32
      %dma_start3A_86 = arith.constant 0 : i32
      %dma_start3A_87 = tpu.memref_slice %arg2[%dma_start3A_85, %dma_start3A_86] : memref<10000x128xf32, #tpu.memory_space<hbm>> -> memref<10000x128xf32, #tpu.memory_space<hbm>>
      tpu.enqueue_indirect_dma source(%dma_start3A_87 : memref<10000x128xf32, #tpu.memory_space<hbm>>) target(%dma_start3A_81 : memref<64x128xf32, #tpu.memory_space<vmem>>) offsets(%dma_start3A_84 : memref<64xi32, #tpu.memory_space<vmem>>) semaphore(%arg9 : memref<!tpu.dma_semaphore, #tpu.memory_space<semaphore_mem>>)
      %dma_start3A_88 = arith.constant 0 : i32
      %dma_start3A_89 = arith.constant 64 : i32
      %dma_start3A_90 = arith.constant 0 : i32
      %dma_start3A_91 = tpu.memref_slice %arg6[%dma_start3A_89, %dma_start3A_90] : memref<128x128xf32, #tpu.memory_space<vmem>> -> memref<64x128xf32, #tpu.memory_space<vmem>>
      %dma_start3A_92 = arith.constant 64 : i32
      %dma_start3A_93 = tpu.memref_slice %arg5[%dma_start3A_88, %dma_start3A_92] : memref<2x5120xi32, #tpu.memory_space<vmem>> -> memref<1x64xi32, #tpu.memory_space<vmem>>
      %dma_start3A_94 = tpu.memref_squeeze %dma_start3A_93 : memref<1x64xi32, #tpu.memory_space<vmem>> -> memref<64xi32, #tpu.memory_space<vmem>>
      %dma_start3A_95 = arith.constant 0 : i32
      %dma_start3A_96 = arith.constant 0 : i32
      %dma_start3A_97 = tpu.memref_slice %arg2[%dma_start3A_95, %dma_start3A_96] : memref<10000x128xf32, #tpu.memory_space<hbm>> -> memref<10000x128xf32, #tpu.memory_space<hbm>>
      tpu.enqueue_indirect_dma source(%dma_start3A_97 : memref<10000x128xf32, #tpu.memory_space<hbm>>) target(%dma_start3A_91 : memref<64x128xf32, #tpu.memory_space<vmem>>) offsets(%dma_start3A_94 : memref<64xi32, #tpu.memory_space<vmem>>) semaphore(%arg9 : memref<!tpu.dma_semaphore, #tpu.memory_space<semaphore_mem>>)
      %scan3A_98 = arith.constant 0 : i32
      %scan3A_99 = arith.constant 19 : i32
      %scan3A_100 = arith.addi %scan3A_98, %scan3A_99 : i32
      %scan3A_101 = arith.constant 1 : i32
      scf.for %scan3A_103 = %scan3A_98 to %scan3A_100 step %scan3A_101  : i32 {
        %mul3A_104 = arith.constant 2 : i32
        %mul3A_105 = arith.muli %scan3A_103, %mul3A_104 : i32
        %add3A_106 = arith.constant 0 : i32
        %add3A_107 = arith.addi %add3A_106, %mul3A_105 : i32
        %add3A_108 = arith.constant 1 : i32
        %add3A_109 = arith.addi %add3A_107, %add3A_108 : i32
        %mul3A_110 = arith.constant 128 : i32
        %mul3A_111 = arith.muli %add3A_109, %mul3A_110 : i32
        %dma_start3A_112 = arith.constant 0 : i32
        %dma_start3A_113 = arith.constant 0 : i32
        %dma_start3A_114 = arith.constant 0 : i32
        %dma_start3A_115 = tpu.memref_slice %arg7[%dma_start3A_113, %dma_start3A_114] : memref<128x128xf32, #tpu.memory_space<vmem>> -> memref<64x128xf32, #tpu.memory_space<vmem>>
        %dma_start3A_116 = tpu.memref_slice %arg5[%dma_start3A_112, %mul3A_111] : memref<2x5120xi32, #tpu.memory_space<vmem>> -> memref<1x64xi32, #tpu.memory_space<vmem>>
        %dma_start3A_117 = tpu.memref_squeeze %dma_start3A_116 : memref<1x64xi32, #tpu.memory_space<vmem>> -> memref<64xi32, #tpu.memory_space<vmem>>
        %dma_start3A_118 = arith.constant 0 : i32
        %dma_start3A_119 = arith.constant 0 : i32
        %dma_start3A_120 = tpu.memref_slice %arg2[%dma_start3A_118, %dma_start3A_119] : memref<10000x128xf32, #tpu.memory_space<hbm>> -> memref<10000x128xf32, #tpu.memory_space<hbm>>
        tpu.enqueue_indirect_dma source(%dma_start3A_120 : memref<10000x128xf32, #tpu.memory_space<hbm>>) target(%dma_start3A_115 : memref<64x128xf32, #tpu.memory_space<vmem>>) offsets(%dma_start3A_117 : memref<64xi32, #tpu.memory_space<vmem>>) semaphore(%arg10 : memref<!tpu.dma_semaphore, #tpu.memory_space<semaphore_mem>>)
        %mul3A_121 = arith.constant 128 : i32
        %mul3A_122 = arith.muli %add3A_109, %mul3A_121 : i32
        %add3A_123 = arith.constant 64 : i32
        %add3A_124 = arith.addi %mul3A_122, %add3A_123 : i32
        %dma_start3A_125 = arith.constant 0 : i32
        %dma_start3A_126 = arith.constant 64 : i32
        %dma_start3A_127 = arith.constant 0 : i32
        %dma_start3A_128 = tpu.memref_slice %arg7[%dma_start3A_126, %dma_start3A_127] : memref<128x128xf32, #tpu.memory_space<vmem>> -> memref<64x128xf32, #tpu.memory_space<vmem>>
        %dma_start3A_129 = tpu.memref_slice %arg5[%dma_start3A_125, %add3A_124] : memref<2x5120xi32, #tpu.memory_space<vmem>> -> memref<1x64xi32, #tpu.memory_space<vmem>>
        %dma_start3A_130 = tpu.memref_squeeze %dma_start3A_129 : memref<1x64xi32, #tpu.memory_space<vmem>> -> memref<64xi32, #tpu.memory_space<vmem>>
        %dma_start3A_131 = arith.constant 0 : i32
        %dma_start3A_132 = arith.constant 0 : i32
        %dma_start3A_133 = tpu.memref_slice %arg2[%dma_start3A_131, %dma_start3A_132] : memref<10000x128xf32, #tpu.memory_space<hbm>> -> memref<10000x128xf32, #tpu.memory_space<hbm>>
        tpu.enqueue_indirect_dma source(%dma_start3A_133 : memref<10000x128xf32, #tpu.memory_space<hbm>>) target(%dma_start3A_128 : memref<64x128xf32, #tpu.memory_space<vmem>>) offsets(%dma_start3A_130 : memref<64xi32, #tpu.memory_space<vmem>>) semaphore(%arg10 : memref<!tpu.dma_semaphore, #tpu.memory_space<semaphore_mem>>)
        %dma_wait3A = arith.constant 0 : i32
        %dma_wait3A_134 = arith.constant 0 : i32
        %dma_wait3A_135 = tpu.memref_slice %arg2[%dma_wait3A, %dma_wait3A_134] : memref<10000x128xf32, #tpu.memory_space<hbm>> -> memref<128x128xf32, #tpu.memory_space<hbm>>
        %dma_wait3A_136 = arith.constant 0 : i32
        %dma_wait3A_137 = arith.constant 0 : i32
        %dma_wait3A_138 = tpu.memref_slice %arg2[%dma_wait3A_136, %dma_wait3A_137] : memref<10000x128xf32, #tpu.memory_space<hbm>> -> memref<128x128xf32, #tpu.memory_space<hbm>>
        tpu.wait_dma2 semaphore(%arg9 : memref<!tpu.dma_semaphore, #tpu.memory_space<semaphore_mem>>) src(%dma_wait3A_138 : memref<128x128xf32, #tpu.memory_space<hbm>>) dst(%arg6 : memref<128x128xf32, #tpu.memory_space<vmem>>)
        %mul3A_139 = arith.constant 128 : i32
        %mul3A_140 = arith.muli %add3A_107, %mul3A_139 : i32
        %run_scoped3A = arith.constant 1 : i32
        "tpu.region"() ({
          %run_scoped3A_159 = tpu.sem_alloc : memref<!tpu.dma_semaphore, #tpu.memory_space<semaphore_mem>>
          %dma_start3A_160 = tpu.memref_slice %arg5[%run_scoped3A, %mul3A_140] : memref<2x5120xi32, #tpu.memory_space<vmem>> -> memref<1x128xi32, #tpu.memory_space<vmem>>
          %dma_start3A_161 = tpu.memref_squeeze %dma_start3A_160 : memref<1x128xi32, #tpu.memory_space<vmem>> -> memref<128xi32, #tpu.memory_space<vmem>>
          %dma_start3A_162 = arith.constant 0 : i32
          %dma_start3A_163 = arith.constant 0 : i32
          %dma_start3A_164 = tpu.memref_slice %arg8[%dma_start3A_162, %dma_start3A_163] : memref<10112x128xf32, #tpu.memory_space<vmem_shared>> -> memref<10112x128xf32, #tpu.memory_space<vmem_shared>>
          tpu.enqueue_indirect_dma source(%arg6 : memref<128x128xf32, #tpu.memory_space<vmem>>) target(%dma_start3A_164 : memref<10112x128xf32, #tpu.memory_space<vmem_shared>>) offsets(%dma_start3A_161 : memref<128xi32, #tpu.memory_space<vmem>>) semaphore(%run_scoped3A_159 : memref<!tpu.dma_semaphore, #tpu.memory_space<semaphore_mem>>) {add = true}
          %dma_wait3A_165 = tpu.memref_slice %arg5[%run_scoped3A, %mul3A_140] : memref<2x5120xi32, #tpu.memory_space<vmem>> -> memref<1x128xi32, #tpu.memory_space<vmem>>
          %dma_wait3A_166 = tpu.memref_squeeze %dma_wait3A_165 : memref<1x128xi32, #tpu.memory_space<vmem>> -> memref<128xi32, #tpu.memory_space<vmem>>
          %dma_wait3A_167 = arith.constant 0 : i32
          %dma_wait3A_168 = arith.constant 0 : i32
          %dma_wait3A_169 = tpu.memref_slice %arg8[%dma_wait3A_167, %dma_wait3A_168] : memref<10112x128xf32, #tpu.memory_space<vmem_shared>> -> memref<10112x128xf32, #tpu.memory_space<vmem_shared>>
          tpu.wait_indirect_dma semaphore(%run_scoped3A_159 : memref<!tpu.dma_semaphore, #tpu.memory_space<semaphore_mem>>) src(%arg6 : memref<128x128xf32, #tpu.memory_space<vmem>>) dst(%dma_wait3A_169 : memref<10112x128xf32, #tpu.memory_space<vmem_shared>>)
          tpu.yield
        }) : () -> ()
        %add3A_141 = arith.constant 2 : i32
        %add3A_142 = arith.addi %add3A_107, %add3A_141 : i32
        %lt3A_143 = arith.constant 38 : i32
        %lt3A_144 = arith.cmpi slt, %add3A_142, %lt3A_143 : i32
        %convert_element_type3A_145 = arith.extui %lt3A_144 : i1 to i32
        %cond3A_146 = arith.constant 0 : i32
        %cond3A_147 = arith.cmpi ne, %convert_element_type3A_145, %cond3A_146 : i32
        scf.if %cond3A_147 {
          %add3A_159 = arith.constant 2 : i32
          %add3A_160 = arith.addi %add3A_107, %add3A_159 : i32
          %mul3A_161 = arith.constant 128 : i32
          %mul3A_162 = arith.muli %add3A_160, %mul3A_161 : i32
          %dma_start3A_163 = arith.constant 0 : i32
          %dma_start3A_164 = arith.constant 0 : i32
          %dma_start3A_165 = arith.constant 0 : i32
          %dma_start3A_166 = tpu.memref_slice %arg6[%dma_start3A_164, %dma_start3A_165] : memref<128x128xf32, #tpu.memory_space<vmem>> -> memref<64x128xf32, #tpu.memory_space<vmem>>
          %dma_start3A_167 = tpu.memref_slice %arg5[%dma_start3A_163, %mul3A_162] : memref<2x5120xi32, #tpu.memory_space<vmem>> -> memref<1x64xi32, #tpu.memory_space<vmem>>
          %dma_start3A_168 = tpu.memref_squeeze %dma_start3A_167 : memref<1x64xi32, #tpu.memory_space<vmem>> -> memref<64xi32, #tpu.memory_space<vmem>>
          %dma_start3A_169 = arith.constant 0 : i32
          %dma_start3A_170 = arith.constant 0 : i32
          %dma_start3A_171 = tpu.memref_slice %arg2[%dma_start3A_169, %dma_start3A_170] : memref<10000x128xf32, #tpu.memory_space<hbm>> -> memref<10000x128xf32, #tpu.memory_space<hbm>>
          tpu.enqueue_indirect_dma source(%dma_start3A_171 : memref<10000x128xf32, #tpu.memory_space<hbm>>) target(%dma_start3A_166 : memref<64x128xf32, #tpu.memory_space<vmem>>) offsets(%dma_start3A_168 : memref<64xi32, #tpu.memory_space<vmem>>) semaphore(%arg9 : memref<!tpu.dma_semaphore, #tpu.memory_space<semaphore_mem>>)
          %mul3A_172 = arith.constant 128 : i32
          %mul3A_173 = arith.muli %add3A_160, %mul3A_172 : i32
          %add3A_174 = arith.constant 64 : i32
          %add3A_175 = arith.addi %mul3A_173, %add3A_174 : i32
          %dma_start3A_176 = arith.constant 0 : i32
          %dma_start3A_177 = arith.constant 64 : i32
          %dma_start3A_178 = arith.constant 0 : i32
          %dma_start3A_179 = tpu.memref_slice %arg6[%dma_start3A_177, %dma_start3A_178] : memref<128x128xf32, #tpu.memory_space<vmem>> -> memref<64x128xf32, #tpu.memory_space<vmem>>
          %dma_start3A_180 = tpu.memref_slice %arg5[%dma_start3A_176, %add3A_175] : memref<2x5120xi32, #tpu.memory_space<vmem>> -> memref<1x64xi32, #tpu.memory_space<vmem>>
          %dma_start3A_181 = tpu.memref_squeeze %dma_start3A_180 : memref<1x64xi32, #tpu.memory_space<vmem>> -> memref<64xi32, #tpu.memory_space<vmem>>
          %dma_start3A_182 = arith.constant 0 : i32
          %dma_start3A_183 = arith.constant 0 : i32
          %dma_start3A_184 = tpu.memref_slice %arg2[%dma_start3A_182, %dma_start3A_183] : memref<10000x128xf32, #tpu.memory_space<hbm>> -> memref<10000x128xf32, #tpu.memory_space<hbm>>
          tpu.enqueue_indirect_dma source(%dma_start3A_184 : memref<10000x128xf32, #tpu.memory_space<hbm>>) target(%dma_start3A_179 : memref<64x128xf32, #tpu.memory_space<vmem>>) offsets(%dma_start3A_181 : memref<64xi32, #tpu.memory_space<vmem>>) semaphore(%arg9 : memref<!tpu.dma_semaphore, #tpu.memory_space<semaphore_mem>>)
        } else {
        }
        %dma_wait3A_148 = arith.constant 0 : i32
        %dma_wait3A_149 = arith.constant 0 : i32
        %dma_wait3A_150 = tpu.memref_slice %arg2[%dma_wait3A_148, %dma_wait3A_149] : memref<10000x128xf32, #tpu.memory_space<hbm>> -> memref<128x128xf32, #tpu.memory_space<hbm>>
        %dma_wait3A_151 = arith.constant 0 : i32
        %dma_wait3A_152 = arith.constant 0 : i32
        %dma_wait3A_153 = tpu.memref_slice %arg2[%dma_wait3A_151, %dma_wait3A_152] : memref<10000x128xf32, #tpu.memory_space<hbm>> -> memref<128x128xf32, #tpu.memory_space<hbm>>
        tpu.wait_dma2 semaphore(%arg10 : memref<!tpu.dma_semaphore, #tpu.memory_space<semaphore_mem>>) src(%dma_wait3A_153 : memref<128x128xf32, #tpu.memory_space<hbm>>) dst(%arg7 : memref<128x128xf32, #tpu.memory_space<vmem>>)
        %add3A_154 = arith.constant 1 : i32
        %add3A_155 = arith.addi %add3A_107, %add3A_154 : i32
        %mul3A_156 = arith.constant 128 : i32
        %mul3A_157 = arith.muli %add3A_155, %mul3A_156 : i32
        %run_scoped3A_158 = arith.constant 1 : i32
        "tpu.region"() ({
          %run_scoped3A_159 = tpu.sem_alloc : memref<!tpu.dma_semaphore, #tpu.memory_space<semaphore_mem>>
          %dma_start3A_160 = tpu.memref_slice %arg5[%run_scoped3A_158, %mul3A_157] : memref<2x5120xi32, #tpu.memory_space<vmem>> -> memref<1x128xi32, #tpu.memory_space<vmem>>
          %dma_start3A_161 = tpu.memref_squeeze %dma_start3A_160 : memref<1x128xi32, #tpu.memory_space<vmem>> -> memref<128xi32, #tpu.memory_space<vmem>>
          %dma_start3A_162 = arith.constant 0 : i32
          %dma_start3A_163 = arith.constant 0 : i32
          %dma_start3A_164 = tpu.memref_slice %arg8[%dma_start3A_162, %dma_start3A_163] : memref<10112x128xf32, #tpu.memory_space<vmem_shared>> -> memref<10112x128xf32, #tpu.memory_space<vmem_shared>>
          tpu.enqueue_indirect_dma source(%arg7 : memref<128x128xf32, #tpu.memory_space<vmem>>) target(%dma_start3A_164 : memref<10112x128xf32, #tpu.memory_space<vmem_shared>>) offsets(%dma_start3A_161 : memref<128xi32, #tpu.memory_space<vmem>>) semaphore(%run_scoped3A_159 : memref<!tpu.dma_semaphore, #tpu.memory_space<semaphore_mem>>) {add = true}
          %dma_wait3A_165 = tpu.memref_slice %arg5[%run_scoped3A_158, %mul3A_157] : memref<2x5120xi32, #tpu.memory_space<vmem>> -> memref<1x128xi32, #tpu.memory_space<vmem>>
          %dma_wait3A_166 = tpu.memref_squeeze %dma_wait3A_165 : memref<1x128xi32, #tpu.memory_space<vmem>> -> memref<128xi32, #tpu.memory_space<vmem>>
          %dma_wait3A_167 = arith.constant 0 : i32
          %dma_wait3A_168 = arith.constant 0 : i32
          %dma_wait3A_169 = tpu.memref_slice %arg8[%dma_wait3A_167, %dma_wait3A_168] : memref<10112x128xf32, #tpu.memory_space<vmem_shared>> -> memref<10112x128xf32, #tpu.memory_space<vmem_shared>>
          tpu.wait_indirect_dma semaphore(%run_scoped3A_159 : memref<!tpu.dma_semaphore, #tpu.memory_space<semaphore_mem>>) src(%arg7 : memref<128x128xf32, #tpu.memory_space<vmem>>) dst(%dma_wait3A_169 : memref<10112x128xf32, #tpu.memory_space<vmem_shared>>)
          tpu.yield
        }) : () -> ()
      }
      %scan3A_102 = arith.constant 19 : i32
    } else {
    }
    %barrier3A_71 = arith.constant 0 : index
    tpu.barrier barrier_id(%barrier3A_71)
    %mul3A_72 = arith.constant 632 : i32
    %mul3A_73 = arith.muli %arg1, %mul3A_72 : i32
    %mul3A_74 = arith.constant 632 : i32
    %mul3A_75 = arith.muli %arg1, %mul3A_74 : i32
    "tpu.region"() ({
      %run_scoped3A = tpu.sem_alloc : memref<!tpu.dma_semaphore, #tpu.memory_space<semaphore_mem>>
      %dma_start3A_76 = arith.constant 0 : i32
      %dma_start3A_77 = tpu.memref_slice %arg4[%arg0, %mul3A_75, %dma_start3A_76] : memref<2x10112x128xf32, #tpu.memory_space<hbm>> -> memref<1x632x128xf32, #tpu.memory_space<hbm>>
      %dma_start3A_78 = tpu.memref_squeeze %dma_start3A_77 : memref<1x632x128xf32, #tpu.memory_space<hbm>> -> memref<632x128xf32, #tpu.memory_space<hbm>>
      %dma_start3A_79 = arith.constant 0 : i32
      %dma_start3A_80 = tpu.memref_slice %arg8[%mul3A_73, %dma_start3A_79] : memref<10112x128xf32, #tpu.memory_space<vmem_shared>> -> memref<632x128xf32, #tpu.memory_space<vmem_shared>>
      tpu.enqueue_dma source(%dma_start3A_80 : memref<632x128xf32, #tpu.memory_space<vmem_shared>>) target(%dma_start3A_78 : memref<632x128xf32, #tpu.memory_space<hbm>>) target_semaphore(%run_scoped3A : memref<!tpu.dma_semaphore, #tpu.memory_space<semaphore_mem>>)
      %dma_wait3A = arith.constant 0 : i32
      %dma_wait3A_81 = tpu.memref_slice %arg4[%arg0, %mul3A_75, %dma_wait3A] : memref<2x10112x128xf32, #tpu.memory_space<hbm>> -> memref<1x632x128xf32, #tpu.memory_space<hbm>>
      %dma_wait3A_82 = tpu.memref_squeeze %dma_wait3A_81 : memref<1x632x128xf32, #tpu.memory_space<hbm>> -> memref<632x128xf32, #tpu.memory_space<hbm>>
      %dma_wait3A_83 = arith.constant 0 : i32
      %dma_wait3A_84 = tpu.memref_slice %arg8[%mul3A_73, %dma_wait3A_83] : memref<10112x128xf32, #tpu.memory_space<vmem_shared>> -> memref<632x128xf32, #tpu.memory_space<vmem_shared>>
      tpu.wait_dma2 semaphore(%run_scoped3A : memref<!tpu.dma_semaphore, #tpu.memory_space<semaphore_mem>>) src(%dma_wait3A_84 : memref<632x128xf32, #tpu.memory_space<vmem_shared>>) dst(%dma_wait3A_82 : memref<632x128xf32, #tpu.memory_space<hbm>>)
      tpu.yield
    }) : () -> ()
    return
  }
}

module attributes {stable_mosaic.version = 14 : i64} {
  func.func @_mlp2_body(%arg0: i32, %arg1: memref<5000x128xf32, #tpu.memory_space<vmem>>, %arg2: memref<2x5000x128xf32, #tpu.memory_space<vmem>>, %arg3: memref<128x128xf32, #tpu.memory_space<vmem>>, %arg4: memref<1x128xf32, #tpu.memory_space<vmem>>, %arg5: memref<128x128xf32, #tpu.memory_space<vmem>>, %arg6: memref<1x128xf32, #tpu.memory_space<vmem>>, %arg7: memref<128x16xf32, #tpu.memory_space<vmem>>, %arg8: memref<1x16xf32, #tpu.memory_space<vmem>>, %arg9: memref<5000x16xf32, #tpu.memory_space<vmem>>) attributes {dimension_semantics = [#tpu.dimension_semantics<arbitrary>], iteration_bounds = array<i64: 2>, scalar_prefetch = 0 : i64, scratch_operands = 0 : i64, tpu.core_type = #tpu.core_type<tc>, window_params = [{transform_indices = @transform_0, window_bounds = array<i64: 5000, 128>}, {transform_indices = @transform_1, window_bounds = array<i64: 2, 5000, 128>}, {pipeline_mode = #tpu.pipeline_mode<synchronous>, transform_indices = @transform_2, window_bounds = array<i64: 128, 128>}, {pipeline_mode = #tpu.pipeline_mode<synchronous>, transform_indices = @transform_3, window_bounds = array<i64: 1, 128>}, {pipeline_mode = #tpu.pipeline_mode<synchronous>, transform_indices = @transform_4, window_bounds = array<i64: 128, 128>}, {pipeline_mode = #tpu.pipeline_mode<synchronous>, transform_indices = @transform_5, window_bounds = array<i64: 1, 128>}, {pipeline_mode = #tpu.pipeline_mode<synchronous>, transform_indices = @transform_6, window_bounds = array<i64: 128, 16>}, {pipeline_mode = #tpu.pipeline_mode<synchronous>, transform_indices = @transform_7, window_bounds = array<i64: 1, 16>}, {transform_indices = @transform_8, window_bounds = array<i64: 5000, 16>}]} {
    %get3A = arith.constant 0 : index
    %get3A_0 = arith.constant 0 : index
    %get3A_1 = vector.load %arg1[%get3A, %get3A_0] : memref<5000x128xf32, #tpu.memory_space<vmem>>, vector<5000x128xf32>
    %get3A_2 = arith.constant 0 : index
    %get3A_3 = arith.constant 0 : index
    %get3A_4 = arith.constant 0 : index
    %get3A_5 = vector.load %arg2[%get3A_2, %get3A_3, %get3A_4] : memref<2x5000x128xf32, #tpu.memory_space<vmem>>, vector<1x5000x128xf32>
    %get3A_6 = vector.shape_cast %get3A_5 : vector<1x5000x128xf32> to vector<5000x128xf32>
    %add3A = arith.addf %get3A_1, %get3A_6 : vector<5000x128xf32>
    %get3A_7 = arith.constant 1 : index
    %get3A_8 = arith.constant 0 : index
    %get3A_9 = arith.constant 0 : index
    %get3A_10 = vector.load %arg2[%get3A_7, %get3A_8, %get3A_9] : memref<2x5000x128xf32, #tpu.memory_space<vmem>>, vector<1x5000x128xf32>
    %get3A_11 = vector.shape_cast %get3A_10 : vector<1x5000x128xf32> to vector<5000x128xf32>
    %add3A_12 = arith.addf %add3A, %get3A_11 : vector<5000x128xf32>
    %get3A_13 = arith.constant 0 : index
    %get3A_14 = arith.constant 0 : index
    %get3A_15 = vector.load %arg3[%get3A_13, %get3A_14] : memref<128x128xf32, #tpu.memory_space<vmem>>, vector<128x128xf32>
    %dot_general3A = arith.constant dense<0.000000e+00> : vector<5000x128xf32>
    %dot_general3A_16 = tpu.matmul %add3A_12, %get3A_15, %dot_general3A {dimension_numbers = #tpu.dot_dimension_numbers<[1], [0], [0], [1], [0, 0, 1, 1], [], []>, transpose_lhs_hint = false} : vector<5000x128xf32>, vector<128x128xf32>, vector<5000x128xf32> -> vector<5000x128xf32>
    %get3A_17 = arith.constant 0 : index
    %get3A_18 = arith.constant 0 : index
    %get3A_19 = vector.load %arg4[%get3A_17, %get3A_18] : memref<1x128xf32, #tpu.memory_space<vmem>>, vector<1x128xf32>
    %add3A_20 = vector.broadcast %get3A_19 : vector<1x128xf32> to vector<5000x128xf32>
    %add3A_21 = arith.addf %dot_general3A_16, %add3A_20 : vector<5000x128xf32>
    %max3A = arith.constant 0.000000e+00 : f32
    %max3A_22 = vector.broadcast %max3A : f32 to vector<5000x128xf32>
    %max3A_23 = arith.maximumf %add3A_21, %max3A_22 : vector<5000x128xf32>
    %get3A_24 = arith.constant 0 : index
    %get3A_25 = arith.constant 0 : index
    %get3A_26 = vector.load %arg5[%get3A_24, %get3A_25] : memref<128x128xf32, #tpu.memory_space<vmem>>, vector<128x128xf32>
    %dot_general3A_27 = arith.constant dense<0.000000e+00> : vector<5000x128xf32>
    %dot_general3A_28 = tpu.matmul %max3A_23, %get3A_26, %dot_general3A_27 {dimension_numbers = #tpu.dot_dimension_numbers<[1], [0], [0], [1], [0, 0, 1, 1], [], []>, transpose_lhs_hint = false} : vector<5000x128xf32>, vector<128x128xf32>, vector<5000x128xf32> -> vector<5000x128xf32>
    %get3A_29 = arith.constant 0 : index
    %get3A_30 = arith.constant 0 : index
    %get3A_31 = vector.load %arg6[%get3A_29, %get3A_30] : memref<1x128xf32, #tpu.memory_space<vmem>>, vector<1x128xf32>
    %add3A_32 = vector.broadcast %get3A_31 : vector<1x128xf32> to vector<5000x128xf32>
    %add3A_33 = arith.addf %dot_general3A_28, %add3A_32 : vector<5000x128xf32>
    %max3A_34 = arith.constant 0.000000e+00 : f32
    %max3A_35 = vector.broadcast %max3A_34 : f32 to vector<5000x128xf32>
    %max3A_36 = arith.maximumf %add3A_33, %max3A_35 : vector<5000x128xf32>
    %get3A_37 = arith.constant 0 : index
    %get3A_38 = arith.constant 0 : index
    %get3A_39 = vector.load %arg7[%get3A_37, %get3A_38] : memref<128x16xf32, #tpu.memory_space<vmem>>, vector<128x16xf32>
    %dot_general3A_40 = arith.constant dense<0.000000e+00> : vector<5000x16xf32>
    %dot_general3A_41 = tpu.matmul %max3A_36, %get3A_39, %dot_general3A_40 {dimension_numbers = #tpu.dot_dimension_numbers<[1], [0], [0], [1], [0, 0, 1, 1], [], []>, transpose_lhs_hint = false} : vector<5000x128xf32>, vector<128x16xf32>, vector<5000x16xf32> -> vector<5000x16xf32>
    %get3A_42 = arith.constant 0 : index
    %get3A_43 = arith.constant 0 : index
    %get3A_44 = vector.load %arg8[%get3A_42, %get3A_43] : memref<1x16xf32, #tpu.memory_space<vmem>>, vector<1x16xf32>
    %add3A_45 = vector.broadcast %get3A_44 : vector<1x16xf32> to vector<5000x16xf32>
    %add3A_46 = arith.addf %dot_general3A_41, %add3A_45 : vector<5000x16xf32>
    %swap3A = arith.constant 0 : index
    %swap3A_47 = arith.constant 0 : index
    %swap3A_48 = vector.load %arg9[%swap3A, %swap3A_47] : memref<5000x16xf32, #tpu.memory_space<vmem>>, vector<5000x16xf32>
    tpu.vector_store %arg9[%swap3A, %swap3A_47], %add3A_46 {strides = array<i32>} : memref<5000x16xf32, #tpu.memory_space<vmem>>, vector<5000x16xf32>,
    return
  }
  func.func @transform_0(%arg0: i32) -> (i32, i32) {
    %c0_i32 = arith.constant 0 : i32
    %c0_i32_0 = arith.constant 0 : i32
    return %arg0, %c0_i32 : i32, i32
  }
  func.func @transform_1(%arg0: i32) -> (i32, i32, i32) {
    %c0_i32 = arith.constant 0 : i32
    %c0_i32_0 = arith.constant 0 : i32
    %c0_i32_1 = arith.constant 0 : i32
    return %c0_i32, %arg0, %c0_i32_0 : i32, i32, i32
  }
  func.func @transform_2(%arg0: i32) -> (i32, i32) {
    %c0_i32 = arith.constant 0 : i32
    %c0_i32_0 = arith.constant 0 : i32
    %c0_i32_1 = arith.constant 0 : i32
    return %c0_i32, %c0_i32_0 : i32, i32
  }
  func.func @transform_3(%arg0: i32) -> (i32, i32) {
    %c0_i32 = arith.constant 0 : i32
    %c0_i32_0 = arith.constant 0 : i32
    %c0_i32_1 = arith.constant 0 : i32
    return %c0_i32, %c0_i32_0 : i32, i32
  }
  func.func @transform_4(%arg0: i32) -> (i32, i32) {
    %c0_i32 = arith.constant 0 : i32
    %c0_i32_0 = arith.constant 0 : i32
    %c0_i32_1 = arith.constant 0 : i32
    return %c0_i32, %c0_i32_0 : i32, i32
  }
  func.func @transform_5(%arg0: i32) -> (i32, i32) {
    %c0_i32 = arith.constant 0 : i32
    %c0_i32_0 = arith.constant 0 : i32
    %c0_i32_1 = arith.constant 0 : i32
    return %c0_i32, %c0_i32_0 : i32, i32
  }
  func.func @transform_6(%arg0: i32) -> (i32, i32) {
    %c0_i32 = arith.constant 0 : i32
    %c0_i32_0 = arith.constant 0 : i32
    %c0_i32_1 = arith.constant 0 : i32
    return %c0_i32, %c0_i32_0 : i32, i32
  }
  func.func @transform_7(%arg0: i32) -> (i32, i32) {
    %c0_i32 = arith.constant 0 : i32
    %c0_i32_0 = arith.constant 0 : i32
    %c0_i32_1 = arith.constant 0 : i32
    return %c0_i32, %c0_i32_0 : i32, i32
  }
  func.func @transform_8(%arg0: i32) -> (i32, i32) {
    %c0_i32 = arith.constant 0 : i32
    %c0_i32_0 = arith.constant 0 : i32
    return %arg0, %c0_i32 : i32, i32
  }
}

module attributes {stable_mosaic.version = 14 : i64} {
  func.func @_mlp1_body(%arg0: i32, %arg1: memref<5000x128xf32, #tpu.memory_space<vmem>>, %arg2: memref<2x5000x128xf32, #tpu.memory_space<vmem>>, %arg3: memref<128x128xf32, #tpu.memory_space<vmem>>, %arg4: memref<1x128xf32, #tpu.memory_space<vmem>>, %arg5: memref<128x128xf32, #tpu.memory_space<vmem>>, %arg6: memref<1x128xf32, #tpu.memory_space<vmem>>, %arg7: memref<5000x128xf32, #tpu.memory_space<vmem>>) attributes {dimension_semantics = [#tpu.dimension_semantics<arbitrary>], iteration_bounds = array<i64: 2>, scalar_prefetch = 0 : i64, scratch_operands = 0 : i64, tpu.core_type = #tpu.core_type<tc>, window_params = [{transform_indices = @transform_0, window_bounds = array<i64: 5000, 128>}, {transform_indices = @transform_1, window_bounds = array<i64: 2, 5000, 128>}, {pipeline_mode = #tpu.pipeline_mode<synchronous>, transform_indices = @transform_2, window_bounds = array<i64: 128, 128>}, {pipeline_mode = #tpu.pipeline_mode<synchronous>, transform_indices = @transform_3, window_bounds = array<i64: 1, 128>}, {pipeline_mode = #tpu.pipeline_mode<synchronous>, transform_indices = @transform_4, window_bounds = array<i64: 128, 128>}, {pipeline_mode = #tpu.pipeline_mode<synchronous>, transform_indices = @transform_5, window_bounds = array<i64: 1, 128>}, {transform_indices = @transform_6, window_bounds = array<i64: 5000, 128>}]} {
    %get3A = arith.constant 0 : index
    %get3A_0 = arith.constant 0 : index
    %get3A_1 = vector.load %arg1[%get3A, %get3A_0] : memref<5000x128xf32, #tpu.memory_space<vmem>>, vector<5000x128xf32>
    %get3A_2 = arith.constant 0 : index
    %get3A_3 = arith.constant 0 : index
    %get3A_4 = arith.constant 0 : index
    %get3A_5 = vector.load %arg2[%get3A_2, %get3A_3, %get3A_4] : memref<2x5000x128xf32, #tpu.memory_space<vmem>>, vector<1x5000x128xf32>
    %get3A_6 = vector.shape_cast %get3A_5 : vector<1x5000x128xf32> to vector<5000x128xf32>
    %add3A = arith.addf %get3A_1, %get3A_6 : vector<5000x128xf32>
    %get3A_7 = arith.constant 1 : index
    %get3A_8 = arith.constant 0 : index
    %get3A_9 = arith.constant 0 : index
    %get3A_10 = vector.load %arg2[%get3A_7, %get3A_8, %get3A_9] : memref<2x5000x128xf32, #tpu.memory_space<vmem>>, vector<1x5000x128xf32>
    %get3A_11 = vector.shape_cast %get3A_10 : vector<1x5000x128xf32> to vector<5000x128xf32>
    %add3A_12 = arith.addf %add3A, %get3A_11 : vector<5000x128xf32>
    %get3A_13 = arith.constant 0 : index
    %get3A_14 = arith.constant 0 : index
    %get3A_15 = vector.load %arg3[%get3A_13, %get3A_14] : memref<128x128xf32, #tpu.memory_space<vmem>>, vector<128x128xf32>
    %dot_general3A = arith.constant dense<0.000000e+00> : vector<5000x128xf32>
    %dot_general3A_16 = tpu.matmul %add3A_12, %get3A_15, %dot_general3A {dimension_numbers = #tpu.dot_dimension_numbers<[1], [0], [0], [1], [0, 0, 1, 1], [], []>, transpose_lhs_hint = false} : vector<5000x128xf32>, vector<128x128xf32>, vector<5000x128xf32> -> vector<5000x128xf32>
    %get3A_17 = arith.constant 0 : index
    %get3A_18 = arith.constant 0 : index
    %get3A_19 = vector.load %arg4[%get3A_17, %get3A_18] : memref<1x128xf32, #tpu.memory_space<vmem>>, vector<1x128xf32>
    %add3A_20 = vector.broadcast %get3A_19 : vector<1x128xf32> to vector<5000x128xf32>
    %add3A_21 = arith.addf %dot_general3A_16, %add3A_20 : vector<5000x128xf32>
    %max3A = arith.constant 0.000000e+00 : f32
    %max3A_22 = vector.broadcast %max3A : f32 to vector<5000x128xf32>
    %max3A_23 = arith.maximumf %add3A_21, %max3A_22 : vector<5000x128xf32>
    %get3A_24 = arith.constant 0 : index
    %get3A_25 = arith.constant 0 : index
    %get3A_26 = vector.load %arg5[%get3A_24, %get3A_25] : memref<128x128xf32, #tpu.memory_space<vmem>>, vector<128x128xf32>
    %dot_general3A_27 = arith.constant dense<0.000000e+00> : vector<5000x128xf32>
    %dot_general3A_28 = tpu.matmul %max3A_23, %get3A_26, %dot_general3A_27 {dimension_numbers = #tpu.dot_dimension_numbers<[1], [0], [0], [1], [0, 0, 1, 1], [], []>, transpose_lhs_hint = false} : vector<5000x128xf32>, vector<128x128xf32>, vector<5000x128xf32> -> vector<5000x128xf32>
    %get3A_29 = arith.constant 0 : index
    %get3A_30 = arith.constant 0 : index
    %get3A_31 = vector.load %arg6[%get3A_29, %get3A_30] : memref<1x128xf32, #tpu.memory_space<vmem>>, vector<1x128xf32>
    %add3A_32 = vector.broadcast %get3A_31 : vector<1x128xf32> to vector<5000x128xf32>
    %add3A_33 = arith.addf %dot_general3A_28, %add3A_32 : vector<5000x128xf32>
    %max3A_34 = arith.constant 0.000000e+00 : f32
    %max3A_35 = vector.broadcast %max3A_34 : f32 to vector<5000x128xf32>
    %max3A_36 = arith.maximumf %add3A_33, %max3A_35 : vector<5000x128xf32>
    %swap3A = arith.constant 0 : index
    %swap3A_37 = arith.constant 0 : index
    %swap3A_38 = vector.load %arg7[%swap3A, %swap3A_37] : memref<5000x128xf32, #tpu.memory_space<vmem>>, vector<5000x128xf32>
    tpu.vector_store %arg7[%swap3A, %swap3A_37], %max3A_36 {strides = array<i32>} : memref<5000x128xf32, #tpu.memory_space<vmem>>, vector<5000x128xf32>,
    return
  }
  func.func @transform_0(%arg0: i32) -> (i32, i32) {
    %c0_i32 = arith.constant 0 : i32
    %c0_i32_0 = arith.constant 0 : i32
    return %arg0, %c0_i32 : i32, i32
  }
  func.func @transform_1(%arg0: i32) -> (i32, i32, i32) {
    %c0_i32 = arith.constant 0 : i32
    %c0_i32_0 = arith.constant 0 : i32
    %c0_i32_1 = arith.constant 0 : i32
    return %c0_i32, %arg0, %c0_i32_0 : i32, i32, i32
  }
  func.func @transform_2(%arg0: i32) -> (i32, i32) {
    %c0_i32 = arith.constant 0 : i32
    %c0_i32_0 = arith.constant 0 : i32
    %c0_i32_1 = arith.constant 0 : i32
    return %c0_i32, %c0_i32_0 : i32, i32
  }
  func.func @transform_3(%arg0: i32) -> (i32, i32) {
    %c0_i32 = arith.constant 0 : i32
    %c0_i32_0 = arith.constant 0 : i32
    %c0_i32_1 = arith.constant 0 : i32
    return %c0_i32, %c0_i32_0 : i32, i32
  }
  func.func @transform_4(%arg0: i32) -> (i32, i32) {
    %c0_i32 = arith.constant 0 : i32
    %c0_i32_0 = arith.constant 0 : i32
    %c0_i32_1 = arith.constant 0 : i32
    return %c0_i32, %c0_i32_0 : i32, i32
  }
  func.func @transform_5(%arg0: i32) -> (i32, i32) {
    %c0_i32 = arith.constant 0 : i32
    %c0_i32_0 = arith.constant 0 : i32
    %c0_i32_1 = arith.constant 0 : i32
    return %c0_i32, %c0_i32_0 : i32, i32
  }
  func.func @transform_6(%arg0: i32) -> (i32, i32) {
    %c0_i32 = arith.constant 0 : i32
    %c0_i32_0 = arith.constant 0 : i32
    return %arg0, %c0_i32 : i32, i32
  }
}

</mosaic_0001>

<sc_bundles>
// kernel: kernel.6.cloned.1.call-start
scs
__scs_entry_jumppad:
0x0: {  	(pc) =	sbr.rel $0x88, $3  }
0x1: {  	(tag) =	ssettag $0x0;
	lr =	simm.s32 $0x1  }
0x2: {  	[smem:$0x3F95] =	sst lr;
	_ =	strace $0xD0000000  }
0x3: {  	_ = 	snop  }
0x4: {  	_ = 	snop  }
0x5: {  	_ = 	snop  }
0x6: {  	_ = 	snop  }
0x7: {  	_ = 	snop  }
__scs_overlays_trampoline_lowered:
0x8: {  	[smem:$0x3FA4] =	sst s0  }
0x9: {  	[smem:$0x3FA5] =	sst s1  }
0xa: {  	[smem:$0x3FA6] =	sst s2  }
0xb: {  	[smem:$0x3FA7] =	sst s3  }
0xc: {  	[smem:$0x3FA8] =	sst s4  }
0xd: {  	[smem:$0x3FA9] =	sst s5  }
0xe: {  	[smem:$0x3FAA] =	sst s6  }
0xf: {  	[smem:$0x3FAB] =	sst s7  }
0x10: {  	[smem:$0x3FAC] =	sst s8  }
0x11: {  	[smem:$0x3FAD] =	sst s9;
	s0 =	simm.s32 @!p0 $0x0  }
0x12: {  	s1 =	sld [smem:$0x3F93];
	s0 =	simm.s32 @p0 $0x1  }
0x13: {  	[smem:$0x3FAE] =	sst s0;
	s0 =	simm.s32 @!p1 $0x0  }
0x14: {  	s2 =	sld [smem:$0x3F92];
	s0 =	simm.s32 @p1 $0x1  }
0x15: {  	[smem:$0x3FAF] =	sst s0;
	s0 =	simm.s32 @!p2 $0x0  }
0x16: {  	s3 =	sld [smem:$0x3FDB];
	s0 =	simm.s32 @p2 $0x1  }
0x17: {  	s4 =	simm.s32 $0x1BF5;
	[smem:$0x3FB1] =	sst s0  }
0x18: {  	s0 =	sld [smem:$0x3F94];
	_ =	swait.ge [sflag:s4], $0x0  }
0x19: {  	s7 =	sld [smem:$0x3F95]  }
0x1a: {  	s8 =	sadd.s32 $0xFFFFE003, lr  }
0x1b: {  	s9 =	sadd.s32 $0xFFFFFEF7, lr;
	s5 =	simm.s32 $0xFFFFFFFF;
	p2 =	slt.u32 s8, $0xFFFFF086  }
0x1c: {  	p1 =	slt.u32 s9, $0xF7A;
	s5 =	simm.s32 @!p2 $0x0  }
0x1d: {  	s5 =	simm.s32 @p1 $0x1;
	p0 =	seq.s32 s7, s2  }
0x1e: {  	s7 =	smul.u32 @!p0 $0xF7A, s2;
	p2 =	seq.s32 @!p0 s5, $0x0  }
0x1f: {  	s9 =	smul.u32 $0xF7A, s1;
	s8 =	simm.s32 @!p0 $0x1BF5;
	p2 =	por !p2, p0  }
0x20: {  	[sflag:s8] =	ssyncset.s32 @!p0 $0xFFFFF086;
	s6 =	sadd.s32 @!p0 s3, s7;
	s7 =	simm.s32 @!p0 $0x108  }
0x21: {  	s3 =	sadd.s32 s3, s9;
	s6 =	sadd.s32 @!p0 $0x88, s6;
	s7 =	simm.s32 @p2 $0x1082  }
0x22: {  	[simem:s7], [sflag:s8] =	dma.local @!p0 [hbm:s6], $0xF7A  }
0x23: {  	s9 =	sor.u32 $0xD0000000, s2;
	s6 =	simm.s32 $0x108;
	_ =	swait.ge @!p0 [sflag:s8], $0x0  }
0x24: {  	s3 =	sadd.s32 $0x88, s3;
	s6 =	simm.s32 @!p1 $0x1082;
	[sflag:s4] =	ssyncset.s32 $0xFFFFF086  }
0x25: {  	[simem:s6], [sflag:s4] =	dma.local [hbm:s3], $0xF7A  }
0x26: {  	[smem:$0x3F95] =	sst s1;
	(tag) =	ssettag s2;
	_ =	strace s9  }
0x27: {  	s1 =	sld [smem:$0x3FA5]  }
0x28: {  	s2 =	sld [smem:$0x3FA6]  }
0x29: {  	s4 =	sld [smem:$0x3FA8]  }
0x2a: {  	p0 =	seq.s32 s5, $0x0;
	s5 =	sld [smem:$0x3FA9]  }
0x2b: {  	s6 =	sld [smem:$0x3FAA]  }
0x2c: {  	s7 =	sld [smem:$0x3FAB]  }
0x2d: {  	s3 =	simm.s32 $0x108;
	s8 =	sld [smem:$0x3FAC]  }
0x2e: {  	s3 =	simm.s32 @!p0 $0x1082;
	s9 =	sld [smem:$0x3FAD]  }
0x2f: {  	lr =	sadd.s32 s0, s3;
	s0 =	sld [smem:$0x3FA4]  }
0x30: {  	s3 =	sld [smem:$0x3FA7]  }
0x31: {  	[smem:$0x3FB0] =	sst s10  }
0x32: {  	s10 =	sld [smem:$0x3FAE];
	_ =	sdelay $0x3  }
0x33: {  	p0 =	seq.s32 s10, $0x1;
	s10 =	sld [smem:$0x3FB0];
	_ =	sdelay $0x3  }
0x34: {  	[smem:$0x3FB0] =	sst s10  }
0x35: {  	s10 =	sld [smem:$0x3FAF];
	_ =	sdelay $0x3  }
0x36: {  	p1 =	seq.s32 s10, $0x1;
	s10 =	sld [smem:$0x3FB0];
	_ =	sdelay $0x3  }
0x37: {  	[smem:$0x3FB0] =	sst s10  }
0x38: {  	s10 =	sld [smem:$0x3FB1]  }
0x39: {  	_ = 	snop;
	(pc) =	sbr.ind lr, $3  }
0x3a: {  	_ = 	snop  }
0x3b: {  	_ = 	snop  }
0x3c: {  	p2 =	seq.s32 s10, $0x1;
	s10 =	sld [smem:$0x3FB0]  }
0x3d: {  	_ =	shalt  }
0x3e: {  	_ =	shalt  }
0x3f: {  	_ =	shalt  }
0x40: {  	_ =	shalt  }
0x41: {  	_ =	shalt  }
0x42: {  	_ =	shalt  }
0x43: {  	_ =	shalt  }
0x44: {  	_ =	shalt  }
0x45: {  	_ =	shalt  }
0x46: {  	_ =	shalt  }
0x47: {  	_ =	shalt  }
0x48: {  	_ =	shalt  }
0x49: {  	_ =	shalt  }
0x4a: {  	_ =	shalt  }
0x4b: {  	_ =	shalt  }
0x4c: {  	_ =	shalt  }
0x4d: {  	_ =	shalt  }
0x4e: {  	_ =	shalt  }
0x4f: {  	_ =	shalt  }
0x50: {  	_ =	shalt  }
0x51: {  	_ =	shalt  }
0x52: {  	_ =	shalt  }
0x53: {  	_ =	shalt  }
0x54: {  	_ =	shalt  }
0x55: {  	_ =	shalt  }
0x56: {  	_ =	shalt  }
0x57: {  	_ =	shalt  }
0x58: {  	_ =	shalt  }
0x59: {  	_ =	shalt  }
0x5a: {  	_ =	shalt  }
0x5b: {  	_ =	shalt  }
0x5c: {  	_ =	shalt  }
0x5d: {  	_ =	shalt  }
0x5e: {  	_ =	shalt  }
0x5f: {  	_ =	shalt  }
0x60: {  	_ =	shalt  }
0x61: {  	_ =	shalt  }
0x62: {  	_ =	shalt  }
0x63: {  	_ =	shalt  }
0x64: {  	_ =	shalt  }
0x65: {  	_ =	shalt  }
0x66: {  	_ =	shalt  }
0x67: {  	_ =	shalt  }
0x68: {  	_ =	shalt  }
0x69: {  	_ =	shalt  }
0x6a: {  	_ =	shalt  }
0x6b: {  	_ =	shalt  }
0x6c: {  	_ =	shalt  }
0x6d: {  	_ =	shalt  }
0x6e: {  	_ =	shalt  }
0x6f: {  	_ =	shalt  }
0x70: {  	_ =	shalt  }
0x71: {  	_ =	shalt  }
0x72: {  	_ =	shalt  }
0x73: {  	_ =	shalt  }
0x74: {  	_ =	shalt  }
0x75: {  	_ =	shalt  }
0x76: {  	_ =	shalt  }
0x77: {  	_ =	shalt  }
0x78: {  	_ =	shalt  }
0x79: {  	_ =	shalt  }
0x7a: {  	_ =	shalt  }
0x7b: {  	_ =	shalt  }
0x7c: {  	_ =	shalt  }
0x7d: {  	_ =	shalt  }
0x7e: {  	_ =	shalt  }
0x7f: {  	_ =	shalt  }
0x80: {  	_ =	shalt  }
0x81: {  	_ =	shalt  }
0x82: {  	_ =	shalt  }
0x83: {  	_ =	shalt  }
0x84: {  	_ =	shalt  }
0x85: {  	_ =	shalt  }
0x86: {  	_ =	shalt  }
0x87: {  	_ =	shalt  }
.Lfunc_end0:
.L_simem_size_0:
called_computation_lowered:
.L_overlay_start_0:
0x88: {  	s2 =	sld [smem:$0x3FD9]  }
0x89: {  	s3 =	sld [smem:$0x3FFE];
	_ =	sdelay $0x1  }
0x8a: {  	s1 =	srdreg.scid  }
0x8b: {  	s0 =	sand.u32 $0x1, s1  }
0x8c: {  	s17 =	sshll.u32 s0, $0xA;
	s2 =	sadd.s32 s3, s2  }
0x8d: {  	s2 =	sadd.s32 s2, s17  }
0x8e: {  	[smem:$0x3FBC] =	sst s2  }
0x8f: {  	_ = 	snop  }
0x90: {  	s2 =	sld [smem:$0x3FC9]  }
0x91: {  	s18 =	sld [smem:$0x3FC8];
	(tm) =	ssettm $0x1  }
0x92: {  	s4 =	sld [smem:$0x3FFB];
	_ =	sdelay $0x3  }
0x93: {  	_ =	strace s4  }
0x94: {  	s4 =	sld [smem:$0x3FFC];
	_ =	sdelay $0x3  }
0x95: {  	_ =	strace s4  }
0x96: {  	s4 =	sld [smem:$0x3FFD];
	_ =	sdelay $0x3  }
0x97: {  	_ =	strace s4  }
0x98: {  	_ =	strace $0x8FFFFFFF  }
0x99: {  	s19 =	sld [smem:$0x3FDB];
	_ =	sdelay $0x1  }
0x9a: {  	s5 =	simm.s32 $_scs_section_size  }
0x9b: {  	s6 =	simm.s32 $_size__tile_overlayer_lowered;
	s7 =	simm.s32 $_tile_overlayer_lowered  }
0x9c: {  	s22 =	simm.s32 $0x1BFF;
	s21 =	sshll.u32 s7, $0x1;
	s4 =	sadd.s32 s5, s19  }
0x9d: {  	s8 =	simm.s32 $0x0;
	s20 =	sshll.u32 s6, $0x1;
	s6 =	sadd.s32 s21, s4  }
0x9e: {  	[timem:s8], [sflag:s22] =	dma.local [hbm:s6], s20  }
0x9f: {  	_ =	swait.ge [sflag:s22], s20  }
0xa0: {  	s5 =	ssub.s32 $0x0, s20;
	[sflag:s22] =	ssyncset.done $0x0  }
0xa1: {  	[sflag:s22] =	ssyncadd.s32 s5;
	_ =	sdelay $0x1  }
0xa2: {  	s23 =	simm.s32 $0x1B8B  }
0xa3: {  	_ =	swait.ge [sflag:s23], $0x1  }
0xa4: {  	[sflag:s23] =	ssyncset.done $0x0  }
0xa5: {  	s25 =	simm.s32 $0x1B8E;
	s24 =	sld [smem:$0x3FFE];
	[sflag:s23] =	ssyncadd.s32 $0xFFFFFFFF  }
0xa6: {  	s26 =	simm.s32 $execute0_lowered;
	[smem:$0x3FD2] =	sst s25  }
0xa7: {  	s6 =	sshll.u32 s26, $0x1;
	_ =	strace $0x80000046;
	[dreg:$0x1] =	wrdreg $0xFFFFFFFF  }
0xa8: {  	s28 =	simm.s32 $_size_execute0_lowered;
	s4 =	sadd.s32 s4, s6;
	[dreg:$0x0] =	wrdreg $0x0  }
0xa9: {  	s6 =	sshll.u32 s28, $0x1;
	[dreg:$0x2] =	wrdreg s4  }
0xaa: {  	[dreg:$0x3] =	wrdreg s6  }
0xab: {  	[dreg:$0x4] =	wrdreg $0xC0  }
0xac: {  	_ =	task [dreg:s8], $0x5FFFF  }
0xad: {  	[dreg:$0x1] =	wrdreg $0xFFFFFFFF  }
0xae: {  	[dreg:$0x0] =	wrdreg $0x60  }
0xaf: {  	[dreg:$0x2] =	wrdreg s2  }
0xb0: {  	[dreg:$0x3] =	wrdreg s18  }
0xb1: {  	[dreg:$0x4] =	wrdreg s24  }
0xb2: {  	[dreg:$0x5] =	wrdreg $0xA8000  }
0xb3: {  	[dreg:$0x6] =	wrdreg $0x9  }
0xb4: {  	_ =	task.clear_ibuf [dreg:s8], $0x7FFFF;
	_ =	strace $0x90000046  }
0xb5: {  	s29 =	simm.s32 $0x9;
	_ =	strace $0x80000048  }
0xb6: {  	_ =	swait.ge [sflag:s29], $0x1  }
0xb7: {  	[sflag:s29] =	ssyncadd.s32 $0xFFFFFFFF  }
0xb8: {  	_ =	strace $0x90000048  }
0xb9: {  	_ =	sfence  }
0xba: {  	s30 =	sld [smem:$0x0];
	_ =	sdelay $0x2  }
0xbb: {  	s31 =	sshll.u32 s1, $0xD;
	s1 =	sshrl.u32 s1, $0x2  }
0xbc: {  	s3 =	sand.u32 $0x4000, s31;
	s1 =	sadd.s32 s1, s30  }
0xbd: {  	s0 =	sor.u32 s3, s0;
	s1 =	sshll.u32 s1, $0x11  }
0xbe: {  	s0 =	sor.u32 s1, s0  }
0xbf: {  	s0 =	sadd.s32 $0x8F2B, s0  }
0xc0: {  	[sflag:s0] =	ssyncadd.remote.s32 $0x1  }
0xc1: {  	_ =	sfence.sel $0xFFFF  }
0xc2: {  	[dreg:$0x0] =	wrdreg $0xFFFFFFFF;
	(pc) =	sbr.abs _section_cstart, $3  }
0xc3: {  	[dreg:$0x1] =	wrdreg $0xFFFFFFFF  }
0xc4: {  	_ =	task.clear_ibuf [dreg:s8], $0x2FFFF;
	_ =	strace $0x9FFFFFFF  }
0xc5: {  	(tm) =	ssettm $0x7FFFFFFF  }
tec
execute0_lowered:
.L_overlay_start_1:
0x0: {  	(tag) =	ssettag $0x1  }
0x1: {  	s0 =	rddreg [dreg:$0x0]  }
0x2: {  	s2 =	rddreg [dreg:$0x1]  }
0x3: {  	s1 =	srdreg.scid;
	s5 =	rddreg [dreg:$0x2]  }
0x4: {  	s3 =	rddreg [dreg:$0x3];
	s4 =	simm.s32 $0x0;
	s14 =	simm.s32 $0x2800  }
0x5: {  	s15 =	simm.s32 $0x3;
	s16 =	simm.s32 $0x40;
	s17 =	simm.s32 $0x4800  }
0x6: {  	s18 =	simm.s32 $0x6800;
	s19 =	simm.s32 $0x8800;
	s20 =	simm.s32 $0x1  }
0x7: {  	s21 =	simm.s32 $0x80;
	s22 =	simm.s32 $0x2;
	s6 =	sand.u32 $0x1, s1  }
0x8: {  	s25 =	simm.s32 $0x2680;
	s1 =	stileid.u32;
	s7 =	smul.u32 $0x13C000, s6  }
0x9: {  	s29 =	simm.s32 $0x2540;
	s30 =	simm.s32 $0x2480;
	s8 =	smul.u32 $0x13C00, s1  }
0xa: {  	s31 =	simm.s32 $0x2580;
	[smem:$0x7FF] =	sst s4;
	s26 =	smul.u32 $0x4F000, s1  }
0xb: {  	s9 =	smul.u32 $0x4E, s1;
	_ =	strace $0x80000047;
	s7 =	sadd.s32 s8, s7  }
0xc: {  	s28 =	smul.u32 $0x4E2, s6;
	p0 =	slt.u32 s1, $0x2;
	s7 =	sshrl.u32 s7, $0x3  }
0xd: {  	s6 =	ssub.s32 $0x2, s6;
	s12 =	sadd.s32 s7, s5;
	s5 =	smul.u32 $0x4F, s1  }
0xe: {  	s10 =	sshrl.u32 s6, $0x1;
	s9 =	sadd.s32 $0x2, s9;
	s8 =	sshrl.u32 s26, $0x2  }
.Ltmp0:
0xf: {  	s13 =	ssub.s32 s6, s10;
	s9 =	smov.u32 @p0 s5;
	(pc) =	sbr.rel .LBB2_1-.Ltmp0, $4  }
0x10: {  	s13 =	smax.u32 s13, $0x1;
	s12 =	sadd.s32 $0x2600, s12;
	s7 =	sadd.s32 s28, s9  }
0x11: {  	s5 =	sadd.s32 s8, s3;
	p0 =	sgt.u32 s1, $0x1;
	s9 =	sshll.u32 s7, $0x5  }
0x12: {  	s6 =	sadd.s32 $0x4000, s5;
	s8 =	sadd.s32 $0xC000, s5;
	s9 =	sadd.s32 s2, s9  }
0x13: {  	v0 =	vimm.f32 $0.0e+00;
	s10 =	sadd.s32 $0x10000, s5;
	s7 =	sadd.s32 $0x8000, s5;
	s11 =	sadd.s32 $0x500, s9  }
.LBB2_11:
0x14: {  	s23 =	sadd.s32 $0x100, s2;
	[sflag:s15] =	ssyncadd.s32 $0xFFFFC000  }
0x15: {  	[tilespmem:s18], [sflag:$0x2] =	stream.indirect.gather [hbm4b:s0+s16], $0x80, s23, s16, $0xb8;
	[tilespmem:$0x1E400] =	vst v63  }
0x16: {  	s24 =	sadd.s32 $0x140, s2  }
0x17: {  	[tilespmem:s19], [sflag:$0x2] =	stream.indirect.gather [hbm4b:s0+s16], $0x80, s24, s16, $0xb8;
	[tilespmem:$0x1E400] =	vst v63  }
0x18: {  	_ =	swait.ge [sflag:s20], $0x4000  }
0x19: {  	[sflag:s20] =	ssyncset.done $0x0  }
0x1a: {  	s26 =	sadd.s32 $0x80, s2;
	[sflag:s20] =	ssyncadd.s32 $0xFFFFC000  }
0x1b: {  	[spmem:s3] =	stream.indirect.scatter.add.f32 [tilespmem:s14], [sflag:$0x3], $0x80, s26, s21, $0xb8;
	[tilespmem:$0x1E400] =	vst v63  }
0x1c: {  	_ =	swait.ge [sflag:s15], $0x4000  }
0x1d: {  	[sflag:s15] =	ssyncset.done $0x0  }
0x1e: {  	s28 =	sadd.s32 $0x200, s2;
	[sflag:s15] =	ssyncadd.s32 $0xFFFFC000  }
0x1f: {  	[tilespmem:s14], [sflag:$0x1] =	stream.indirect.gather [hbm4b:s0+s16], $0x80, s28, s16, $0xb8;
	[tilespmem:$0x1E400] =	vst v63  }
0x20: {  	s24 =	sadd.s32 $0x240, s2  }
0x21: {  	[tilespmem:s17], [sflag:$0x1] =	stream.indirect.gather [hbm4b:s0+s16], $0x80, s24, s16, $0xb8;
	[tilespmem:$0x1E400] =	vst v63  }
0x22: {  	_ =	swait.ge [sflag:s22], $0x4000  }
0x23: {  	[sflag:s22] =	ssyncset.done $0x0  }
0x24: {  	s26 =	sadd.s32 $0x180, s2;
	[sflag:s22] =	ssyncadd.s32 $0xFFFFC000  }
0x25: {  	[spmem:s3] =	stream.indirect.scatter.add.f32 [tilespmem:s18], [sflag:$0x3], $0x80, s26, s21, $0xb8;
	[tilespmem:$0x1E400] =	vst v63  }
0x26: {  	_ =	swait.ge [sflag:s15], $0x4000  }
0x27: {  	[sflag:s15] =	ssyncset.done $0x0  }
0x28: {  	s28 =	simm.s32 $0x2500;
	[sflag:s15] =	ssyncadd.s32 $0xFFFFC000  }
0x29: {  	[tilespmem:s18], [sflag:$0x2] =	stream.indirect.gather [hbm4b:s0+s16], $0x80, s28, s16, $0xb8;
	[tilespmem:$0x1E400] =	vst v63  }
0x2a: {  	_ = 	snop  }
0x2b: {  	[tilespmem:s19], [sflag:$0x2] =	stream.indirect.gather [hbm4b:s0+s16], $0x80, s29, s16, $0xb8;
	[tilespmem:$0x1E400] =	vst v63  }
0x2c: {  	_ =	swait.ge [sflag:s20], $0x4000  }
0x2d: {  	[sflag:s20] =	ssyncset.done $0x0  }
0x2e: {  	[sflag:s20] =	ssyncadd.s32 $0xFFFFC000  }
0x2f: {  	[spmem:s3] =	stream.indirect.scatter.add.f32 [tilespmem:s14], [sflag:$0x3], $0x80, s30, s21, $0xb8;
	[tilespmem:$0x1E400] =	vst v63  }
0x30: {  	_ =	swait.ge [sflag:s15], $0x4000  }
0x31: {  	[sflag:s15] =	ssyncset.done $0x0  }
0x32: {  	[sflag:s15] =	ssyncadd.s32 $0xFFFFC000  }
0x33: {  	_ =	swait.ge [sflag:s22], $0x4000  }
0x34: {  	[sflag:s22] =	ssyncset.done $0x0  }
0x35: {  	[sflag:s22] =	ssyncadd.s32 $0xFFFFC000  }
0x36: {  	[spmem:s3] =	stream.indirect.scatter.add.f32 [tilespmem:s18], [sflag:$0x3], $0x80, s31, s21, $0xb8;
	[tilespmem:$0x1E400] =	vst v63  }
.LBB2_12:
0x37: {  	_ =	swait.ge [sflag:s15], $0x4000  }
0x38: {  	s2 =	sshll.u32 s1, $0x6;
	s4 =	sadd.s32 $0x1, s4;
	[sflag:s15] =	ssyncset.done $0x0  }
0x39: {  	s23 =	sshrl.u32 s5, $0x3;
	p1 =	sne.s32 s4, s13;
	[sflag:s15] =	ssyncadd.s32 $0xFFFFC000  }
.Ltmp1:
0x3a: {  	s2 =	sor.u32 $0x1C03, s2;
	[bflag:$0x0] =	sbarrier.arrive $0xFFFF;
	(pc) =	sbr.rel @!p1 .LBB2_13-.Ltmp1, $4  }
0x3b: {  	[hbm:s12], [sflag:s2] =	dma.local [spmem:s23], $0x2780  }
0x3c: {  	_ =	swait.ge [sflag:s15], $0x2780  }
0x3d: {  	[sflag:s15] =	ssyncset.done $0x0  }
0x3e: {  	[sflag:s15] =	ssyncadd.s32 $0xFFFFD880  }
.LBB2_1:
0x3f: {  	s2 =	simm.s32 $0x0;
	s23 =	simm.s32 $0x200  }
.LBB2_2:
0x40: {  	p1 =	sne.s32 s23, $0xFE00;
	[tilespmem:s2+$0x2870] =	vst v0  }
0x41: {  	[tilespmem:s2+$0x2800] =	vst v0  }
0x42: {  	[tilespmem:s2+$0x2810] =	vst v0  }
.Ltmp2:
0x43: {  	[tilespmem:s2+$0x2820] =	vst v0;
	(pc) =	sbr.rel @p1 .LBB2_2-.Ltmp2, $4  }
0x44: {  	[tilespmem:s2+$0x2830] =	vst v0  }
0x45: {  	[tilespmem:s2+$0x2840] =	vst v0  }
0x46: {  	[tilespmem:s2+$0x2850] =	vst v0  }
0x47: {  	[tilespmem:s2+$0x2860] =	vst v0;
	s2 =	sshra.s32 s23, $0x2;
	s23 =	sadd.s32 $0x200, s23  }
0x48: {  	[tilespmem:s2+$0x2870] =	vst v0  }
0x49: {  	[tilespmem:s2+$0x2800] =	vst v0  }
0x4a: {  	[tilespmem:s2+$0x2810] =	vst v0  }
0x4b: {  	[tilespmem:s2+$0x2820] =	vst v0  }
0x4c: {  	[tilespmem:s2+$0x2830] =	vst v0  }
0x4d: {  	[tilespmem:s2+$0x2840] =	vst v0  }
0x4e: {  	[tilespmem:s2+$0x2850] =	vst v0  }
0x4f: {  	[tilespmem:s2+$0x2860] =	vst v0  }
0x50: {  	[spmem:s5] =	stream.linear.scatter [tilespmem:s14], [sflag:$0x3], $0x4000, $0x38;
	[tilespmem:$0x1E400] =	vst v63  }
0x51: {  	_ =	swait.ge [sflag:s15], $0x4000  }
0x52: {  	[sflag:s15] =	ssyncset.done $0x0  }
0x53: {  	[sflag:s15] =	ssyncadd.s32 $0xFFFFC000  }
0x54: {  	[spmem:s6] =	stream.linear.scatter [tilespmem:s14], [sflag:$0x3], $0x4000, $0x38;
	[tilespmem:$0x1E400] =	vst v63  }
0x55: {  	_ =	swait.ge [sflag:s15], $0x4000  }
0x56: {  	[sflag:s15] =	ssyncset.done $0x0  }
0x57: {  	[sflag:s15] =	ssyncadd.s32 $0xFFFFC000  }
0x58: {  	[spmem:s7] =	stream.linear.scatter [tilespmem:s14], [sflag:$0x3], $0x4000, $0x38;
	[tilespmem:$0x1E400] =	vst v63  }
0x59: {  	_ =	swait.ge [sflag:s15], $0x4000  }
0x5a: {  	[sflag:s15] =	ssyncset.done $0x0  }
0x5b: {  	[sflag:s15] =	ssyncadd.s32 $0xFFFFC000  }
0x5c: {  	[spmem:s8] =	stream.linear.scatter [tilespmem:s14], [sflag:$0x3], $0x4000, $0x38;
	[tilespmem:$0x1E400] =	vst v63  }
0x5d: {  	_ =	swait.ge [sflag:s15], $0x4000  }
0x5e: {  	[sflag:s15] =	ssyncset.done $0x0  }
0x5f: {  	[sflag:s15] =	ssyncadd.s32 $0xFFFFC000  }
0x60: {  	[spmem:s10] =	stream.linear.scatter [tilespmem:s14], [sflag:$0x3], $0x3C00, $0x38;
	[tilespmem:$0x1E400] =	vst v63  }
0x61: {  	_ =	swait.ge [sflag:s15], $0x3C00  }
0x62: {  	[sflag:s15] =	ssyncset.done $0x0  }
0x63: {  	[sflag:s15] =	ssyncadd.s32 $0xFFFFC400  }
0x64: {  	s24 =	simm.s32 $0x0;
	[bflag:$0x0] =	sbarrier.arrive $0xFFFF  }
0x65: {  	[tilespmem:s24], [sflag:$0x3] =	stream.linear.gather [hbm4b:s9+s24], $0x2800, $0x38;
	[tilespmem:$0x1E400] =	vst v63  }
0x66: {  	_ =	swait.ge [sflag:s15], $0x2800  }
0x67: {  	[sflag:s15] =	ssyncset.done $0x0  }
0x68: {  	[sflag:s15] =	ssyncadd.s32 $0xFFFFD800  }
0x69: {  	[tilespmem:s14], [sflag:$0x1] =	stream.indirect.gather [hbm4b:s0+s16], $0x80, s24, s16, $0xb8;
	[tilespmem:$0x1E400] =	vst v63  }
0x6a: {  	_ = 	snop  }
0x6b: {  	[tilespmem:s17], [sflag:$0x1] =	stream.indirect.gather [hbm4b:s0+s16], $0x80, s16, s16, $0xb8;
	[tilespmem:$0x1E400] =	vst v63  }
0x6c: {  	s26 =	simm.s32 $0x100  }
0x6d: {  	[tilespmem:s18], [sflag:$0x2] =	stream.indirect.gather [hbm4b:s0+s16], $0x80, s26, s16, $0xb8;
	[tilespmem:$0x1E400] =	vst v63  }
0x6e: {  	s28 =	simm.s32 $0x140  }
0x6f: {  	[tilespmem:s19], [sflag:$0x2] =	stream.indirect.gather [hbm4b:s0+s16], $0x80, s28, s16, $0xb8;
	[tilespmem:$0x1E400] =	vst v63  }
0x70: {  	_ =	swait.ge [sflag:s20], $0x4000  }
0x71: {  	[sflag:s20] =	ssyncset.done $0x0  }
0x72: {  	s23 =	simm.s32 $0x80;
	[sflag:s20] =	ssyncadd.s32 $0xFFFFC000  }
0x73: {  	[spmem:s3] =	stream.indirect.scatter.add.f32 [tilespmem:s14], [sflag:$0x3], $0x80, s23, s21, $0xb8;
	[tilespmem:$0x1E400] =	vst v63  }
0x74: {  	_ =	swait.ge [sflag:s15], $0x4000  }
0x75: {  	[sflag:s15] =	ssyncset.done $0x0  }
0x76: {  	s24 =	simm.s32 $0x200;
	[sflag:s15] =	ssyncadd.s32 $0xFFFFC000  }
0x77: {  	[tilespmem:s14], [sflag:$0x1] =	stream.indirect.gather [hbm4b:s0+s16], $0x80, s24, s16, $0xb8;
	[tilespmem:$0x1E400] =	vst v63  }
0x78: {  	s26 =	simm.s32 $0x240  }
0x79: {  	[tilespmem:s17], [sflag:$0x1] =	stream.indirect.gather [hbm4b:s0+s16], $0x80, s26, s16, $0xb8;
	[tilespmem:$0x1E400] =	vst v63  }
0x7a: {  	_ =	swait.ge [sflag:s22], $0x4000  }
0x7b: {  	[sflag:s22] =	ssyncset.done $0x0  }
0x7c: {  	s28 =	simm.s32 $0x180;
	[sflag:s22] =	ssyncadd.s32 $0xFFFFC000  }
0x7d: {  	[spmem:s3] =	stream.indirect.scatter.add.f32 [tilespmem:s18], [sflag:$0x3], $0x80, s28, s21, $0xb8;
	[tilespmem:$0x1E400] =	vst v63  }
0x7e: {  	_ =	swait.ge [sflag:s15], $0x4000  }
0x7f: {  	s2 =	simm.s32 $0x200;
	s23 =	simm.s32 $0x1000;
	[sflag:s15] =	ssyncset.done $0x0  }
.LBB2_4:
0x80: {  	s24 =	sadd.s32 $0x100, s2  }
0x81: {  	[sflag:s15] =	ssyncadd.s32 $0xFFFFC000;
	s26 =	smov.u32 s23;
	s28 =	sadd.s32 $0x800, s23  }
0x82: {  	[tilespmem:s18], [sflag:$0x2] =	stream.indirect.gather [hbm4b:s0+s16], $0x80, s24, s16, $0xb8;
	[tilespmem:$0x1E400] =	vst v63  }
0x83: {  	p1 =	sne.s32 s23, $0x9000;
	s23 =	sadd.s32 $0x140, s2  }
0x84: {  	[tilespmem:s19], [sflag:$0x2] =	stream.indirect.gather [hbm4b:s0+s16], $0x80, s23, s16, $0xb8;
	[tilespmem:$0x1E400] =	vst v63  }
0x85: {  	_ =	swait.ge [sflag:s20], $0x4000  }
0x86: {  	[sflag:s20] =	ssyncset.done $0x0  }
0x87: {  	s23 =	sadd.s32 $0x80, s2;
	[sflag:s20] =	ssyncadd.s32 $0xFFFFC000  }
0x88: {  	[spmem:s3] =	stream.indirect.scatter.add.f32 [tilespmem:s14], [sflag:$0x3], $0x80, s23, s21, $0xb8;
	[tilespmem:$0x1E400] =	vst v63  }
0x89: {  	_ =	swait.ge [sflag:s15], $0x4000  }
0x8a: {  	[sflag:s15] =	ssyncset.done $0x0  }
0x8b: {  	s23 =	sadd.s32 $0x200, s2;
	[sflag:s15] =	ssyncadd.s32 $0xFFFFC000  }
0x8c: {  	[tilespmem:s14], [sflag:$0x1] =	stream.indirect.gather [hbm4b:s0+s16], $0x80, s23, s16, $0xb8;
	[tilespmem:$0x1E400] =	vst v63  }
0x8d: {  	s23 =	sadd.s32 $0x240, s2  }
0x8e: {  	[tilespmem:s17], [sflag:$0x1] =	stream.indirect.gather [hbm4b:s0+s16], $0x80, s23, s16, $0xb8;
	[tilespmem:$0x1E400] =	vst v63  }
0x8f: {  	_ =	swait.ge [sflag:s22], $0x4000  }
.Ltmp3:
0x90: {  	[sflag:s22] =	ssyncset.done $0x0;
	(pc) =	sbr.rel @p1 .LBB2_4-.Ltmp3, $4  }
0x91: {  	s2 =	sadd.s32 $0x180, s2;
	[sflag:s22] =	ssyncadd.s32 $0xFFFFC000  }
0x92: {  	[spmem:s3] =	stream.indirect.scatter.add.f32 [tilespmem:s18], [sflag:$0x3], $0x80, s2, s21, $0xb8;
	[tilespmem:$0x1E400] =	vst v63  }
0x93: {  	_ =	swait.ge [sflag:s15], $0x4000  }
0x94: {  	s23 =	smov.u32 s28;
	s2 =	sshra.s32 s26, $0x2;
	[sflag:s15] =	ssyncset.done $0x0  }
0x95: {  	s23 =	sadd.s32 $0x100, s2;
	[sflag:s15] =	ssyncadd.s32 $0xFFFFC000  }
0x96: {  	[tilespmem:s18], [sflag:$0x2] =	stream.indirect.gather [hbm4b:s0+s16], $0x80, s23, s16, $0xb8;
	[tilespmem:$0x1E400] =	vst v63  }
0x97: {  	s28 =	sadd.s32 $0x140, s2  }
0x98: {  	[tilespmem:s19], [sflag:$0x2] =	stream.indirect.gather [hbm4b:s0+s16], $0x80, s28, s16, $0xb8;
	[tilespmem:$0x1E400] =	vst v63  }
0x99: {  	_ =	swait.ge [sflag:s20], $0x4000  }
0x9a: {  	[sflag:s20] =	ssyncset.done $0x0  }
0x9b: {  	s24 =	sadd.s32 $0x80, s2;
	[sflag:s20] =	ssyncadd.s32 $0xFFFFC000  }
0x9c: {  	[spmem:s3] =	stream.indirect.scatter.add.f32 [tilespmem:s14], [sflag:$0x3], $0x80, s24, s21, $0xb8;
	[tilespmem:$0x1E400] =	vst v63  }
0x9d: {  	_ =	swait.ge [sflag:s15], $0x4000  }
0x9e: {  	[sflag:s15] =	ssyncset.done $0x0  }
0x9f: {  	s26 =	sadd.s32 $0x200, s2;
	[sflag:s15] =	ssyncadd.s32 $0xFFFFC000  }
0xa0: {  	[tilespmem:s14], [sflag:$0x1] =	stream.indirect.gather [hbm4b:s0+s16], $0x80, s26, s16, $0xb8;
	[tilespmem:$0x1E400] =	vst v63  }
0xa1: {  	s28 =	sadd.s32 $0x240, s2  }
0xa2: {  	[tilespmem:s17], [sflag:$0x1] =	stream.indirect.gather [hbm4b:s0+s16], $0x80, s28, s16, $0xb8;
	[tilespmem:$0x1E400] =	vst v63  }
0xa3: {  	_ =	swait.ge [sflag:s22], $0x4000  }
0xa4: {  	[sflag:s22] =	ssyncset.done $0x0  }
0xa5: {  	s23 =	sadd.s32 $0x180, s2;
	[sflag:s22] =	ssyncadd.s32 $0xFFFFC000  }
0xa6: {  	[spmem:s3] =	stream.indirect.scatter.add.f32 [tilespmem:s18], [sflag:$0x3], $0x80, s23, s21, $0xb8;
	[tilespmem:$0x1E400] =	vst v63  }
0xa7: {  	_ =	swait.ge [sflag:s15], $0x4000  }
0xa8: {  	[sflag:s15] =	ssyncset.done $0x0  }
0xa9: {  	s24 =	simm.s32 $0x2700;
	[sflag:s15] =	ssyncadd.s32 $0xFFFFC000  }
0xaa: {  	[tilespmem:s18], [sflag:$0x2] =	stream.indirect.gather [hbm4b:s0+s16], $0x80, s24, s16, $0xb8;
	[tilespmem:$0x1E400] =	vst v63  }
0xab: {  	s26 =	simm.s32 $0x2740  }
0xac: {  	[tilespmem:s19], [sflag:$0x2] =	stream.indirect.gather [hbm4b:s0+s16], $0x80, s26, s16, $0xb8;
	[tilespmem:$0x1E400] =	vst v63  }
0xad: {  	_ =	swait.ge [sflag:s20], $0x4000  }
0xae: {  	[sflag:s20] =	ssyncset.done $0x0  }
0xaf: {  	[sflag:s20] =	ssyncadd.s32 $0xFFFFC000  }
0xb0: {  	[spmem:s3] =	stream.indirect.scatter.add.f32 [tilespmem:s14], [sflag:$0x3], $0x80, s25, s21, $0xb8;
	[tilespmem:$0x1E400] =	vst v63  }
0xb1: {  	_ =	swait.ge [sflag:s15], $0x4000  }
0xb2: {  	[sflag:s15] =	ssyncset.done $0x0  }
0xb3: {  	[sflag:s15] =	ssyncadd.s32 $0xFFFFC000  }
0xb4: {  	_ =	swait.ge [sflag:s22], $0x4000  }
0xb5: {  	[sflag:s22] =	ssyncset.done $0x0  }
.Ltmp4:
0xb6: {  	s28 =	simm.s32 $0x2780;
	[sflag:s22] =	ssyncadd.s32 $0xFFFFC000;
	(pc) =	sbr.rel @p0 .LBB2_9-.Ltmp4, $4  }
0xb7: {  	[spmem:s3] =	stream.indirect.scatter.add.f32 [tilespmem:s18], [sflag:$0x3], $0x80, s28, s21, $0xb8;
	[tilespmem:$0x1E400] =	vst v63  }
0xb8: {  	_ =	swait.ge [sflag:s15], $0x4000  }
0xb9: {  	[sflag:s15] =	ssyncset.done $0x0  }
0xba: {  	s2 =	simm.s32 $0x0;
	[sflag:s15] =	ssyncadd.s32 $0xFFFFC000  }
0xbb: {  	[tilespmem:s2], [sflag:$0x3] =	stream.linear.gather [hbm4b:s11+s2], $0x2700, $0x38;
	[tilespmem:$0x1E400] =	vst v63  }
0xbc: {  	_ =	swait.ge [sflag:s15], $0x2700  }
0xbd: {  	[sflag:s15] =	ssyncset.done $0x0  }
0xbe: {  	[sflag:s15] =	ssyncadd.s32 $0xFFFFD900  }
0xbf: {  	[tilespmem:s14], [sflag:$0x1] =	stream.indirect.gather [hbm4b:s0+s16], $0x80, s2, s16, $0xb8;
	[tilespmem:$0x1E400] =	vst v63  }
0xc0: {  	_ = 	snop  }
0xc1: {  	[tilespmem:s17], [sflag:$0x1] =	stream.indirect.gather [hbm4b:s0+s16], $0x80, s16, s16, $0xb8;
	[tilespmem:$0x1E400] =	vst v63  }
0xc2: {  	s26 =	simm.s32 $0x100  }
0xc3: {  	[tilespmem:s18], [sflag:$0x2] =	stream.indirect.gather [hbm4b:s0+s16], $0x80, s26, s16, $0xb8;
	[tilespmem:$0x1E400] =	vst v63  }
0xc4: {  	s28 =	simm.s32 $0x140  }
0xc5: {  	[tilespmem:s19], [sflag:$0x2] =	stream.indirect.gather [hbm4b:s0+s16], $0x80, s28, s16, $0xb8;
	[tilespmem:$0x1E400] =	vst v63  }
0xc6: {  	_ =	swait.ge [sflag:s20], $0x4000  }
0xc7: {  	[sflag:s20] =	ssyncset.done $0x0  }
0xc8: {  	s23 =	simm.s32 $0x80;
	[sflag:s20] =	ssyncadd.s32 $0xFFFFC000  }
0xc9: {  	[spmem:s3] =	stream.indirect.scatter.add.f32 [tilespmem:s14], [sflag:$0x3], $0x80, s23, s21, $0xb8;
	[tilespmem:$0x1E400] =	vst v63  }
0xca: {  	_ =	swait.ge [sflag:s15], $0x4000  }
0xcb: {  	[sflag:s15] =	ssyncset.done $0x0  }
0xcc: {  	s24 =	simm.s32 $0x200;
	[sflag:s15] =	ssyncadd.s32 $0xFFFFC000  }
0xcd: {  	[tilespmem:s14], [sflag:$0x1] =	stream.indirect.gather [hbm4b:s0+s16], $0x80, s24, s16, $0xb8;
	[tilespmem:$0x1E400] =	vst v63  }
0xce: {  	s26 =	simm.s32 $0x240  }
0xcf: {  	[tilespmem:s17], [sflag:$0x1] =	stream.indirect.gather [hbm4b:s0+s16], $0x80, s26, s16, $0xb8;
	[tilespmem:$0x1E400] =	vst v63  }
0xd0: {  	_ =	swait.ge [sflag:s22], $0x4000  }
0xd1: {  	[sflag:s22] =	ssyncset.done $0x0  }
0xd2: {  	s28 =	simm.s32 $0x180;
	[sflag:s22] =	ssyncadd.s32 $0xFFFFC000  }
0xd3: {  	[spmem:s3] =	stream.indirect.scatter.add.f32 [tilespmem:s18], [sflag:$0x3], $0x80, s28, s21, $0xb8;
	[tilespmem:$0x1E400] =	vst v63  }
0xd4: {  	_ =	swait.ge [sflag:s15], $0x4000  }
0xd5: {  	s2 =	simm.s32 $0x200;
	s23 =	simm.s32 $0x1000;
	[sflag:s15] =	ssyncset.done $0x0  }
.LBB2_7:
0xd6: {  	s24 =	sadd.s32 $0x100, s2  }
0xd7: {  	[sflag:s15] =	ssyncadd.s32 $0xFFFFC000;
	s26 =	smov.u32 s23;
	s28 =	sadd.s32 $0x800, s23  }
0xd8: {  	[tilespmem:s18], [sflag:$0x2] =	stream.indirect.gather [hbm4b:s0+s16], $0x80, s24, s16, $0xb8;
	[tilespmem:$0x1E400] =	vst v63  }
0xd9: {  	p1 =	sne.s32 s23, $0x8800;
	s23 =	sadd.s32 $0x140, s2  }
0xda: {  	[tilespmem:s19], [sflag:$0x2] =	stream.indirect.gather [hbm4b:s0+s16], $0x80, s23, s16, $0xb8;
	[tilespmem:$0x1E400] =	vst v63  }
0xdb: {  	_ =	swait.ge [sflag:s20], $0x4000  }
0xdc: {  	[sflag:s20] =	ssyncset.done $0x0  }
0xdd: {  	s23 =	sadd.s32 $0x80, s2;
	[sflag:s20] =	ssyncadd.s32 $0xFFFFC000  }
0xde: {  	[spmem:s3] =	stream.indirect.scatter.add.f32 [tilespmem:s14], [sflag:$0x3], $0x80, s23, s21, $0xb8;
	[tilespmem:$0x1E400] =	vst v63  }
0xdf: {  	_ =	swait.ge [sflag:s15], $0x4000  }
0xe0: {  	[sflag:s15] =	ssyncset.done $0x0  }
0xe1: {  	s23 =	sadd.s32 $0x200, s2;
	[sflag:s15] =	ssyncadd.s32 $0xFFFFC000  }
0xe2: {  	[tilespmem:s14], [sflag:$0x1] =	stream.indirect.gather [hbm4b:s0+s16], $0x80, s23, s16, $0xb8;
	[tilespmem:$0x1E400] =	vst v63  }
0xe3: {  	s23 =	sadd.s32 $0x240, s2  }
0xe4: {  	[tilespmem:s17], [sflag:$0x1] =	stream.indirect.gather [hbm4b:s0+s16], $0x80, s23, s16, $0xb8;
	[tilespmem:$0x1E400] =	vst v63  }
0xe5: {  	_ =	swait.ge [sflag:s22], $0x4000  }
.Ltmp5:
0xe6: {  	[sflag:s22] =	ssyncset.done $0x0;
	(pc) =	sbr.rel @p1 .LBB2_7-.Ltmp5, $4  }
0xe7: {  	s2 =	sadd.s32 $0x180, s2;
	[sflag:s22] =	ssyncadd.s32 $0xFFFFC000  }
0xe8: {  	[spmem:s3] =	stream.indirect.scatter.add.f32 [tilespmem:s18], [sflag:$0x3], $0x80, s2, s21, $0xb8;
	[tilespmem:$0x1E400] =	vst v63  }
0xe9: {  	_ =	swait.ge [sflag:s15], $0x4000  }
0xea: {  	s23 =	smov.u32 s28;
	s2 =	sshra.s32 s26, $0x2;
	[sflag:s15] =	ssyncset.done $0x0  }
0xeb: {  	s23 =	sadd.s32 $0x100, s2;
	[sflag:s15] =	ssyncadd.s32 $0xFFFFC000  }
0xec: {  	[tilespmem:s18], [sflag:$0x2] =	stream.indirect.gather [hbm4b:s0+s16], $0x80, s23, s16, $0xb8;
	[tilespmem:$0x1E400] =	vst v63  }
0xed: {  	s28 =	sadd.s32 $0x140, s2  }
0xee: {  	[tilespmem:s19], [sflag:$0x2] =	stream.indirect.gather [hbm4b:s0+s16], $0x80, s28, s16, $0xb8;
	[tilespmem:$0x1E400] =	vst v63  }
0xef: {  	_ =	swait.ge [sflag:s20], $0x4000  }
0xf0: {  	[sflag:s20] =	ssyncset.done $0x0  }
0xf1: {  	s24 =	sadd.s32 $0x80, s2;
	[sflag:s20] =	ssyncadd.s32 $0xFFFFC000  }
0xf2: {  	[spmem:s3] =	stream.indirect.scatter.add.f32 [tilespmem:s14], [sflag:$0x3], $0x80, s24, s21, $0xb8;
	[tilespmem:$0x1E400] =	vst v63  }
0xf3: {  	_ =	swait.ge [sflag:s15], $0x4000  }
0xf4: {  	[sflag:s15] =	ssyncset.done $0x0  }
0xf5: {  	s26 =	sadd.s32 $0x200, s2;
	[sflag:s15] =	ssyncadd.s32 $0xFFFFC000  }
0xf6: {  	[tilespmem:s14], [sflag:$0x1] =	stream.indirect.gather [hbm4b:s0+s16], $0x80, s26, s16, $0xb8;
	[tilespmem:$0x1E400] =	vst v63  }
0xf7: {  	s28 =	sadd.s32 $0x240, s2  }
0xf8: {  	[tilespmem:s17], [sflag:$0x1] =	stream.indirect.gather [hbm4b:s0+s16], $0x80, s28, s16, $0xb8;
	[tilespmem:$0x1E400] =	vst v63  }
0xf9: {  	_ =	swait.ge [sflag:s22], $0x4000  }
0xfa: {  	[sflag:s22] =	ssyncset.done $0x0  }
0xfb: {  	s23 =	sadd.s32 $0x180, s2;
	[sflag:s22] =	ssyncadd.s32 $0xFFFFC000  }
0xfc: {  	[spmem:s3] =	stream.indirect.scatter.add.f32 [tilespmem:s18], [sflag:$0x3], $0x80, s23, s21, $0xb8;
	[tilespmem:$0x1E400] =	vst v63  }
0xfd: {  	_ =	swait.ge [sflag:s15], $0x4000  }
0xfe: {  	[sflag:s15] =	ssyncset.done $0x0  }
0xff: {  	s24 =	simm.s32 $0x2500;
	[sflag:s15] =	ssyncadd.s32 $0xFFFFC000  }
0x100: {  	[tilespmem:s18], [sflag:$0x2] =	stream.indirect.gather [hbm4b:s0+s16], $0x80, s24, s16, $0xb8;
	[tilespmem:$0x1E400] =	vst v63  }
0x101: {  	_ = 	snop  }
0x102: {  	[tilespmem:s19], [sflag:$0x2] =	stream.indirect.gather [hbm4b:s0+s16], $0x80, s29, s16, $0xb8;
	[tilespmem:$0x1E400] =	vst v63  }
0x103: {  	_ =	swait.ge [sflag:s20], $0x4000  }
0x104: {  	[sflag:s20] =	ssyncset.done $0x0  }
0x105: {  	[sflag:s20] =	ssyncadd.s32 $0xFFFFC000  }
0x106: {  	[spmem:s3] =	stream.indirect.scatter.add.f32 [tilespmem:s14], [sflag:$0x3], $0x80, s30, s21, $0xb8;
	[tilespmem:$0x1E400] =	vst v63  }
0x107: {  	_ =	swait.ge [sflag:s15], $0x4000  }
0x108: {  	[sflag:s15] =	ssyncset.done $0x0  }
0x109: {  	[sflag:s15] =	ssyncadd.s32 $0xFFFFC000  }
0x10a: {  	_ =	swait.ge [sflag:s22], $0x4000  }
0x10b: {  	[sflag:s22] =	ssyncset.done $0x0  }
0x10c: {  	[sflag:s22] =	ssyncadd.s32 $0xFFFFC000  }
0x10d: {  	[spmem:s3] =	stream.indirect.scatter.add.f32 [tilespmem:s18], [sflag:$0x3], $0x80, s31, s21, $0xb8;
	[tilespmem:$0x1E400] =	vst v63  }
0x10e: {  	_ =	swait.ge [sflag:s15], $0x4000  }
0x10f: {  	[sflag:s15] =	ssyncset.done $0x0  }
0x110: {  	s26 =	simm.s32 $0x2600;
	[sflag:s15] =	ssyncadd.s32 $0xFFFFC000  }
0x111: {  	[tilespmem:s14], [sflag:$0x1] =	stream.indirect.gather [hbm4b:s0+s16], $0x80, s26, s16, $0xb8;
	[tilespmem:$0x1E400] =	vst v63  }
0x112: {  	s28 =	simm.s32 $0x2640  }
0x113: {  	[tilespmem:s17], [sflag:$0x1] =	stream.indirect.gather [hbm4b:s0+s16], $0x80, s28, s16, $0xb8;
	[tilespmem:$0x1E400] =	vst v63  }
.Ltmp6:
0x114: {  	_ = 	snop;
	(pc) =	sbr.rel .LBB2_12-.Ltmp6, $4  }
0x115: {  	_ =	swait.ge [sflag:s20], $0x4000  }
0x116: {  	[sflag:s20] =	ssyncset.done $0x0  }
0x117: {  	[sflag:s20] =	ssyncadd.s32 $0xFFFFC000  }
0x118: {  	[spmem:s3] =	stream.indirect.scatter.add.f32 [tilespmem:s14], [sflag:$0x3], $0x80, s25, s21, $0xb8;
	[tilespmem:$0x1E400] =	vst v63  }
.LBB2_9:
0x119: {  	[tilespmem:s2], [sflag:$0x3] =	stream.linear.gather [hbm4b:s11+s2], $0x2600, $0x38;
	[tilespmem:$0x1E400] =	vst v63  }
0x11a: {  	_ =	swait.ge [sflag:s15], $0x2600  }
0x11b: {  	[sflag:s15] =	ssyncset.done $0x0  }
0x11c: {  	[sflag:s15] =	ssyncadd.s32 $0xFFFFDA00  }
0x11d: {  	[tilespmem:s14], [sflag:$0x1] =	stream.indirect.gather [hbm4b:s0+s16], $0x80, s2, s16, $0xb8;
	[tilespmem:$0x1E400] =	vst v63  }
0x11e: {  	_ = 	snop  }
0x11f: {  	[tilespmem:s17], [sflag:$0x1] =	stream.indirect.gather [hbm4b:s0+s16], $0x80, s16, s16, $0xb8;
	[tilespmem:$0x1E400] =	vst v63  }
0x120: {  	s26 =	simm.s32 $0x100  }
0x121: {  	[tilespmem:s18], [sflag:$0x2] =	stream.indirect.gather [hbm4b:s0+s16], $0x80, s26, s16, $0xb8;
	[tilespmem:$0x1E400] =	vst v63  }
0x122: {  	s28 =	simm.s32 $0x140  }
0x123: {  	[tilespmem:s19], [sflag:$0x2] =	stream.indirect.gather [hbm4b:s0+s16], $0x80, s28, s16, $0xb8;
	[tilespmem:$0x1E400] =	vst v63  }
0x124: {  	_ =	swait.ge [sflag:s20], $0x4000  }
0x125: {  	[sflag:s20] =	ssyncset.done $0x0  }
0x126: {  	s23 =	simm.s32 $0x80;
	[sflag:s20] =	ssyncadd.s32 $0xFFFFC000  }
0x127: {  	[spmem:s3] =	stream.indirect.scatter.add.f32 [tilespmem:s14], [sflag:$0x3], $0x80, s23, s21, $0xb8;
	[tilespmem:$0x1E400] =	vst v63  }
0x128: {  	_ =	swait.ge [sflag:s15], $0x4000  }
0x129: {  	[sflag:s15] =	ssyncset.done $0x0  }
0x12a: {  	s24 =	simm.s32 $0x200;
	[sflag:s15] =	ssyncadd.s32 $0xFFFFC000  }
0x12b: {  	[tilespmem:s14], [sflag:$0x1] =	stream.indirect.gather [hbm4b:s0+s16], $0x80, s24, s16, $0xb8;
	[tilespmem:$0x1E400] =	vst v63  }
0x12c: {  	s26 =	simm.s32 $0x240  }
0x12d: {  	[tilespmem:s17], [sflag:$0x1] =	stream.indirect.gather [hbm4b:s0+s16], $0x80, s26, s16, $0xb8;
	[tilespmem:$0x1E400] =	vst v63  }
0x12e: {  	_ =	swait.ge [sflag:s22], $0x4000  }
0x12f: {  	[sflag:s22] =	ssyncset.done $0x0  }
0x130: {  	s28 =	simm.s32 $0x180;
	[sflag:s22] =	ssyncadd.s32 $0xFFFFC000  }
0x131: {  	[spmem:s3] =	stream.indirect.scatter.add.f32 [tilespmem:s18], [sflag:$0x3], $0x80, s28, s21, $0xb8;
	[tilespmem:$0x1E400] =	vst v63  }
0x132: {  	_ =	swait.ge [sflag:s15], $0x4000  }
0x133: {  	s2 =	simm.s32 $0x200;
	s23 =	simm.s32 $0x1000;
	[sflag:s15] =	ssyncset.done $0x0  }
.LBB2_10:
0x134: {  	s24 =	sadd.s32 $0x100, s2  }
0x135: {  	[sflag:s15] =	ssyncadd.s32 $0xFFFFC000;
	s26 =	smov.u32 s23;
	s28 =	sadd.s32 $0x800, s23  }
0x136: {  	[tilespmem:s18], [sflag:$0x2] =	stream.indirect.gather [hbm4b:s0+s16], $0x80, s24, s16, $0xb8;
	[tilespmem:$0x1E400] =	vst v63  }
0x137: {  	p1 =	sne.s32 s23, $0x8800;
	s23 =	sadd.s32 $0x140, s2  }
0x138: {  	[tilespmem:s19], [sflag:$0x2] =	stream.indirect.gather [hbm4b:s0+s16], $0x80, s23, s16, $0xb8;
	[tilespmem:$0x1E400] =	vst v63  }
0x139: {  	_ =	swait.ge [sflag:s20], $0x4000  }
0x13a: {  	[sflag:s20] =	ssyncset.done $0x0  }
0x13b: {  	s23 =	sadd.s32 $0x80, s2;
	[sflag:s20] =	ssyncadd.s32 $0xFFFFC000  }
0x13c: {  	[spmem:s3] =	stream.indirect.scatter.add.f32 [tilespmem:s14], [sflag:$0x3], $0x80, s23, s21, $0xb8;
	[tilespmem:$0x1E400] =	vst v63  }
0x13d: {  	_ =	swait.ge [sflag:s15], $0x4000  }
0x13e: {  	[sflag:s15] =	ssyncset.done $0x0  }
0x13f: {  	s23 =	sadd.s32 $0x200, s2;
	[sflag:s15] =	ssyncadd.s32 $0xFFFFC000  }
0x140: {  	[tilespmem:s14], [sflag:$0x1] =	stream.indirect.gather [hbm4b:s0+s16], $0x80, s23, s16, $0xb8;
	[tilespmem:$0x1E400] =	vst v63  }
0x141: {  	s23 =	sadd.s32 $0x240, s2  }
0x142: {  	[tilespmem:s17], [sflag:$0x1] =	stream.indirect.gather [hbm4b:s0+s16], $0x80, s23, s16, $0xb8;
	[tilespmem:$0x1E400] =	vst v63  }
0x143: {  	_ =	swait.ge [sflag:s22], $0x4000  }
.Ltmp7:
0x144: {  	[sflag:s22] =	ssyncset.done $0x0;
	(pc) =	sbr.rel @p1 .LBB2_10-.Ltmp7, $4  }
0x145: {  	s2 =	sadd.s32 $0x180, s2;
	[sflag:s22] =	ssyncadd.s32 $0xFFFFC000  }
0x146: {  	[spmem:s3] =	stream.indirect.scatter.add.f32 [tilespmem:s18], [sflag:$0x3], $0x80, s2, s21, $0xb8;
	[tilespmem:$0x1E400] =	vst v63  }
0x147: {  	_ =	swait.ge [sflag:s15], $0x4000  }
0x148: {  	s23 =	smov.u32 s28;
	s2 =	sshra.s32 s26, $0x2;
	[sflag:s15] =	ssyncset.done $0x0  }
.Ltmp8:
0x149: {  	_ = 	snop;
	(pc) =	sbr.rel .LBB2_11-.Ltmp8, $1  }
0x14a: {  	_ =	sdelay $0x3  }
.LBB2_13:
0x14b: {  	_ =	sfence.sel $0x180000  }
0x14c: {  	[bflag:$0x0] =	sbarrier.arrive $0xFFFF  }
0x14d: {  	_ =	strace $0x90000047  }
0x14e: {  	[bflag:$0x2] =	sbarrier.arrive $0xFFFF  }
0x14f: {  	p0 =	sne.s32 s1, $0x0;
	s0 =	rddreg [dreg:$0x4]  }
0x150: {  	s0 =	sadd.s32 @!p0 $0x100000, s0  }
0x151: {  	[sflag:s0] =	ssyncadd.tile.s32 @!p0 $0x1;
	_ =	shalt  }
.Lfunc_end2:
_tile_overlayer_lowered:
.L_overlay_start_2:
0x152: {  	(tag) =	ssettag $0x2  }
0x153: {  	s0 =	rddreg [dreg:$0x0];
	s2 =	stileid.u32  }
0x154: {  	s1 =	rddreg [dreg:$0x1];
	p0 =	sne.s32 s2, $0x0  }
0x155: {  	s3 =	rddreg [dreg:$0x2];
	[bflag:$0x3] =	sbarrier.arrive $0xFFFF;
	s2 =	simm.s32 @!p0 $0x1C03  }
0x156: {  	[timem:s3], [sflag:s2] =	dma.local @!p0 [hbm:s0], s1  }
0x157: {  	s0 =	simm.s32 @!p0 $0x3  }
0x158: {  	_ =	swait.ge @!p0 [sflag:s0], s1  }
0x159: {  	s1 =	ssub.s32 @!p0 $0x0, s1;
	[sflag:s0] =	ssyncset.done @!p0 $0x0  }
0x15a: {  	[sflag:s0] =	ssyncadd.s32 @!p0 s1  }
0x15b: {  	[bflag:$0x3] =	sbarrier.arrive $0xFFFF  }
0x15c: {  	_ =	shalt  }

// kernel: kernel.9.cloned.1.call-start
scs
__scs_entry_jumppad:
0x0: {  	(pc) =	sbr.rel $0x88, $3  }
0x1: {  	(tag) =	ssettag $0x0;
	lr =	simm.s32 $0x1  }
0x2: {  	[smem:$0x3F95] =	sst lr;
	_ =	strace $0xD0000000  }
0x3: {  	_ = 	snop  }
0x4: {  	_ = 	snop  }
0x5: {  	_ = 	snop  }
0x6: {  	_ = 	snop  }
0x7: {  	_ = 	snop  }
__scs_overlays_trampoline_lowered:
0x8: {  	[smem:$0x3FA4] =	sst s0  }
0x9: {  	[smem:$0x3FA5] =	sst s1  }
0xa: {  	[smem:$0x3FA6] =	sst s2  }
0xb: {  	[smem:$0x3FA7] =	sst s3  }
0xc: {  	[smem:$0x3FA8] =	sst s4  }
0xd: {  	[smem:$0x3FA9] =	sst s5  }
0xe: {  	[smem:$0x3FAA] =	sst s6  }
0xf: {  	[smem:$0x3FAB] =	sst s7  }
0x10: {  	[smem:$0x3FAC] =	sst s8  }
0x11: {  	[smem:$0x3FAD] =	sst s9;
	s0 =	simm.s32 @!p0 $0x0  }
0x12: {  	s1 =	sld [smem:$0x3F93];
	s0 =	simm.s32 @p0 $0x1  }
0x13: {  	[smem:$0x3FAE] =	sst s0;
	s0 =	simm.s32 @!p1 $0x0  }
0x14: {  	s2 =	sld [smem:$0x3F92];
	s0 =	simm.s32 @p1 $0x1  }
0x15: {  	[smem:$0x3FAF] =	sst s0;
	s0 =	simm.s32 @!p2 $0x0  }
0x16: {  	s3 =	sld [smem:$0x3FDB];
	s0 =	simm.s32 @p2 $0x1  }
0x17: {  	s4 =	simm.s32 $0x1BF5;
	[smem:$0x3FB1] =	sst s0  }
0x18: {  	s0 =	sld [smem:$0x3F94];
	_ =	swait.ge [sflag:s4], $0x0  }
0x19: {  	s7 =	sld [smem:$0x3F95]  }
0x1a: {  	s8 =	sadd.s32 $0xFFFFE003, lr  }
0x1b: {  	s9 =	sadd.s32 $0xFFFFFEF7, lr;
	s5 =	simm.s32 $0xFFFFFFFF;
	p2 =	slt.u32 s8, $0xFFFFF086  }
0x1c: {  	p1 =	slt.u32 s9, $0xF7A;
	s5 =	simm.s32 @!p2 $0x0  }
0x1d: {  	s5 =	simm.s32 @p1 $0x1;
	p0 =	seq.s32 s7, s2  }
0x1e: {  	s7 =	smul.u32 @!p0 $0xF7A, s2;
	p2 =	seq.s32 @!p0 s5, $0x0  }
0x1f: {  	s9 =	smul.u32 $0xF7A, s1;
	s8 =	simm.s32 @!p0 $0x1BF5;
	p2 =	por !p2, p0  }
0x20: {  	[sflag:s8] =	ssyncset.s32 @!p0 $0xFFFFF086;
	s6 =	sadd.s32 @!p0 s3, s7;
	s7 =	simm.s32 @!p0 $0x108  }
0x21: {  	s3 =	sadd.s32 s3, s9;
	s6 =	sadd.s32 @!p0 $0x88, s6;
	s7 =	simm.s32 @p2 $0x1082  }
0x22: {  	[simem:s7], [sflag:s8] =	dma.local @!p0 [hbm:s6], $0xF7A  }
0x23: {  	s9 =	sor.u32 $0xD0000000, s2;
	s6 =	simm.s32 $0x108;
	_ =	swait.ge @!p0 [sflag:s8], $0x0  }
0x24: {  	s3 =	sadd.s32 $0x88, s3;
	s6 =	simm.s32 @!p1 $0x1082;
	[sflag:s4] =	ssyncset.s32 $0xFFFFF086  }
0x25: {  	[simem:s6], [sflag:s4] =	dma.local [hbm:s3], $0xF7A  }
0x26: {  	[smem:$0x3F95] =	sst s1;
	(tag) =	ssettag s2;
	_ =	strace s9  }
0x27: {  	s1 =	sld [smem:$0x3FA5]  }
0x28: {  	s2 =	sld [smem:$0x3FA6]  }
0x29: {  	s4 =	sld [smem:$0x3FA8]  }
0x2a: {  	p0 =	seq.s32 s5, $0x0;
	s5 =	sld [smem:$0x3FA9]  }
0x2b: {  	s6 =	sld [smem:$0x3FAA]  }
0x2c: {  	s7 =	sld [smem:$0x3FAB]  }
0x2d: {  	s3 =	simm.s32 $0x108;
	s8 =	sld [smem:$0x3FAC]  }
0x2e: {  	s3 =	simm.s32 @!p0 $0x1082;
	s9 =	sld [smem:$0x3FAD]  }
0x2f: {  	lr =	sadd.s32 s0, s3;
	s0 =	sld [smem:$0x3FA4]  }
0x30: {  	s3 =	sld [smem:$0x3FA7]  }
0x31: {  	[smem:$0x3FB0] =	sst s10  }
0x32: {  	s10 =	sld [smem:$0x3FAE];
	_ =	sdelay $0x3  }
0x33: {  	p0 =	seq.s32 s10, $0x1;
	s10 =	sld [smem:$0x3FB0];
	_ =	sdelay $0x3  }
0x34: {  	[smem:$0x3FB0] =	sst s10  }
0x35: {  	s10 =	sld [smem:$0x3FAF];
	_ =	sdelay $0x3  }
0x36: {  	p1 =	seq.s32 s10, $0x1;
	s10 =	sld [smem:$0x3FB0];
	_ =	sdelay $0x3  }
0x37: {  	[smem:$0x3FB0] =	sst s10  }
0x38: {  	s10 =	sld [smem:$0x3FB1]  }
0x39: {  	_ = 	snop;
	(pc) =	sbr.ind lr, $3  }
0x3a: {  	_ = 	snop  }
0x3b: {  	_ = 	snop  }
0x3c: {  	p2 =	seq.s32 s10, $0x1;
	s10 =	sld [smem:$0x3FB0]  }
0x3d: {  	_ =	shalt  }
0x3e: {  	_ =	shalt  }
0x3f: {  	_ =	shalt  }
0x40: {  	_ =	shalt  }
0x41: {  	_ =	shalt  }
0x42: {  	_ =	shalt  }
0x43: {  	_ =	shalt  }
0x44: {  	_ =	shalt  }
0x45: {  	_ =	shalt  }
0x46: {  	_ =	shalt  }
0x47: {  	_ =	shalt  }
0x48: {  	_ =	shalt  }
0x49: {  	_ =	shalt  }
0x4a: {  	_ =	shalt  }
0x4b: {  	_ =	shalt  }
0x4c: {  	_ =	shalt  }
0x4d: {  	_ =	shalt  }
0x4e: {  	_ =	shalt  }
0x4f: {  	_ =	shalt  }
0x50: {  	_ =	shalt  }
0x51: {  	_ =	shalt  }
0x52: {  	_ =	shalt  }
0x53: {  	_ =	shalt  }
0x54: {  	_ =	shalt  }
0x55: {  	_ =	shalt  }
0x56: {  	_ =	shalt  }
0x57: {  	_ =	shalt  }
0x58: {  	_ =	shalt  }
0x59: {  	_ =	shalt  }
0x5a: {  	_ =	shalt  }
0x5b: {  	_ =	shalt  }
0x5c: {  	_ =	shalt  }
0x5d: {  	_ =	shalt  }
0x5e: {  	_ =	shalt  }
0x5f: {  	_ =	shalt  }
0x60: {  	_ =	shalt  }
0x61: {  	_ =	shalt  }
0x62: {  	_ =	shalt  }
0x63: {  	_ =	shalt  }
0x64: {  	_ =	shalt  }
0x65: {  	_ =	shalt  }
0x66: {  	_ =	shalt  }
0x67: {  	_ =	shalt  }
0x68: {  	_ =	shalt  }
0x69: {  	_ =	shalt  }
0x6a: {  	_ =	shalt  }
0x6b: {  	_ =	shalt  }
0x6c: {  	_ =	shalt  }
0x6d: {  	_ =	shalt  }
0x6e: {  	_ =	shalt  }
0x6f: {  	_ =	shalt  }
0x70: {  	_ =	shalt  }
0x71: {  	_ =	shalt  }
0x72: {  	_ =	shalt  }
0x73: {  	_ =	shalt  }
0x74: {  	_ =	shalt  }
0x75: {  	_ =	shalt  }
0x76: {  	_ =	shalt  }
0x77: {  	_ =	shalt  }
0x78: {  	_ =	shalt  }
0x79: {  	_ =	shalt  }
0x7a: {  	_ =	shalt  }
0x7b: {  	_ =	shalt  }
0x7c: {  	_ =	shalt  }
0x7d: {  	_ =	shalt  }
0x7e: {  	_ =	shalt  }
0x7f: {  	_ =	shalt  }
0x80: {  	_ =	shalt  }
0x81: {  	_ =	shalt  }
0x82: {  	_ =	shalt  }
0x83: {  	_ =	shalt  }
0x84: {  	_ =	shalt  }
0x85: {  	_ =	shalt  }
0x86: {  	_ =	shalt  }
0x87: {  	_ =	shalt  }
.Lfunc_end0:
.L_simem_size_0:
called_computation.1_lowered:
.L_overlay_start_0:
0x88: {  	s2 =	sld [smem:$0x3FD9]  }
0x89: {  	s3 =	sld [smem:$0x3FFE];
	_ =	sdelay $0x1  }
0x8a: {  	s1 =	srdreg.scid  }
0x8b: {  	s0 =	sand.u32 $0x1, s1  }
0x8c: {  	s17 =	sshll.u32 s0, $0xA;
	s2 =	sadd.s32 s3, s2  }
0x8d: {  	s2 =	sadd.s32 s2, s17  }
0x8e: {  	[smem:$0x3FBC] =	sst s2  }
0x8f: {  	_ = 	snop  }
0x90: {  	s2 =	sld [smem:$0x3FC8];
	(tm) =	ssettm $0x1  }
0x91: {  	s18 =	sld [smem:$0x3FFB];
	_ =	sdelay $0x3  }
0x92: {  	_ =	strace s18  }
0x93: {  	s3 =	sld [smem:$0x3FFC];
	_ =	sdelay $0x3  }
0x94: {  	_ =	strace s3  }
0x95: {  	s3 =	sld [smem:$0x3FFD];
	_ =	sdelay $0x3  }
0x96: {  	_ =	strace s3  }
0x97: {  	_ =	strace $0x8FFFFFFF  }
0x98: {  	s19 =	sld [smem:$0x3FDB];
	_ =	sdelay $0x1  }
0x99: {  	s4 =	simm.s32 $_scs_section_size  }
0x9a: {  	s5 =	simm.s32 $_size__tile_overlayer_lowered;
	s6 =	simm.s32 $_tile_overlayer_lowered  }
0x9b: {  	s22 =	simm.s32 $0x1BFF;
	s21 =	sshll.u32 s6, $0x1;
	s3 =	sadd.s32 s4, s19  }
0x9c: {  	s7 =	simm.s32 $0x0;
	s20 =	sshll.u32 s5, $0x1;
	s5 =	sadd.s32 s21, s3  }
0x9d: {  	[timem:s7], [sflag:s22] =	dma.local [hbm:s5], s20  }
0x9e: {  	_ =	swait.ge [sflag:s22], s20  }
0x9f: {  	s4 =	ssub.s32 $0x0, s20;
	[sflag:s22] =	ssyncset.done $0x0  }
0xa0: {  	[sflag:s22] =	ssyncadd.s32 s4;
	_ =	sdelay $0x1  }
0xa1: {  	s23 =	simm.s32 $0x1B8B  }
0xa2: {  	_ =	swait.ge [sflag:s23], $0x1  }
0xa3: {  	[sflag:s23] =	ssyncset.done $0x0  }
0xa4: {  	s25 =	simm.s32 $0x1B8E;
	s24 =	sld [smem:$0x3FFE];
	[sflag:s23] =	ssyncadd.s32 $0xFFFFFFFF  }
0xa5: {  	s26 =	simm.s32 $execute0_lowered;
	[smem:$0x3FD2] =	sst s25  }
0xa6: {  	s5 =	sshll.u32 s26, $0x1;
	_ =	strace $0x80000049;
	[dreg:$0x1] =	wrdreg $0xFFFFFFFF  }
0xa7: {  	s28 =	simm.s32 $_size_execute0_lowered;
	s3 =	sadd.s32 s3, s5;
	[dreg:$0x0] =	wrdreg $0x0  }
0xa8: {  	s5 =	sshll.u32 s28, $0x1;
	[dreg:$0x2] =	wrdreg s3  }
0xa9: {  	[dreg:$0x3] =	wrdreg s5  }
0xaa: {  	[dreg:$0x4] =	wrdreg $0xC0  }
0xab: {  	_ =	task [dreg:s7], $0x5FFFF  }
0xac: {  	[dreg:$0x1] =	wrdreg $0xFFFFFFFF  }
0xad: {  	[dreg:$0x0] =	wrdreg $0x60  }
0xae: {  	[dreg:$0x2] =	wrdreg s24  }
0xaf: {  	[dreg:$0x3] =	wrdreg s2  }
0xb0: {  	[dreg:$0x4] =	wrdreg $0xA8000  }
0xb1: {  	[dreg:$0x5] =	wrdreg $0x9  }
0xb2: {  	_ =	task.clear_ibuf [dreg:s7], $0x6FFFF;
	_ =	strace $0x90000049  }
0xb3: {  	s29 =	simm.s32 $0x9;
	_ =	strace $0x8000004B  }
0xb4: {  	_ =	swait.ge [sflag:s29], $0x1  }
0xb5: {  	[sflag:s29] =	ssyncadd.s32 $0xFFFFFFFF  }
0xb6: {  	_ =	strace $0x9000004B  }
0xb7: {  	_ =	sfence  }
0xb8: {  	s30 =	sld [smem:$0x0];
	_ =	sdelay $0x2  }
0xb9: {  	s31 =	sshll.u32 s1, $0xD;
	s1 =	sshrl.u32 s1, $0x2  }
0xba: {  	s3 =	sand.u32 $0x4000, s31;
	s1 =	sadd.s32 s1, s30  }
0xbb: {  	s0 =	sor.u32 s3, s0;
	s1 =	sshll.u32 s1, $0x11  }
0xbc: {  	s0 =	sor.u32 s1, s0  }
0xbd: {  	s0 =	sadd.s32 $0x8F2B, s0  }
0xbe: {  	[sflag:s0] =	ssyncadd.remote.s32 $0x1  }
0xbf: {  	_ =	sfence.sel $0xFFFF  }
0xc0: {  	[dreg:$0x0] =	wrdreg $0xFFFFFFFF;
	(pc) =	sbr.abs _section_cstart, $3  }
0xc1: {  	[dreg:$0x1] =	wrdreg $0xFFFFFFFF  }
0xc2: {  	_ =	task.clear_ibuf [dreg:s7], $0x2FFFF;
	_ =	strace $0x9FFFFFFF  }
0xc3: {  	(tm) =	ssettm $0x7FFFFFFF  }
tec
execute0_lowered:
.L_overlay_start_1:
0x0: {  	(tag) =	ssettag $0x1  }
0x1: {  	s1 =	rddreg [dreg:$0x0]  }
0x2: {  	s9 =	rddreg [dreg:$0x1]  }
0x3: {  	s0 =	srdreg.scid;
	s2 =	rddreg [dreg:$0x2]  }
0x4: {  	s3 =	simm.s32 $0x0;
	s14 =	simm.s32 $0x2800;
	s15 =	simm.s32 $0x3  }
0x5: {  	s16 =	simm.s32 $0x40;
	s17 =	simm.s32 $0x4800;
	s18 =	simm.s32 $0x6800  }
0x6: {  	s19 =	simm.s32 $0x8800;
	s20 =	simm.s32 $0x1;
	s5 =	sand.u32 $0x1, s0  }
0x7: {  	s21 =	simm.s32 $0x80;
	s0 =	stileid.u32;
	s4 =	smul.u32 $0x13C000, s5  }
0x8: {  	s22 =	simm.s32 $0x2;
	s29 =	simm.s32 $0x2540;
	s6 =	smul.u32 $0x13C00, s0  }
0x9: {  	s30 =	simm.s32 $0x2480;
	[smem:$0x7FF] =	sst s3;
	s25 =	smul.u32 $0x4F000, s0  }
0xa: {  	s31 =	simm.s32 $0x2580;
	_ =	strace $0x8000004A;
	s8 =	smul.u32 $0x4E, s0  }
0xb: {  	s10 =	smul.u32 $0x4E2, s5;
	s11 =	ssub.s32 $0x2, s5;
	s4 =	sadd.s32 s6, s4  }
0xc: {  	p0 =	slt.u32 s0, $0x2;
	s28 =	sshrl.u32 s11, $0x1;
	s7 =	sshrl.u32 s4, $0x3  }
0xd: {  	s4 =	sadd.s32 $0x2600, s1;
	s1 =	sadd.s32 s7, s1;
	s7 =	smul.u32 $0x4F, s0  }
0xe: {  	s8 =	sadd.s32 $0x2, s8;
	s26 =	sshrl.u32 s25, $0x2;
	s13 =	ssub.s32 s11, s28  }
.Ltmp0:
0xf: {  	s25 =	simm.s32 $0x2680;
	s8 =	smov.u32 @p0 s7;
	(pc) =	sbr.rel .LBB2_1-.Ltmp0, $4  }
0x10: {  	s5 =	sadd.s32 s26, s2;
	s13 =	smax.u32 s13, $0x1;
	s7 =	sadd.s32 s10, s8  }
0x11: {  	s6 =	sadd.s32 $0x4000, s5;
	s12 =	sadd.s32 $0x29800, s1;
	s10 =	sshll.u32 s7, $0x5  }
0x12: {  	p0 =	sgt.u32 s0, $0x1;
	s8 =	sadd.s32 $0xC000, s5;
	s9 =	sadd.s32 s9, s10  }
0x13: {  	v0 =	vimm.f32 $0.0e+00;
	s7 =	sadd.s32 $0x8000, s5;
	s10 =	sadd.s32 $0x10000, s5;
	s11 =	sadd.s32 $0x500, s9  }
.LBB2_11:
0x14: {  	s23 =	sadd.s32 $0x100, s1;
	[sflag:s15] =	ssyncadd.s32 $0xFFFFC000  }
0x15: {  	[tilespmem:s18], [sflag:$0x2] =	stream.indirect.gather [hbm4b:s4+s16], $0x80, s23, s16, $0xb8;
	[tilespmem:$0x1E400] =	vst v63  }
0x16: {  	s24 =	sadd.s32 $0x140, s1  }
0x17: {  	[tilespmem:s19], [sflag:$0x2] =	stream.indirect.gather [hbm4b:s4+s16], $0x80, s24, s16, $0xb8;
	[tilespmem:$0x1E400] =	vst v63  }
0x18: {  	_ =	swait.ge [sflag:s20], $0x4000  }
0x19: {  	[sflag:s20] =	ssyncset.done $0x0  }
0x1a: {  	s26 =	sadd.s32 $0x80, s1;
	[sflag:s20] =	ssyncadd.s32 $0xFFFFC000  }
0x1b: {  	[spmem:s2] =	stream.indirect.scatter.add.f32 [tilespmem:s14], [sflag:$0x3], $0x80, s26, s21, $0xb8;
	[tilespmem:$0x1E400] =	vst v63  }
0x1c: {  	_ =	swait.ge [sflag:s15], $0x4000  }
0x1d: {  	[sflag:s15] =	ssyncset.done $0x0  }
0x1e: {  	s28 =	sadd.s32 $0x200, s1;
	[sflag:s15] =	ssyncadd.s32 $0xFFFFC000  }
0x1f: {  	[tilespmem:s14], [sflag:$0x1] =	stream.indirect.gather [hbm4b:s4+s16], $0x80, s28, s16, $0xb8;
	[tilespmem:$0x1E400] =	vst v63  }
0x20: {  	s24 =	sadd.s32 $0x240, s1  }
0x21: {  	[tilespmem:s17], [sflag:$0x1] =	stream.indirect.gather [hbm4b:s4+s16], $0x80, s24, s16, $0xb8;
	[tilespmem:$0x1E400] =	vst v63  }
0x22: {  	_ =	swait.ge [sflag:s22], $0x4000  }
0x23: {  	[sflag:s22] =	ssyncset.done $0x0  }
0x24: {  	s26 =	sadd.s32 $0x180, s1;
	[sflag:s22] =	ssyncadd.s32 $0xFFFFC000  }
0x25: {  	[spmem:s2] =	stream.indirect.scatter.add.f32 [tilespmem:s18], [sflag:$0x3], $0x80, s26, s21, $0xb8;
	[tilespmem:$0x1E400] =	vst v63  }
0x26: {  	_ =	swait.ge [sflag:s15], $0x4000  }
0x27: {  	[sflag:s15] =	ssyncset.done $0x0  }
0x28: {  	s28 =	simm.s32 $0x2500;
	[sflag:s15] =	ssyncadd.s32 $0xFFFFC000  }
0x29: {  	[tilespmem:s18], [sflag:$0x2] =	stream.indirect.gather [hbm4b:s4+s16], $0x80, s28, s16, $0xb8;
	[tilespmem:$0x1E400] =	vst v63  }
0x2a: {  	_ = 	snop  }
0x2b: {  	[tilespmem:s19], [sflag:$0x2] =	stream.indirect.gather [hbm4b:s4+s16], $0x80, s29, s16, $0xb8;
	[tilespmem:$0x1E400] =	vst v63  }
0x2c: {  	_ =	swait.ge [sflag:s20], $0x4000  }
0x2d: {  	[sflag:s20] =	ssyncset.done $0x0  }
0x2e: {  	[sflag:s20] =	ssyncadd.s32 $0xFFFFC000  }
0x2f: {  	[spmem:s2] =	stream.indirect.scatter.add.f32 [tilespmem:s14], [sflag:$0x3], $0x80, s30, s21, $0xb8;
	[tilespmem:$0x1E400] =	vst v63  }
0x30: {  	_ =	swait.ge [sflag:s15], $0x4000  }
0x31: {  	[sflag:s15] =	ssyncset.done $0x0  }
0x32: {  	[sflag:s15] =	ssyncadd.s32 $0xFFFFC000  }
0x33: {  	_ =	swait.ge [sflag:s22], $0x4000  }
0x34: {  	[sflag:s22] =	ssyncset.done $0x0  }
0x35: {  	[sflag:s22] =	ssyncadd.s32 $0xFFFFC000  }
0x36: {  	[spmem:s2] =	stream.indirect.scatter.add.f32 [tilespmem:s18], [sflag:$0x3], $0x80, s31, s21, $0xb8;
	[tilespmem:$0x1E400] =	vst v63  }
.LBB2_12:
0x37: {  	_ =	swait.ge [sflag:s15], $0x4000  }
0x38: {  	s1 =	sshll.u32 s0, $0x6;
	s3 =	sadd.s32 $0x1, s3;
	[sflag:s15] =	ssyncset.done $0x0  }
0x39: {  	s23 =	sshrl.u32 s5, $0x3;
	p1 =	sne.s32 s3, s13;
	[sflag:s15] =	ssyncadd.s32 $0xFFFFC000  }
.Ltmp1:
0x3a: {  	s1 =	sor.u32 $0x1C03, s1;
	[bflag:$0x0] =	sbarrier.arrive $0xFFFF;
	(pc) =	sbr.rel @!p1 .LBB2_13-.Ltmp1, $4  }
0x3b: {  	[hbm:s12], [sflag:s1] =	dma.local [spmem:s23], $0x2780  }
0x3c: {  	_ =	swait.ge [sflag:s15], $0x2780  }
0x3d: {  	[sflag:s15] =	ssyncset.done $0x0  }
0x3e: {  	[sflag:s15] =	ssyncadd.s32 $0xFFFFD880  }
.LBB2_1:
0x3f: {  	s1 =	simm.s32 $0x0;
	s23 =	simm.s32 $0x200  }
.LBB2_2:
0x40: {  	p1 =	sne.s32 s23, $0xFE00;
	[tilespmem:s1+$0x2870] =	vst v0  }
0x41: {  	[tilespmem:s1+$0x2800] =	vst v0  }
0x42: {  	[tilespmem:s1+$0x2810] =	vst v0  }
.Ltmp2:
0x43: {  	[tilespmem:s1+$0x2820] =	vst v0;
	(pc) =	sbr.rel @p1 .LBB2_2-.Ltmp2, $4  }
0x44: {  	[tilespmem:s1+$0x2830] =	vst v0  }
0x45: {  	[tilespmem:s1+$0x2840] =	vst v0  }
0x46: {  	[tilespmem:s1+$0x2850] =	vst v0  }
0x47: {  	[tilespmem:s1+$0x2860] =	vst v0;
	s1 =	sshra.s32 s23, $0x2;
	s23 =	sadd.s32 $0x200, s23  }
0x48: {  	[tilespmem:s1+$0x2870] =	vst v0  }
0x49: {  	[tilespmem:s1+$0x2800] =	vst v0  }
0x4a: {  	[tilespmem:s1+$0x2810] =	vst v0  }
0x4b: {  	[tilespmem:s1+$0x2820] =	vst v0  }
0x4c: {  	[tilespmem:s1+$0x2830] =	vst v0  }
0x4d: {  	[tilespmem:s1+$0x2840] =	vst v0  }
0x4e: {  	[tilespmem:s1+$0x2850] =	vst v0  }
0x4f: {  	[tilespmem:s1+$0x2860] =	vst v0  }
0x50: {  	[spmem:s5] =	stream.linear.scatter [tilespmem:s14], [sflag:$0x3], $0x4000, $0x38;
	[tilespmem:$0x1E400] =	vst v63  }
0x51: {  	_ =	swait.ge [sflag:s15], $0x4000  }
0x52: {  	[sflag:s15] =	ssyncset.done $0x0  }
0x53: {  	[sflag:s15] =	ssyncadd.s32 $0xFFFFC000  }
0x54: {  	[spmem:s6] =	stream.linear.scatter [tilespmem:s14], [sflag:$0x3], $0x4000, $0x38;
	[tilespmem:$0x1E400] =	vst v63  }
0x55: {  	_ =	swait.ge [sflag:s15], $0x4000  }
0x56: {  	[sflag:s15] =	ssyncset.done $0x0  }
0x57: {  	[sflag:s15] =	ssyncadd.s32 $0xFFFFC000  }
0x58: {  	[spmem:s7] =	stream.linear.scatter [tilespmem:s14], [sflag:$0x3], $0x4000, $0x38;
	[tilespmem:$0x1E400] =	vst v63  }
0x59: {  	_ =	swait.ge [sflag:s15], $0x4000  }
0x5a: {  	[sflag:s15] =	ssyncset.done $0x0  }
0x5b: {  	[sflag:s15] =	ssyncadd.s32 $0xFFFFC000  }
0x5c: {  	[spmem:s8] =	stream.linear.scatter [tilespmem:s14], [sflag:$0x3], $0x4000, $0x38;
	[tilespmem:$0x1E400] =	vst v63  }
0x5d: {  	_ =	swait.ge [sflag:s15], $0x4000  }
0x5e: {  	[sflag:s15] =	ssyncset.done $0x0  }
0x5f: {  	[sflag:s15] =	ssyncadd.s32 $0xFFFFC000  }
0x60: {  	[spmem:s10] =	stream.linear.scatter [tilespmem:s14], [sflag:$0x3], $0x3C00, $0x38;
	[tilespmem:$0x1E400] =	vst v63  }
0x61: {  	_ =	swait.ge [sflag:s15], $0x3C00  }
0x62: {  	[sflag:s15] =	ssyncset.done $0x0  }
0x63: {  	[sflag:s15] =	ssyncadd.s32 $0xFFFFC400  }
0x64: {  	s24 =	simm.s32 $0x0;
	[bflag:$0x0] =	sbarrier.arrive $0xFFFF  }
0x65: {  	[tilespmem:s24], [sflag:$0x3] =	stream.linear.gather [hbm4b:s9+s24], $0x2800, $0x38;
	[tilespmem:$0x1E400] =	vst v63  }
0x66: {  	_ =	swait.ge [sflag:s15], $0x2800  }
0x67: {  	[sflag:s15] =	ssyncset.done $0x0  }
0x68: {  	[sflag:s15] =	ssyncadd.s32 $0xFFFFD800  }
0x69: {  	[tilespmem:s14], [sflag:$0x1] =	stream.indirect.gather [hbm4b:s4+s16], $0x80, s24, s16, $0xb8;
	[tilespmem:$0x1E400] =	vst v63  }
0x6a: {  	_ = 	snop  }
0x6b: {  	[tilespmem:s17], [sflag:$0x1] =	stream.indirect.gather [hbm4b:s4+s16], $0x80, s16, s16, $0xb8;
	[tilespmem:$0x1E400] =	vst v63  }
0x6c: {  	s26 =	simm.s32 $0x100  }
0x6d: {  	[tilespmem:s18], [sflag:$0x2] =	stream.indirect.gather [hbm4b:s4+s16], $0x80, s26, s16, $0xb8;
	[tilespmem:$0x1E400] =	vst v63  }
0x6e: {  	s28 =	simm.s32 $0x140  }
0x6f: {  	[tilespmem:s19], [sflag:$0x2] =	stream.indirect.gather [hbm4b:s4+s16], $0x80, s28, s16, $0xb8;
	[tilespmem:$0x1E400] =	vst v63  }
0x70: {  	_ =	swait.ge [sflag:s20], $0x4000  }
0x71: {  	[sflag:s20] =	ssyncset.done $0x0  }
0x72: {  	s23 =	simm.s32 $0x80;
	[sflag:s20] =	ssyncadd.s32 $0xFFFFC000  }
0x73: {  	[spmem:s2] =	stream.indirect.scatter.add.f32 [tilespmem:s14], [sflag:$0x3], $0x80, s23, s21, $0xb8;
	[tilespmem:$0x1E400] =	vst v63  }
0x74: {  	_ =	swait.ge [sflag:s15], $0x4000  }
0x75: {  	[sflag:s15] =	ssyncset.done $0x0  }
0x76: {  	s24 =	simm.s32 $0x200;
	[sflag:s15] =	ssyncadd.s32 $0xFFFFC000  }
0x77: {  	[tilespmem:s14], [sflag:$0x1] =	stream.indirect.gather [hbm4b:s4+s16], $0x80, s24, s16, $0xb8;
	[tilespmem:$0x1E400] =	vst v63  }
0x78: {  	s26 =	simm.s32 $0x240  }
0x79: {  	[tilespmem:s17], [sflag:$0x1] =	stream.indirect.gather [hbm4b:s4+s16], $0x80, s26, s16, $0xb8;
	[tilespmem:$0x1E400] =	vst v63  }
0x7a: {  	_ =	swait.ge [sflag:s22], $0x4000  }
0x7b: {  	[sflag:s22] =	ssyncset.done $0x0  }
0x7c: {  	s28 =	simm.s32 $0x180;
	[sflag:s22] =	ssyncadd.s32 $0xFFFFC000  }
0x7d: {  	[spmem:s2] =	stream.indirect.scatter.add.f32 [tilespmem:s18], [sflag:$0x3], $0x80, s28, s21, $0xb8;
	[tilespmem:$0x1E400] =	vst v63  }
0x7e: {  	_ =	swait.ge [sflag:s15], $0x4000  }
0x7f: {  	s1 =	simm.s32 $0x200;
	s23 =	simm.s32 $0x1000;
	[sflag:s15] =	ssyncset.done $0x0  }
.LBB2_4:
0x80: {  	s24 =	sadd.s32 $0x100, s1  }
0x81: {  	[sflag:s15] =	ssyncadd.s32 $0xFFFFC000;
	s26 =	smov.u32 s23;
	s28 =	sadd.s32 $0x800, s23  }
0x82: {  	[tilespmem:s18], [sflag:$0x2] =	stream.indirect.gather [hbm4b:s4+s16], $0x80, s24, s16, $0xb8;
	[tilespmem:$0x1E400] =	vst v63  }
0x83: {  	p1 =	sne.s32 s23, $0x9000;
	s23 =	sadd.s32 $0x140, s1  }
0x84: {  	[tilespmem:s19], [sflag:$0x2] =	stream.indirect.gather [hbm4b:s4+s16], $0x80, s23, s16, $0xb8;
	[tilespmem:$0x1E400] =	vst v63  }
0x85: {  	_ =	swait.ge [sflag:s20], $0x4000  }
0x86: {  	[sflag:s20] =	ssyncset.done $0x0  }
0x87: {  	s23 =	sadd.s32 $0x80, s1;
	[sflag:s20] =	ssyncadd.s32 $0xFFFFC000  }
0x88: {  	[spmem:s2] =	stream.indirect.scatter.add.f32 [tilespmem:s14], [sflag:$0x3], $0x80, s23, s21, $0xb8;
	[tilespmem:$0x1E400] =	vst v63  }
0x89: {  	_ =	swait.ge [sflag:s15], $0x4000  }
0x8a: {  	[sflag:s15] =	ssyncset.done $0x0  }
0x8b: {  	s23 =	sadd.s32 $0x200, s1;
	[sflag:s15] =	ssyncadd.s32 $0xFFFFC000  }
0x8c: {  	[tilespmem:s14], [sflag:$0x1] =	stream.indirect.gather [hbm4b:s4+s16], $0x80, s23, s16, $0xb8;
	[tilespmem:$0x1E400] =	vst v63  }
0x8d: {  	s23 =	sadd.s32 $0x240, s1  }
0x8e: {  	[tilespmem:s17], [sflag:$0x1] =	stream.indirect.gather [hbm4b:s4+s16], $0x80, s23, s16, $0xb8;
	[tilespmem:$0x1E400] =	vst v63  }
0x8f: {  	_ =	swait.ge [sflag:s22], $0x4000  }
.Ltmp3:
0x90: {  	[sflag:s22] =	ssyncset.done $0x0;
	(pc) =	sbr.rel @p1 .LBB2_4-.Ltmp3, $4  }
0x91: {  	s1 =	sadd.s32 $0x180, s1;
	[sflag:s22] =	ssyncadd.s32 $0xFFFFC000  }
0x92: {  	[spmem:s2] =	stream.indirect.scatter.add.f32 [tilespmem:s18], [sflag:$0x3], $0x80, s1, s21, $0xb8;
	[tilespmem:$0x1E400] =	vst v63  }
0x93: {  	_ =	swait.ge [sflag:s15], $0x4000  }
0x94: {  	s23 =	smov.u32 s28;
	s1 =	sshra.s32 s26, $0x2;
	[sflag:s15] =	ssyncset.done $0x0  }
0x95: {  	s23 =	sadd.s32 $0x100, s1;
	[sflag:s15] =	ssyncadd.s32 $0xFFFFC000  }
0x96: {  	[tilespmem:s18], [sflag:$0x2] =	stream.indirect.gather [hbm4b:s4+s16], $0x80, s23, s16, $0xb8;
	[tilespmem:$0x1E400] =	vst v63  }
0x97: {  	s28 =	sadd.s32 $0x140, s1  }
0x98: {  	[tilespmem:s19], [sflag:$0x2] =	stream.indirect.gather [hbm4b:s4+s16], $0x80, s28, s16, $0xb8;
	[tilespmem:$0x1E400] =	vst v63  }
0x99: {  	_ =	swait.ge [sflag:s20], $0x4000  }
0x9a: {  	[sflag:s20] =	ssyncset.done $0x0  }
0x9b: {  	s24 =	sadd.s32 $0x80, s1;
	[sflag:s20] =	ssyncadd.s32 $0xFFFFC000  }
0x9c: {  	[spmem:s2] =	stream.indirect.scatter.add.f32 [tilespmem:s14], [sflag:$0x3], $0x80, s24, s21, $0xb8;
	[tilespmem:$0x1E400] =	vst v63  }
0x9d: {  	_ =	swait.ge [sflag:s15], $0x4000  }
0x9e: {  	[sflag:s15] =	ssyncset.done $0x0  }
0x9f: {  	s26 =	sadd.s32 $0x200, s1;
	[sflag:s15] =	ssyncadd.s32 $0xFFFFC000  }
0xa0: {  	[tilespmem:s14], [sflag:$0x1] =	stream.indirect.gather [hbm4b:s4+s16], $0x80, s26, s16, $0xb8;
	[tilespmem:$0x1E400] =	vst v63  }
0xa1: {  	s28 =	sadd.s32 $0x240, s1  }
0xa2: {  	[tilespmem:s17], [sflag:$0x1] =	stream.indirect.gather [hbm4b:s4+s16], $0x80, s28, s16, $0xb8;
	[tilespmem:$0x1E400] =	vst v63  }
0xa3: {  	_ =	swait.ge [sflag:s22], $0x4000  }
0xa4: {  	[sflag:s22] =	ssyncset.done $0x0  }
0xa5: {  	s23 =	sadd.s32 $0x180, s1;
	[sflag:s22] =	ssyncadd.s32 $0xFFFFC000  }
0xa6: {  	[spmem:s2] =	stream.indirect.scatter.add.f32 [tilespmem:s18], [sflag:$0x3], $0x80, s23, s21, $0xb8;
	[tilespmem:$0x1E400] =	vst v63  }
0xa7: {  	_ =	swait.ge [sflag:s15], $0x4000  }
0xa8: {  	[sflag:s15] =	ssyncset.done $0x0  }
0xa9: {  	s24 =	simm.s32 $0x2700;
	[sflag:s15] =	ssyncadd.s32 $0xFFFFC000  }
0xaa: {  	[tilespmem:s18], [sflag:$0x2] =	stream.indirect.gather [hbm4b:s4+s16], $0x80, s24, s16, $0xb8;
	[tilespmem:$0x1E400] =	vst v63  }
0xab: {  	s26 =	simm.s32 $0x2740  }
0xac: {  	[tilespmem:s19], [sflag:$0x2] =	stream.indirect.gather [hbm4b:s4+s16], $0x80, s26, s16, $0xb8;
	[tilespmem:$0x1E400] =	vst v63  }
0xad: {  	_ =	swait.ge [sflag:s20], $0x4000  }
0xae: {  	[sflag:s20] =	ssyncset.done $0x0  }
0xaf: {  	[sflag:s20] =	ssyncadd.s32 $0xFFFFC000  }
0xb0: {  	[spmem:s2] =	stream.indirect.scatter.add.f32 [tilespmem:s14], [sflag:$0x3], $0x80, s25, s21, $0xb8;
	[tilespmem:$0x1E400] =	vst v63  }
0xb1: {  	_ =	swait.ge [sflag:s15], $0x4000  }
0xb2: {  	[sflag:s15] =	ssyncset.done $0x0  }
0xb3: {  	[sflag:s15] =	ssyncadd.s32 $0xFFFFC000  }
0xb4: {  	_ =	swait.ge [sflag:s22], $0x4000  }
0xb5: {  	[sflag:s22] =	ssyncset.done $0x0  }
.Ltmp4:
0xb6: {  	s28 =	simm.s32 $0x2780;
	[sflag:s22] =	ssyncadd.s32 $0xFFFFC000;
	(pc) =	sbr.rel @p0 .LBB2_9-.Ltmp4, $4  }
0xb7: {  	[spmem:s2] =	stream.indirect.scatter.add.f32 [tilespmem:s18], [sflag:$0x3], $0x80, s28, s21, $0xb8;
	[tilespmem:$0x1E400] =	vst v63  }
0xb8: {  	_ =	swait.ge [sflag:s15], $0x4000  }
0xb9: {  	[sflag:s15] =	ssyncset.done $0x0  }
0xba: {  	s1 =	simm.s32 $0x0;
	[sflag:s15] =	ssyncadd.s32 $0xFFFFC000  }
0xbb: {  	[tilespmem:s1], [sflag:$0x3] =	stream.linear.gather [hbm4b:s11+s1], $0x2700, $0x38;
	[tilespmem:$0x1E400] =	vst v63  }
0xbc: {  	_ =	swait.ge [sflag:s15], $0x2700  }
0xbd: {  	[sflag:s15] =	ssyncset.done $0x0  }
0xbe: {  	[sflag:s15] =	ssyncadd.s32 $0xFFFFD900  }
0xbf: {  	[tilespmem:s14], [sflag:$0x1] =	stream.indirect.gather [hbm4b:s4+s16], $0x80, s1, s16, $0xb8;
	[tilespmem:$0x1E400] =	vst v63  }
0xc0: {  	_ = 	snop  }
0xc1: {  	[tilespmem:s17], [sflag:$0x1] =	stream.indirect.gather [hbm4b:s4+s16], $0x80, s16, s16, $0xb8;
	[tilespmem:$0x1E400] =	vst v63  }
0xc2: {  	s26 =	simm.s32 $0x100  }
0xc3: {  	[tilespmem:s18], [sflag:$0x2] =	stream.indirect.gather [hbm4b:s4+s16], $0x80, s26, s16, $0xb8;
	[tilespmem:$0x1E400] =	vst v63  }
0xc4: {  	s28 =	simm.s32 $0x140  }
0xc5: {  	[tilespmem:s19], [sflag:$0x2] =	stream.indirect.gather [hbm4b:s4+s16], $0x80, s28, s16, $0xb8;
	[tilespmem:$0x1E400] =	vst v63  }
0xc6: {  	_ =	swait.ge [sflag:s20], $0x4000  }
0xc7: {  	[sflag:s20] =	ssyncset.done $0x0  }
0xc8: {  	s23 =	simm.s32 $0x80;
	[sflag:s20] =	ssyncadd.s32 $0xFFFFC000  }
0xc9: {  	[spmem:s2] =	stream.indirect.scatter.add.f32 [tilespmem:s14], [sflag:$0x3], $0x80, s23, s21, $0xb8;
	[tilespmem:$0x1E400] =	vst v63  }
0xca: {  	_ =	swait.ge [sflag:s15], $0x4000  }
0xcb: {  	[sflag:s15] =	ssyncset.done $0x0  }
0xcc: {  	s24 =	simm.s32 $0x200;
	[sflag:s15] =	ssyncadd.s32 $0xFFFFC000  }
0xcd: {  	[tilespmem:s14], [sflag:$0x1] =	stream.indirect.gather [hbm4b:s4+s16], $0x80, s24, s16, $0xb8;
	[tilespmem:$0x1E400] =	vst v63  }
0xce: {  	s26 =	simm.s32 $0x240  }
0xcf: {  	[tilespmem:s17], [sflag:$0x1] =	stream.indirect.gather [hbm4b:s4+s16], $0x80, s26, s16, $0xb8;
	[tilespmem:$0x1E400] =	vst v63  }
0xd0: {  	_ =	swait.ge [sflag:s22], $0x4000  }
0xd1: {  	[sflag:s22] =	ssyncset.done $0x0  }
0xd2: {  	s28 =	simm.s32 $0x180;
	[sflag:s22] =	ssyncadd.s32 $0xFFFFC000  }
0xd3: {  	[spmem:s2] =	stream.indirect.scatter.add.f32 [tilespmem:s18], [sflag:$0x3], $0x80, s28, s21, $0xb8;
	[tilespmem:$0x1E400] =	vst v63  }
0xd4: {  	_ =	swait.ge [sflag:s15], $0x4000  }
0xd5: {  	s1 =	simm.s32 $0x200;
	s23 =	simm.s32 $0x1000;
	[sflag:s15] =	ssyncset.done $0x0  }
.LBB2_7:
0xd6: {  	s24 =	sadd.s32 $0x100, s1  }
0xd7: {  	[sflag:s15] =	ssyncadd.s32 $0xFFFFC000;
	s26 =	smov.u32 s23;
	s28 =	sadd.s32 $0x800, s23  }
0xd8: {  	[tilespmem:s18], [sflag:$0x2] =	stream.indirect.gather [hbm4b:s4+s16], $0x80, s24, s16, $0xb8;
	[tilespmem:$0x1E400] =	vst v63  }
0xd9: {  	p1 =	sne.s32 s23, $0x8800;
	s23 =	sadd.s32 $0x140, s1  }
0xda: {  	[tilespmem:s19], [sflag:$0x2] =	stream.indirect.gather [hbm4b:s4+s16], $0x80, s23, s16, $0xb8;
	[tilespmem:$0x1E400] =	vst v63  }
0xdb: {  	_ =	swait.ge [sflag:s20], $0x4000  }
0xdc: {  	[sflag:s20] =	ssyncset.done $0x0  }
0xdd: {  	s23 =	sadd.s32 $0x80, s1;
	[sflag:s20] =	ssyncadd.s32 $0xFFFFC000  }
0xde: {  	[spmem:s2] =	stream.indirect.scatter.add.f32 [tilespmem:s14], [sflag:$0x3], $0x80, s23, s21, $0xb8;
	[tilespmem:$0x1E400] =	vst v63  }
0xdf: {  	_ =	swait.ge [sflag:s15], $0x4000  }
0xe0: {  	[sflag:s15] =	ssyncset.done $0x0  }
0xe1: {  	s23 =	sadd.s32 $0x200, s1;
	[sflag:s15] =	ssyncadd.s32 $0xFFFFC000  }
0xe2: {  	[tilespmem:s14], [sflag:$0x1] =	stream.indirect.gather [hbm4b:s4+s16], $0x80, s23, s16, $0xb8;
	[tilespmem:$0x1E400] =	vst v63  }
0xe3: {  	s23 =	sadd.s32 $0x240, s1  }
0xe4: {  	[tilespmem:s17], [sflag:$0x1] =	stream.indirect.gather [hbm4b:s4+s16], $0x80, s23, s16, $0xb8;
	[tilespmem:$0x1E400] =	vst v63  }
0xe5: {  	_ =	swait.ge [sflag:s22], $0x4000  }
.Ltmp5:
0xe6: {  	[sflag:s22] =	ssyncset.done $0x0;
	(pc) =	sbr.rel @p1 .LBB2_7-.Ltmp5, $4  }
0xe7: {  	s1 =	sadd.s32 $0x180, s1;
	[sflag:s22] =	ssyncadd.s32 $0xFFFFC000  }
0xe8: {  	[spmem:s2] =	stream.indirect.scatter.add.f32 [tilespmem:s18], [sflag:$0x3], $0x80, s1, s21, $0xb8;
	[tilespmem:$0x1E400] =	vst v63  }
0xe9: {  	_ =	swait.ge [sflag:s15], $0x4000  }
0xea: {  	s23 =	smov.u32 s28;
	s1 =	sshra.s32 s26, $0x2;
	[sflag:s15] =	ssyncset.done $0x0  }
0xeb: {  	s23 =	sadd.s32 $0x100, s1;
	[sflag:s15] =	ssyncadd.s32 $0xFFFFC000  }
0xec: {  	[tilespmem:s18], [sflag:$0x2] =	stream.indirect.gather [hbm4b:s4+s16], $0x80, s23, s16, $0xb8;
	[tilespmem:$0x1E400] =	vst v63  }
0xed: {  	s28 =	sadd.s32 $0x140, s1  }
0xee: {  	[tilespmem:s19], [sflag:$0x2] =	stream.indirect.gather [hbm4b:s4+s16], $0x80, s28, s16, $0xb8;
	[tilespmem:$0x1E400] =	vst v63  }
0xef: {  	_ =	swait.ge [sflag:s20], $0x4000  }
0xf0: {  	[sflag:s20] =	ssyncset.done $0x0  }
0xf1: {  	s24 =	sadd.s32 $0x80, s1;
	[sflag:s20] =	ssyncadd.s32 $0xFFFFC000  }
0xf2: {  	[spmem:s2] =	stream.indirect.scatter.add.f32 [tilespmem:s14], [sflag:$0x3], $0x80, s24, s21, $0xb8;
	[tilespmem:$0x1E400] =	vst v63  }
0xf3: {  	_ =	swait.ge [sflag:s15], $0x4000  }
0xf4: {  	[sflag:s15] =	ssyncset.done $0x0  }
0xf5: {  	s26 =	sadd.s32 $0x200, s1;
	[sflag:s15] =	ssyncadd.s32 $0xFFFFC000  }
0xf6: {  	[tilespmem:s14], [sflag:$0x1] =	stream.indirect.gather [hbm4b:s4+s16], $0x80, s26, s16, $0xb8;
	[tilespmem:$0x1E400] =	vst v63  }
0xf7: {  	s28 =	sadd.s32 $0x240, s1  }
0xf8: {  	[tilespmem:s17], [sflag:$0x1] =	stream.indirect.gather [hbm4b:s4+s16], $0x80, s28, s16, $0xb8;
	[tilespmem:$0x1E400] =	vst v63  }
0xf9: {  	_ =	swait.ge [sflag:s22], $0x4000  }
0xfa: {  	[sflag:s22] =	ssyncset.done $0x0  }
0xfb: {  	s23 =	sadd.s32 $0x180, s1;
	[sflag:s22] =	ssyncadd.s32 $0xFFFFC000  }
0xfc: {  	[spmem:s2] =	stream.indirect.scatter.add.f32 [tilespmem:s18], [sflag:$0x3], $0x80, s23, s21, $0xb8;
	[tilespmem:$0x1E400] =	vst v63  }
0xfd: {  	_ =	swait.ge [sflag:s15], $0x4000  }
0xfe: {  	[sflag:s15] =	ssyncset.done $0x0  }
0xff: {  	s24 =	simm.s32 $0x2500;
	[sflag:s15] =	ssyncadd.s32 $0xFFFFC000  }
0x100: {  	[tilespmem:s18], [sflag:$0x2] =	stream.indirect.gather [hbm4b:s4+s16], $0x80, s24, s16, $0xb8;
	[tilespmem:$0x1E400] =	vst v63  }
0x101: {  	_ = 	snop  }
0x102: {  	[tilespmem:s19], [sflag:$0x2] =	stream.indirect.gather [hbm4b:s4+s16], $0x80, s29, s16, $0xb8;
	[tilespmem:$0x1E400] =	vst v63  }
0x103: {  	_ =	swait.ge [sflag:s20], $0x4000  }
0x104: {  	[sflag:s20] =	ssyncset.done $0x0  }
0x105: {  	[sflag:s20] =	ssyncadd.s32 $0xFFFFC000  }
0x106: {  	[spmem:s2] =	stream.indirect.scatter.add.f32 [tilespmem:s14], [sflag:$0x3], $0x80, s30, s21, $0xb8;
	[tilespmem:$0x1E400] =	vst v63  }
0x107: {  	_ =	swait.ge [sflag:s15], $0x4000  }
0x108: {  	[sflag:s15] =	ssyncset.done $0x0  }
0x109: {  	[sflag:s15] =	ssyncadd.s32 $0xFFFFC000  }
0x10a: {  	_ =	swait.ge [sflag:s22], $0x4000  }
0x10b: {  	[sflag:s22] =	ssyncset.done $0x0  }
0x10c: {  	[sflag:s22] =	ssyncadd.s32 $0xFFFFC000  }
0x10d: {  	[spmem:s2] =	stream.indirect.scatter.add.f32 [tilespmem:s18], [sflag:$0x3], $0x80, s31, s21, $0xb8;
	[tilespmem:$0x1E400] =	vst v63  }
0x10e: {  	_ =	swait.ge [sflag:s15], $0x4000  }
0x10f: {  	[sflag:s15] =	ssyncset.done $0x0  }
0x110: {  	s26 =	simm.s32 $0x2600;
	[sflag:s15] =	ssyncadd.s32 $0xFFFFC000  }
0x111: {  	[tilespmem:s14], [sflag:$0x1] =	stream.indirect.gather [hbm4b:s4+s16], $0x80, s26, s16, $0xb8;
	[tilespmem:$0x1E400] =	vst v63  }
0x112: {  	s28 =	simm.s32 $0x2640  }
0x113: {  	[tilespmem:s17], [sflag:$0x1] =	stream.indirect.gather [hbm4b:s4+s16], $0x80, s28, s16, $0xb8;
	[tilespmem:$0x1E400] =	vst v63  }
.Ltmp6:
0x114: {  	_ = 	snop;
	(pc) =	sbr.rel .LBB2_12-.Ltmp6, $4  }
0x115: {  	_ =	swait.ge [sflag:s20], $0x4000  }
0x116: {  	[sflag:s20] =	ssyncset.done $0x0  }
0x117: {  	[sflag:s20] =	ssyncadd.s32 $0xFFFFC000  }
0x118: {  	[spmem:s2] =	stream.indirect.scatter.add.f32 [tilespmem:s14], [sflag:$0x3], $0x80, s25, s21, $0xb8;
	[tilespmem:$0x1E400] =	vst v63  }
.LBB2_9:
0x119: {  	[tilespmem:s1], [sflag:$0x3] =	stream.linear.gather [hbm4b:s11+s1], $0x2600, $0x38;
	[tilespmem:$0x1E400] =	vst v63  }
0x11a: {  	_ =	swait.ge [sflag:s15], $0x2600  }
0x11b: {  	[sflag:s15] =	ssyncset.done $0x0  }
0x11c: {  	[sflag:s15] =	ssyncadd.s32 $0xFFFFDA00  }
0x11d: {  	[tilespmem:s14], [sflag:$0x1] =	stream.indirect.gather [hbm4b:s4+s16], $0x80, s1, s16, $0xb8;
	[tilespmem:$0x1E400] =	vst v63  }
0x11e: {  	_ = 	snop  }
0x11f: {  	[tilespmem:s17], [sflag:$0x1] =	stream.indirect.gather [hbm4b:s4+s16], $0x80, s16, s16, $0xb8;
	[tilespmem:$0x1E400] =	vst v63  }
0x120: {  	s26 =	simm.s32 $0x100  }
0x121: {  	[tilespmem:s18], [sflag:$0x2] =	stream.indirect.gather [hbm4b:s4+s16], $0x80, s26, s16, $0xb8;
	[tilespmem:$0x1E400] =	vst v63  }
0x122: {  	s28 =	simm.s32 $0x140  }
0x123: {  	[tilespmem:s19], [sflag:$0x2] =	stream.indirect.gather [hbm4b:s4+s16], $0x80, s28, s16, $0xb8;
	[tilespmem:$0x1E400] =	vst v63  }
0x124: {  	_ =	swait.ge [sflag:s20], $0x4000  }
0x125: {  	[sflag:s20] =	ssyncset.done $0x0  }
0x126: {  	s23 =	simm.s32 $0x80;
	[sflag:s20] =	ssyncadd.s32 $0xFFFFC000  }
0x127: {  	[spmem:s2] =	stream.indirect.scatter.add.f32 [tilespmem:s14], [sflag:$0x3], $0x80, s23, s21, $0xb8;
	[tilespmem:$0x1E400] =	vst v63  }
0x128: {  	_ =	swait.ge [sflag:s15], $0x4000  }
0x129: {  	[sflag:s15] =	ssyncset.done $0x0  }
0x12a: {  	s24 =	simm.s32 $0x200;
	[sflag:s15] =	ssyncadd.s32 $0xFFFFC000  }
0x12b: {  	[tilespmem:s14], [sflag:$0x1] =	stream.indirect.gather [hbm4b:s4+s16], $0x80, s24, s16, $0xb8;
	[tilespmem:$0x1E400] =	vst v63  }
0x12c: {  	s26 =	simm.s32 $0x240  }
0x12d: {  	[tilespmem:s17], [sflag:$0x1] =	stream.indirect.gather [hbm4b:s4+s16], $0x80, s26, s16, $0xb8;
	[tilespmem:$0x1E400] =	vst v63  }
0x12e: {  	_ =	swait.ge [sflag:s22], $0x4000  }
0x12f: {  	[sflag:s22] =	ssyncset.done $0x0  }
0x130: {  	s28 =	simm.s32 $0x180;
	[sflag:s22] =	ssyncadd.s32 $0xFFFFC000  }
0x131: {  	[spmem:s2] =	stream.indirect.scatter.add.f32 [tilespmem:s18], [sflag:$0x3], $0x80, s28, s21, $0xb8;
	[tilespmem:$0x1E400] =	vst v63  }
0x132: {  	_ =	swait.ge [sflag:s15], $0x4000  }
0x133: {  	s1 =	simm.s32 $0x200;
	s23 =	simm.s32 $0x1000;
	[sflag:s15] =	ssyncset.done $0x0  }
.LBB2_10:
0x134: {  	s24 =	sadd.s32 $0x100, s1  }
0x135: {  	[sflag:s15] =	ssyncadd.s32 $0xFFFFC000;
	s26 =	smov.u32 s23;
	s28 =	sadd.s32 $0x800, s23  }
0x136: {  	[tilespmem:s18], [sflag:$0x2] =	stream.indirect.gather [hbm4b:s4+s16], $0x80, s24, s16, $0xb8;
	[tilespmem:$0x1E400] =	vst v63  }
0x137: {  	p1 =	sne.s32 s23, $0x8800;
	s23 =	sadd.s32 $0x140, s1  }
0x138: {  	[tilespmem:s19], [sflag:$0x2] =	stream.indirect.gather [hbm4b:s4+s16], $0x80, s23, s16, $0xb8;
	[tilespmem:$0x1E400] =	vst v63  }
0x139: {  	_ =	swait.ge [sflag:s20], $0x4000  }
0x13a: {  	[sflag:s20] =	ssyncset.done $0x0  }
0x13b: {  	s23 =	sadd.s32 $0x80, s1;
	[sflag:s20] =	ssyncadd.s32 $0xFFFFC000  }
0x13c: {  	[spmem:s2] =	stream.indirect.scatter.add.f32 [tilespmem:s14], [sflag:$0x3], $0x80, s23, s21, $0xb8;
	[tilespmem:$0x1E400] =	vst v63  }
0x13d: {  	_ =	swait.ge [sflag:s15], $0x4000  }
0x13e: {  	[sflag:s15] =	ssyncset.done $0x0  }
0x13f: {  	s23 =	sadd.s32 $0x200, s1;
	[sflag:s15] =	ssyncadd.s32 $0xFFFFC000  }
0x140: {  	[tilespmem:s14], [sflag:$0x1] =	stream.indirect.gather [hbm4b:s4+s16], $0x80, s23, s16, $0xb8;
	[tilespmem:$0x1E400] =	vst v63  }
0x141: {  	s23 =	sadd.s32 $0x240, s1  }
0x142: {  	[tilespmem:s17], [sflag:$0x1] =	stream.indirect.gather [hbm4b:s4+s16], $0x80, s23, s16, $0xb8;
	[tilespmem:$0x1E400] =	vst v63  }
0x143: {  	_ =	swait.ge [sflag:s22], $0x4000  }
.Ltmp7:
0x144: {  	[sflag:s22] =	ssyncset.done $0x0;
	(pc) =	sbr.rel @p1 .LBB2_10-.Ltmp7, $4  }
0x145: {  	s1 =	sadd.s32 $0x180, s1;
	[sflag:s22] =	ssyncadd.s32 $0xFFFFC000  }
0x146: {  	[spmem:s2] =	stream.indirect.scatter.add.f32 [tilespmem:s18], [sflag:$0x3], $0x80, s1, s21, $0xb8;
	[tilespmem:$0x1E400] =	vst v63  }
0x147: {  	_ =	swait.ge [sflag:s15], $0x4000  }
0x148: {  	s23 =	smov.u32 s28;
	s1 =	sshra.s32 s26, $0x2;
	[sflag:s15] =	ssyncset.done $0x0  }
.Ltmp8:
0x149: {  	_ = 	snop;
	(pc) =	sbr.rel .LBB2_11-.Ltmp8, $1  }
0x14a: {  	_ =	sdelay $0x3  }
.LBB2_13:
0x14b: {  	_ =	sfence.sel $0x180000  }
0x14c: {  	[bflag:$0x0] =	sbarrier.arrive $0xFFFF  }
0x14d: {  	_ =	strace $0x9000004A  }
0x14e: {  	[bflag:$0x2] =	sbarrier.arrive $0xFFFF  }
0x14f: {  	p0 =	sne.s32 s0, $0x0;
	s0 =	rddreg [dreg:$0x3]  }
0x150: {  	s0 =	sadd.s32 @!p0 $0x100000, s0  }
0x151: {  	[sflag:s0] =	ssyncadd.tile.s32 @!p0 $0x1;
	_ =	shalt  }
.Lfunc_end2:
_tile_overlayer_lowered:
.L_overlay_start_2:
0x152: {  	(tag) =	ssettag $0x2  }
0x153: {  	s0 =	rddreg [dreg:$0x0];
	s2 =	stileid.u32  }
0x154: {  	s1 =	rddreg [dreg:$0x1];
	p0 =	sne.s32 s2, $0x0  }
0x155: {  	s3 =	rddreg [dreg:$0x2];
	[bflag:$0x3] =	sbarrier.arrive $0xFFFF;
	s2 =	simm.s32 @!p0 $0x1C03  }
0x156: {  	[timem:s3], [sflag:s2] =	dma.local @!p0 [hbm:s0], s1  }
0x157: {  	s0 =	simm.s32 @!p0 $0x3  }
0x158: {  	_ =	swait.ge @!p0 [sflag:s0], s1  }
0x159: {  	s1 =	ssub.s32 @!p0 $0x0, s1;
	[sflag:s0] =	ssyncset.done @!p0 $0x0  }
0x15a: {  	[sflag:s0] =	ssyncadd.s32 @!p0 s1  }
0x15b: {  	[bflag:$0x3] =	sbarrier.arrive $0xFFFF  }
0x15c: {  	_ =	shalt  }

</sc_bundles>
